<compile_context>
chip_gen: v7x
topology: tpu7x:2x2x1
jax: 0.10.2.dev20260603
libtpu: 0.0.44.dev20260713+nightly
codegen_flags: <defaults>
</compile_context>

<pallas_src>
import functools

import jax
import jax.numpy as jnp
from jax import lax
from jax.experimental import pallas as pl
from jax.experimental.pallas import tpu as pltpu
from jax.experimental.pallas import tpu_sc as plsc

_NC = 2
_NS = 16
_NW = _NC * _NS

_B = 4096
_H = 200
_D = 32
_V = 1000000

_HB = 8
_BB = 128
_NBB = _B // _BB
_UPW = (_NBB * (_H // _HB)) // _NW
_C = 256
_NQ = _HB * _BB // _C


_NBLK = _V // 256
_BPW_A = -(-_NBLK // _NW)


@jax.jit
def _sc_transpose(Wt, tail16):
    mesh = plsc.VectorSubcoreMesh(core_axis_name="c", subcore_axis_name="s")

    @functools.partial(
        pl.kernel,
        mesh=mesh,
        out_type=jax.ShapeDtypeStruct((_V // 4, 128), jnp.float32),
        scratch_types=[
            [pltpu.VMEM((32, 256), jnp.float32) for _ in range(2)],
            [pltpu.VMEM((64, 128), jnp.float32) for _ in range(2)],
            [pltpu.SemaphoreType.DMA for _ in range(2)],
            [pltpu.SemaphoreType.DMA for _ in range(2)],
        ],
        compiler_params=pltpu.CompilerParams(needs_layout_passes=False),
    )
    def k(Wt_hbm, tail_hbm, out_hbm, wts, wrs, isems, osems):
        wid = lax.axis_index("s") * _NC + lax.axis_index("c")
        iota = lax.iota(jnp.int32, 16)
        c2base = (iota & 3) * _D

        def fetch(blk, b):
            pltpu.async_copy(
                Wt_hbm.at[:, pl.ds(blk * 256, 256)], wts[b], isems[b])

        def wait_fetch(b):
            pltpu.make_async_copy(
                Wt_hbm.at[:, pl.ds(0, 256)], wts[b], isems[b]).wait()

        def put(blk, b):
            pltpu.async_copy(
                wrs[b], out_hbm.at[pl.ds(blk * 64, 64), :], osems[b])

        def wait_put(b):
            pltpu.make_async_copy(
                wrs[b], out_hbm.at[pl.ds(0, 64), :], osems[b]).wait()

        for b in range(2):
            @pl.when(b * _NW + wid < _NBLK)
            def _():
                fetch(b * _NW + wid, b)

        def body(j, carry):
            for b in range(2):
                i = 2 * j + b
                blk = i * _NW + wid

                @pl.when(blk < _NBLK)
                def _():
                    wait_fetch(b)

                    @pl.when(j >= 1)
                    def _():
                        wait_put(b)

                    @plsc.parallel_loop(0, 16, unroll=16)
                    def _(cg):
                        r2 = cg * 4 + (iota >> 2)
                        vals = [wts[b][e, pl.ds(cg * 16, 16)]
                                for e in range(_D)]
                        for e in range(_D):
                            plsc.store_scatter(
                                wrs[b], [r2, c2base + e], vals[e])

                    put(blk, b)
                    nxt = blk + 2 * _NW

                    @pl.when(nxt < _NBLK)
                    def _():
                        fetch(nxt, b)
            return carry

        lax.fori_loop(0, (_BPW_A + 1) // 2, body, 0, unroll=False)
        for b in range(2):
            wait_put(b)

        @pl.when(wid == _NW - 1)
        def _():
            pltpu.sync_copy(tail_hbm, wts[0].at[pl.ds(0, 16), pl.ds(0, 128)])
            pltpu.sync_copy(wts[0].at[pl.ds(0, 16), pl.ds(0, 128)],
                            out_hbm.at[pl.ds(_V // 4 - 16, 16), :])

    return k(Wt, tail16)


@jax.jit
def _sc_embed(xT, table2):
    mesh = plsc.VectorSubcoreMesh(core_axis_name="c", subcore_axis_name="s")

    @functools.partial(
        pl.kernel,
        mesh=mesh,
        out_type=jax.ShapeDtypeStruct((_H, _D, _B), jnp.float32),
        scratch_types=[
            pltpu.VMEM((_HB, _BB), jnp.int32),
            [pltpu.VMEM((_C,), jnp.int32) for _ in range(2)],
            [pltpu.VMEM((_C,), jnp.int32) for _ in range(2)],
            [pltpu.VMEM((_C, 128), jnp.float32) for _ in range(2)],
            [pltpu.VMEM((_C // 128, 8, _BB), jnp.float32) for _ in range(8)],
            [pltpu.SemaphoreType.DMA for _ in range(2)],
            [pltpu.SemaphoreType.DMA for _ in range(2)],
        ],
        compiler_params=pltpu.CompilerParams(needs_layout_passes=False),
    )
    def k(xT_hbm, tab_hbm, out_hbm, xt_v, q_v, a_v, rows, ots, gsems, ssems):
        wid = lax.axis_index("s") * _NC + lax.axis_index("c")
        iota = lax.iota(jnp.int32, 16)

        def drain_stores(b):
            for _ in range(8):
                pltpu.make_async_copy(
                    ots[0].at[0],
                    out_hbm.at[0, pl.ds(0, 8), pl.ds(0, _BB)],
                    ssems[b]).wait()

        def unit_body(uu, carry):
            u = uu * _NW + wid
            b0 = (u % _NBB) * _BB
            h0 = (u // _NBB) * _HB
            pltpu.sync_copy(
                xT_hbm.at[pl.ds(h0, _HB), pl.ds(b0, _BB)], xt_v)

            def build_qa(qq, b):
                for g in range(_C // 16):
                    v = xt_v[qq * 2 + g // 8, pl.ds((g % 8) * 16, 16)]
                    q_v[b][pl.ds(g * 16, 16)] = v >> 2
                    a_v[b][pl.ds(g * 16, 16)] = v & 3

            def gather_q(b):
                return pltpu.async_copy(
                    tab_hbm.at[q_v[b]], rows[b], gsems[b])

            build_qa(0, 0)
            build_qa(1, 1)
            gathers = [gather_q(0), gather_q(1)]
            for qq in range(_NQ):
                b = qq % 2
                gathers[qq].wait()
                if qq < 2:
                    @pl.when(uu != 0)
                    def _():
                        drain_stores(b)
                else:
                    drain_stores(b)

                @plsc.parallel_loop(0, _C // 16, unroll=16)
                def _(j16):
                    ridx = j16 * 16 + iota
                    a16 = a_v[b][pl.ds(j16 * 16, 16)]
                    cbase = a16 * _D
                    hh = j16 >> 3
                    cg16 = (j16 & 7) * 16
                    vals = [plsc.load_gather(rows[b], [ridx, cbase + e])
                            for e in range(_D)]
                    for e in range(_D):
                        ots[b * 4 + (e >> 3)][hh, e & 7,
                                              pl.ds(cg16, 16)] = vals[e]

                for hh in range(2):
                    for t0 in range(4):
                        pltpu.async_copy(
                            ots[b * 4 + t0].at[hh],
                            out_hbm.at[h0 + qq * 2 + hh, pl.ds(t0 * 8, 8),
                                       pl.ds(b0, _BB)],
                            ssems[b])
                nxt = qq + 2
                if nxt < _NQ:
                    build_qa(nxt, b)
                    gathers.append(gather_q(b))
            return carry

        lax.fori_loop(0, _UPW, unit_body, 0, unroll=False)
        for b in range(2):
            drain_stores(b)

    return k(xT, table2)


def kernel(x, W):
    xT = x.T.astype(jnp.int32)
    tail16 = lax.slice(W, (_V - 64, 0), (_V, _D)).reshape(16, 128)
    table2 = _sc_transpose(W.T, tail16)
    outT = _sc_embed(xT, table2)
    return outT.transpose(2, 0, 1)

# --- scband reference (transcript-rebuilt; emitter-appended) ---
"""Pipeline reference for scband-embedding-1752346656949 (READ-ONLY COPY).

The authoritative reference and input builder live on the scoring server;
editing this copy changes nothing except your own understanding.
"""

import jax, jax.numpy as jnp
import numpy as np

VOCAB = 1000000
EMBED = 32
BATCH = 4096
HIST = 200

def setup_inputs(seed: int = 0) -> dict:
    key = jax.random.key(seed)
    k1, k2 = jax.random.split(key)
    x = jax.random.randint(k1, (BATCH, HIST), 0, VOCAB, dtype=jnp.int64 if jax.config.jax_enable_x64 else jnp.int32)
    stdv = 1.0 / np.sqrt(EMBED)
    W = jax.random.uniform(k2, (VOCAB, EMBED), minval=-stdv, maxval=stdv, dtype=jnp.float32)
    return {"x": x, "W": W}

def reference(x, W):
    # Embedding.forward: embeded = self.W[x]; scale_embedding=False so no scaling
    embeded = jnp.take(W, x, axis=0)
    return embeded

if __name__ == "__main__":
    import jax
    _d = setup_inputs()
    print(jax.jit(kernel)(*tuple(_d.values())))

</pallas_src>

<mosaic_0001>
#map = affine_map<(d0, d1) -> (0, 0)>
module attributes {stable_mosaic.version = 14 : i64} {
  func.func @k(%arg0: i32, %arg1: i32, %arg2: memref<32x1000000xf32, #tpu.memory_space<hbm>>, %arg3: memref<16x128xf32, #tpu.memory_space<hbm>>, %arg4: memref<250000x128xf32, #tpu.memory_space<hbm>>, %arg5: memref<32x256xf32, #tpu.memory_space<vmem>>, %arg6: memref<32x256xf32, #tpu.memory_space<vmem>>, %arg7: memref<64x128xf32, #tpu.memory_space<vmem>>, %arg8: memref<64x128xf32, #tpu.memory_space<vmem>>, %arg9: memref<!tpu.dma_semaphore, #tpu.memory_space<semaphore_mem>>, %arg10: memref<!tpu.dma_semaphore, #tpu.memory_space<semaphore_mem>>, %arg11: memref<!tpu.dma_semaphore, #tpu.memory_space<semaphore_mem>>, %arg12: memref<!tpu.dma_semaphore, #tpu.memory_space<semaphore_mem>>) attributes {dimension_semantics = [#tpu.dimension_semantics<core_parallel>, #tpu.dimension_semantics<subcore_parallel>], iteration_bounds = array<i64: 2, 16>, scalar_prefetch = 0 : i64, scratch_operands = 8 : i64, tpu.core_type = #tpu.core_type<sc_vector_subcore>, window_params = [{transform_indices = #map}, {transform_indices = #map}, {transform_indices = #map}]} {
    %mul3A = arith.constant 2 : i32
    %mul3A_0 = arith.muli %arg1, %mul3A : i32
    %add3A = arith.addi %mul3A_0, %arg0 : i32
    %iota3A = tpu.iota {dimensions = array<i32: 0>} : vector<16xi32>
    %and3A = arith.constant 3 : i32
    %and3A_1 = vector.broadcast %and3A : i32 to vector<16xi32>
    %and3A_2 = arith.andi %iota3A, %and3A_1 : vector<16xi32>
    %mul3A_3 = arith.constant 32 : i32
    %mul3A_4 = vector.broadcast %mul3A_3 : i32 to vector<16xi32>
    %mul3A_5 = arith.muli %and3A_2, %mul3A_4 : vector<16xi32>
    %add3A_6 = arith.constant 0 : i32
    %add3A_7 = arith.addi %add3A_6, %add3A : i32
    %lt3A = arith.constant 3906 : i32
    %lt3A_8 = arith.cmpi slt, %add3A_7, %lt3A : i32
    %convert_element_type3A = arith.extui %lt3A_8 : i1 to i32
    %cond3A = arith.constant 0 : i32
    %cond3A_9 = arith.cmpi ne, %convert_element_type3A, %cond3A : i32
    scf.if %cond3A_9 {
      %add3A_37 = arith.constant 0 : i32
      %add3A_38 = arith.addi %add3A_37, %add3A : i32
      %mul3A_39 = arith.constant 256 : i32
      %mul3A_40 = arith.muli %add3A_38, %mul3A_39 : i32
      %dma_start3A = arith.constant 0 : i32
      %dma_start3A_41 = tpu.memref_slice %arg2[%dma_start3A, %mul3A_40] : memref<32x1000000xf32, #tpu.memory_space<hbm>> -> memref<32x256xf32, #tpu.memory_space<hbm>>
      %dma_start3A_42 = arith.constant 0 : i32
      %dma_start3A_43 = tpu.memref_slice %arg2[%dma_start3A_42, %mul3A_40] : memref<32x1000000xf32, #tpu.memory_space<hbm>> -> memref<32x256xf32, #tpu.memory_space<hbm>>
      tpu.enqueue_dma source(%dma_start3A_43 : memref<32x256xf32, #tpu.memory_space<hbm>>) target(%arg5 : memref<32x256xf32, #tpu.memory_space<vmem>>) target_semaphore(%arg9 : memref<!tpu.dma_semaphore, #tpu.memory_space<semaphore_mem>>)
    } else {
    }
    %add3A_10 = arith.constant 32 : i32
    %add3A_11 = arith.addi %add3A_10, %add3A : i32
    %lt3A_12 = arith.constant 3906 : i32
    %lt3A_13 = arith.cmpi slt, %add3A_11, %lt3A_12 : i32
    %convert_element_type3A_14 = arith.extui %lt3A_13 : i1 to i32
    %cond3A_15 = arith.constant 0 : i32
    %cond3A_16 = arith.cmpi ne, %convert_element_type3A_14, %cond3A_15 : i32
    scf.if %cond3A_16 {
      %add3A_37 = arith.constant 32 : i32
      %add3A_38 = arith.addi %add3A_37, %add3A : i32
      %mul3A_39 = arith.constant 256 : i32
      %mul3A_40 = arith.muli %add3A_38, %mul3A_39 : i32
      %dma_start3A = arith.constant 0 : i32
      %dma_start3A_41 = tpu.memref_slice %arg2[%dma_start3A, %mul3A_40] : memref<32x1000000xf32, #tpu.memory_space<hbm>> -> memref<32x256xf32, #tpu.memory_space<hbm>>
      %dma_start3A_42 = arith.constant 0 : i32
      %dma_start3A_43 = tpu.memref_slice %arg2[%dma_start3A_42, %mul3A_40] : memref<32x1000000xf32, #tpu.memory_space<hbm>> -> memref<32x256xf32, #tpu.memory_space<hbm>>
      tpu.enqueue_dma source(%dma_start3A_43 : memref<32x256xf32, #tpu.memory_space<hbm>>) target(%arg6 : memref<32x256xf32, #tpu.memory_space<vmem>>) target_semaphore(%arg10 : memref<!tpu.dma_semaphore, #tpu.memory_space<semaphore_mem>>)
    } else {
    }
    %scan3A = arith.constant 0 : i32
    %scan3A_17 = arith.constant 0 : i32
    %scan3A_18 = arith.constant 62 : i32
    %scan3A_19 = arith.addi %scan3A_17, %scan3A_18 : i32
    %scan3A_20 = arith.constant 1 : i32
    scf.for %scan3A_37 = %scan3A_17 to %scan3A_19 step %scan3A_20  : i32 {
      %mul3A_38 = arith.constant 2 : i32
      %mul3A_39 = arith.muli %mul3A_38, %scan3A_37 : i32
      %add3A_40 = arith.constant 0 : i32
      %add3A_41 = arith.addi %mul3A_39, %add3A_40 : i32
      %mul3A_42 = arith.constant 32 : i32
      %mul3A_43 = arith.muli %add3A_41, %mul3A_42 : i32
      %add3A_44 = arith.addi %mul3A_43, %add3A : i32
      %lt3A_45 = arith.constant 3906 : i32
      %lt3A_46 = arith.cmpi slt, %add3A_44, %lt3A_45 : i32
      %convert_element_type3A_47 = arith.extui %lt3A_46 : i1 to i32
      %cond3A_48 = arith.constant 0 : i32
      %cond3A_49 = arith.cmpi ne, %convert_element_type3A_47, %cond3A_48 : i32
      scf.if %cond3A_49 {
        %dma_wait3A_62 = arith.constant 0 : i32
        %dma_wait3A_63 = arith.constant 0 : i32
        %dma_wait3A_64 = tpu.memref_slice %arg2[%dma_wait3A_62, %dma_wait3A_63] : memref<32x1000000xf32, #tpu.memory_space<hbm>> -> memref<32x256xf32, #tpu.memory_space<hbm>>
        %dma_wait3A_65 = arith.constant 0 : i32
        %dma_wait3A_66 = arith.constant 0 : i32
        %dma_wait3A_67 = tpu.memref_slice %arg2[%dma_wait3A_65, %dma_wait3A_66] : memref<32x1000000xf32, #tpu.memory_space<hbm>> -> memref<32x256xf32, #tpu.memory_space<hbm>>
        tpu.wait_dma2 semaphore(%arg9 : memref<!tpu.dma_semaphore, #tpu.memory_space<semaphore_mem>>) src(%dma_wait3A_67 : memref<32x256xf32, #tpu.memory_space<hbm>>) dst(%arg5 : memref<32x256xf32, #tpu.memory_space<vmem>>)
        %ge3A = arith.constant 1 : i32
        %ge3A_68 = arith.cmpi sge, %scan3A_37, %ge3A : i32
        %convert_element_type3A_69 = arith.extui %ge3A_68 : i1 to i32
        %cond3A_70 = arith.constant 0 : i32
        %cond3A_71 = arith.cmpi ne, %convert_element_type3A_69, %cond3A_70 : i32
        scf.if %cond3A_71 {
          %dma_wait3A_86 = arith.constant 0 : i32
          %dma_wait3A_87 = arith.constant 0 : i32
          %dma_wait3A_88 = tpu.memref_slice %arg4[%dma_wait3A_86, %dma_wait3A_87] : memref<250000x128xf32, #tpu.memory_space<hbm>> -> memref<64x128xf32, #tpu.memory_space<hbm>>
          %dma_wait3A_89 = arith.constant 0 : i32
          %dma_wait3A_90 = arith.constant 0 : i32
          %dma_wait3A_91 = tpu.memref_slice %arg4[%dma_wait3A_89, %dma_wait3A_90] : memref<250000x128xf32, #tpu.memory_space<hbm>> -> memref<64x128xf32, #tpu.memory_space<hbm>>
          tpu.wait_dma2 semaphore(%arg11 : memref<!tpu.dma_semaphore, #tpu.memory_space<semaphore_mem>>) src(%arg7 : memref<64x128xf32, #tpu.memory_space<vmem>>) dst(%dma_wait3A_91 : memref<64x128xf32, #tpu.memory_space<hbm>>)
        } else {
        }
        %parallel_loop3A = arith.constant 0 : i32
        %parallel_loop3A_72 = arith.constant 16 : i32
        %parallel_loop3A_73 = arith.constant 1 : i32
        scf.for %parallel_loop3A_86 = %parallel_loop3A to %parallel_loop3A_72 step %parallel_loop3A_73  : i32 {
          %parallel_loop3A_87 = arith.constant 4 : i32
          %parallel_loop3A_88 = arith.muli %parallel_loop3A_86, %parallel_loop3A_87 : i32
          %parallel_loop3A_89 = arith.constant 2 : i32
          %parallel_loop3A_90 = vector.broadcast %parallel_loop3A_89 : i32 to vector<16xi32>
          %parallel_loop3A_91 = arith.shrsi %iota3A, %parallel_loop3A_90 : vector<16xi32>
          %parallel_loop3A_92 = vector.broadcast %parallel_loop3A_88 : i32 to vector<16xi32>
          %parallel_loop3A_93 = arith.addi %parallel_loop3A_92, %parallel_loop3A_91 : vector<16xi32>
          %parallel_loop3A_94 = arith.constant 16 : i32
          %parallel_loop3A_95 = arith.muli %parallel_loop3A_86, %parallel_loop3A_94 : i32
          %parallel_loop3A_96 = arith.constant 0 : i32
          %parallel_loop3A_97 = arith.index_cast %parallel_loop3A_96 : i32 to index
          %parallel_loop3A_98 = arith.index_cast %parallel_loop3A_95 : i32 to index
          %parallel_loop3A_99 = tpu.vector_load %arg5[%parallel_loop3A_97, %parallel_loop3A_98] {strides = array<i32>} : memref<32x256xf32, #tpu.memory_space<vmem>>, vector<16xf32>,
          %parallel_loop3A_100 = arith.constant 16 : i32
          %parallel_loop3A_101 = arith.muli %parallel_loop3A_86, %parallel_loop3A_100 : i32
          %parallel_loop3A_102 = arith.constant 1 : i32
          %parallel_loop3A_103 = arith.index_cast %parallel_loop3A_102 : i32 to index
          %parallel_loop3A_104 = arith.index_cast %parallel_loop3A_101 : i32 to index
          %parallel_loop3A_105 = tpu.vector_load %arg5[%parallel_loop3A_103, %parallel_loop3A_104] {strides = array<i32>} : memref<32x256xf32, #tpu.memory_space<vmem>>, vector<16xf32>,
          %parallel_loop3A_106 = arith.constant 16 : i32
          %parallel_loop3A_107 = arith.muli %parallel_loop3A_86, %parallel_loop3A_106 : i32
          %parallel_loop3A_108 = arith.constant 2 : i32
          %parallel_loop3A_109 = arith.index_cast %parallel_loop3A_108 : i32 to index
          %parallel_loop3A_110 = arith.index_cast %parallel_loop3A_107 : i32 to index
          %parallel_loop3A_111 = tpu.vector_load %arg5[%parallel_loop3A_109, %parallel_loop3A_110] {strides = array<i32>} : memref<32x256xf32, #tpu.memory_space<vmem>>, vector<16xf32>,
          %parallel_loop3A_112 = arith.constant 16 : i32
          %parallel_loop3A_113 = arith.muli %parallel_loop3A_86, %parallel_loop3A_112 : i32
          %parallel_loop3A_114 = arith.constant 3 : i32
          %parallel_loop3A_115 = arith.index_cast %parallel_loop3A_114 : i32 to index
          %parallel_loop3A_116 = arith.index_cast %parallel_loop3A_113 : i32 to index
          %parallel_loop3A_117 = tpu.vector_load %arg5[%parallel_loop3A_115, %parallel_loop3A_116] {strides = array<i32>} : memref<32x256xf32, #tpu.memory_space<vmem>>, vector<16xf32>,
          %parallel_loop3A_118 = arith.constant 16 : i32
          %parallel_loop3A_119 = arith.muli %parallel_loop3A_86, %parallel_loop3A_118 : i32
          %parallel_loop3A_120 = arith.constant 4 : i32
          %parallel_loop3A_121 = arith.index_cast %parallel_loop3A_120 : i32 to index
          %parallel_loop3A_122 = arith.index_cast %parallel_loop3A_119 : i32 to index
          %parallel_loop3A_123 = tpu.vector_load %arg5[%parallel_loop3A_121, %parallel_loop3A_122] {strides = array<i32>} : memref<32x256xf32, #tpu.memory_space<vmem>>, vector<16xf32>,
          %parallel_loop3A_124 = arith.constant 16 : i32
          %parallel_loop3A_125 = arith.muli %parallel_loop3A_86, %parallel_loop3A_124 : i32
          %parallel_loop3A_126 = arith.constant 5 : i32
          %parallel_loop3A_127 = arith.index_cast %parallel_loop3A_126 : i32 to index
          %parallel_loop3A_128 = arith.index_cast %parallel_loop3A_125 : i32 to index
          %parallel_loop3A_129 = tpu.vector_load %arg5[%parallel_loop3A_127, %parallel_loop3A_128] {strides = array<i32>} : memref<32x256xf32, #tpu.memory_space<vmem>>, vector<16xf32>,
          %parallel_loop3A_130 = arith.constant 16 : i32
          %parallel_loop3A_131 = arith.muli %parallel_loop3A_86, %parallel_loop3A_130 : i32
          %parallel_loop3A_132 = arith.constant 6 : i32
          %parallel_loop3A_133 = arith.index_cast %parallel_loop3A_132 : i32 to index
          %parallel_loop3A_134 = arith.index_cast %parallel_loop3A_131 : i32 to index
          %parallel_loop3A_135 = tpu.vector_load %arg5[%parallel_loop3A_133, %parallel_loop3A_134] {strides = array<i32>} : memref<32x256xf32, #tpu.memory_space<vmem>>, vector<16xf32>,
          %parallel_loop3A_136 = arith.constant 16 : i32
          %parallel_loop3A_137 = arith.muli %parallel_loop3A_86, %parallel_loop3A_136 : i32
          %parallel_loop3A_138 = arith.constant 7 : i32
          %parallel_loop3A_139 = arith.index_cast %parallel_loop3A_138 : i32 to index
          %parallel_loop3A_140 = arith.index_cast %parallel_loop3A_137 : i32 to index
          %parallel_loop3A_141 = tpu.vector_load %arg5[%parallel_loop3A_139, %parallel_loop3A_140] {strides = array<i32>} : memref<32x256xf32, #tpu.memory_space<vmem>>, vector<16xf32>,
          %parallel_loop3A_142 = arith.constant 16 : i32
          %parallel_loop3A_143 = arith.muli %parallel_loop3A_86, %parallel_loop3A_142 : i32
          %parallel_loop3A_144 = arith.constant 8 : i32
          %parallel_loop3A_145 = arith.index_cast %parallel_loop3A_144 : i32 to index
          %parallel_loop3A_146 = arith.index_cast %parallel_loop3A_143 : i32 to index
          %parallel_loop3A_147 = tpu.vector_load %arg5[%parallel_loop3A_145, %parallel_loop3A_146] {strides = array<i32>} : memref<32x256xf32, #tpu.memory_space<vmem>>, vector<16xf32>,
          %parallel_loop3A_148 = arith.constant 16 : i32
          %parallel_loop3A_149 = arith.muli %parallel_loop3A_86, %parallel_loop3A_148 : i32
          %parallel_loop3A_150 = arith.constant 9 : i32
          %parallel_loop3A_151 = arith.index_cast %parallel_loop3A_150 : i32 to index
          %parallel_loop3A_152 = arith.index_cast %parallel_loop3A_149 : i32 to index
          %parallel_loop3A_153 = tpu.vector_load %arg5[%parallel_loop3A_151, %parallel_loop3A_152] {strides = array<i32>} : memref<32x256xf32, #tpu.memory_space<vmem>>, vector<16xf32>,
          %parallel_loop3A_154 = arith.constant 16 : i32
          %parallel_loop3A_155 = arith.muli %parallel_loop3A_86, %parallel_loop3A_154 : i32
          %parallel_loop3A_156 = arith.constant 10 : i32
          %parallel_loop3A_157 = arith.index_cast %parallel_loop3A_156 : i32 to index
          %parallel_loop3A_158 = arith.index_cast %parallel_loop3A_155 : i32 to index
          %parallel_loop3A_159 = tpu.vector_load %arg5[%parallel_loop3A_157, %parallel_loop3A_158] {strides = array<i32>} : memref<32x256xf32, #tpu.memory_space<vmem>>, vector<16xf32>,
          %parallel_loop3A_160 = arith.constant 16 : i32
          %parallel_loop3A_161 = arith.muli %parallel_loop3A_86, %parallel_loop3A_160 : i32
          %parallel_loop3A_162 = arith.constant 11 : i32
          %parallel_loop3A_163 = arith.index_cast %parallel_loop3A_162 : i32 to index
          %parallel_loop3A_164 = arith.index_cast %parallel_loop3A_161 : i32 to index
          %parallel_loop3A_165 = tpu.vector_load %arg5[%parallel_loop3A_163, %parallel_loop3A_164] {strides = array<i32>} : memref<32x256xf32, #tpu.memory_space<vmem>>, vector<16xf32>,
          %parallel_loop3A_166 = arith.constant 16 : i32
          %parallel_loop3A_167 = arith.muli %parallel_loop3A_86, %parallel_loop3A_166 : i32
          %parallel_loop3A_168 = arith.constant 12 : i32
          %parallel_loop3A_169 = arith.index_cast %parallel_loop3A_168 : i32 to index
          %parallel_loop3A_170 = arith.index_cast %parallel_loop3A_167 : i32 to index
          %parallel_loop3A_171 = tpu.vector_load %arg5[%parallel_loop3A_169, %parallel_loop3A_170] {strides = array<i32>} : memref<32x256xf32, #tpu.memory_space<vmem>>, vector<16xf32>,
          %parallel_loop3A_172 = arith.constant 16 : i32
          %parallel_loop3A_173 = arith.muli %parallel_loop3A_86, %parallel_loop3A_172 : i32
          %parallel_loop3A_174 = arith.constant 13 : i32
          %parallel_loop3A_175 = arith.index_cast %parallel_loop3A_174 : i32 to index
          %parallel_loop3A_176 = arith.index_cast %parallel_loop3A_173 : i32 to index
          %parallel_loop3A_177 = tpu.vector_load %arg5[%parallel_loop3A_175, %parallel_loop3A_176] {strides = array<i32>} : memref<32x256xf32, #tpu.memory_space<vmem>>, vector<16xf32>,
          %parallel_loop3A_178 = arith.constant 16 : i32
          %parallel_loop3A_179 = arith.muli %parallel_loop3A_86, %parallel_loop3A_178 : i32
          %parallel_loop3A_180 = arith.constant 14 : i32
          %parallel_loop3A_181 = arith.index_cast %parallel_loop3A_180 : i32 to index
          %parallel_loop3A_182 = arith.index_cast %parallel_loop3A_179 : i32 to index
          %parallel_loop3A_183 = tpu.vector_load %arg5[%parallel_loop3A_181, %parallel_loop3A_182] {strides = array<i32>} : memref<32x256xf32, #tpu.memory_space<vmem>>, vector<16xf32>,
          %parallel_loop3A_184 = arith.constant 16 : i32
          %parallel_loop3A_185 = arith.muli %parallel_loop3A_86, %parallel_loop3A_184 : i32
          %parallel_loop3A_186 = arith.constant 15 : i32
          %parallel_loop3A_187 = arith.index_cast %parallel_loop3A_186 : i32 to index
          %parallel_loop3A_188 = arith.index_cast %parallel_loop3A_185 : i32 to index
          %parallel_loop3A_189 = tpu.vector_load %arg5[%parallel_loop3A_187, %parallel_loop3A_188] {strides = array<i32>} : memref<32x256xf32, #tpu.memory_space<vmem>>, vector<16xf32>,
          %parallel_loop3A_190 = arith.constant 16 : i32
          %parallel_loop3A_191 = arith.muli %parallel_loop3A_86, %parallel_loop3A_190 : i32
          %parallel_loop3A_192 = arith.constant 16 : i32
          %parallel_loop3A_193 = arith.index_cast %parallel_loop3A_192 : i32 to index
          %parallel_loop3A_194 = arith.index_cast %parallel_loop3A_191 : i32 to index
          %parallel_loop3A_195 = tpu.vector_load %arg5[%parallel_loop3A_193, %parallel_loop3A_194] {strides = array<i32>} : memref<32x256xf32, #tpu.memory_space<vmem>>, vector<16xf32>,
          %parallel_loop3A_196 = arith.constant 16 : i32
          %parallel_loop3A_197 = arith.muli %parallel_loop3A_86, %parallel_loop3A_196 : i32
          %parallel_loop3A_198 = arith.constant 17 : i32
          %parallel_loop3A_199 = arith.index_cast %parallel_loop3A_198 : i32 to index
          %parallel_loop3A_200 = arith.index_cast %parallel_loop3A_197 : i32 to index
          %parallel_loop3A_201 = tpu.vector_load %arg5[%parallel_loop3A_199, %parallel_loop3A_200] {strides = array<i32>} : memref<32x256xf32, #tpu.memory_space<vmem>>, vector<16xf32>,
          %parallel_loop3A_202 = arith.constant 16 : i32
          %parallel_loop3A_203 = arith.muli %parallel_loop3A_86, %parallel_loop3A_202 : i32
          %parallel_loop3A_204 = arith.constant 18 : i32
          %parallel_loop3A_205 = arith.index_cast %parallel_loop3A_204 : i32 to index
          %parallel_loop3A_206 = arith.index_cast %parallel_loop3A_203 : i32 to index
          %parallel_loop3A_207 = tpu.vector_load %arg5[%parallel_loop3A_205, %parallel_loop3A_206] {strides = array<i32>} : memref<32x256xf32, #tpu.memory_space<vmem>>, vector<16xf32>,
          %parallel_loop3A_208 = arith.constant 16 : i32
          %parallel_loop3A_209 = arith.muli %parallel_loop3A_86, %parallel_loop3A_208 : i32
          %parallel_loop3A_210 = arith.constant 19 : i32
          %parallel_loop3A_211 = arith.index_cast %parallel_loop3A_210 : i32 to index
          %parallel_loop3A_212 = arith.index_cast %parallel_loop3A_209 : i32 to index
          %parallel_loop3A_213 = tpu.vector_load %arg5[%parallel_loop3A_211, %parallel_loop3A_212] {strides = array<i32>} : memref<32x256xf32, #tpu.memory_space<vmem>>, vector<16xf32>,
          %parallel_loop3A_214 = arith.constant 16 : i32
          %parallel_loop3A_215 = arith.muli %parallel_loop3A_86, %parallel_loop3A_214 : i32
          %parallel_loop3A_216 = arith.constant 20 : i32
          %parallel_loop3A_217 = arith.index_cast %parallel_loop3A_216 : i32 to index
          %parallel_loop3A_218 = arith.index_cast %parallel_loop3A_215 : i32 to index
          %parallel_loop3A_219 = tpu.vector_load %arg5[%parallel_loop3A_217, %parallel_loop3A_218] {strides = array<i32>} : memref<32x256xf32, #tpu.memory_space<vmem>>, vector<16xf32>,
          %parallel_loop3A_220 = arith.constant 16 : i32
          %parallel_loop3A_221 = arith.muli %parallel_loop3A_86, %parallel_loop3A_220 : i32
          %parallel_loop3A_222 = arith.constant 21 : i32
          %parallel_loop3A_223 = arith.index_cast %parallel_loop3A_222 : i32 to index
          %parallel_loop3A_224 = arith.index_cast %parallel_loop3A_221 : i32 to index
          %parallel_loop3A_225 = tpu.vector_load %arg5[%parallel_loop3A_223, %parallel_loop3A_224] {strides = array<i32>} : memref<32x256xf32, #tpu.memory_space<vmem>>, vector<16xf32>,
          %parallel_loop3A_226 = arith.constant 16 : i32
          %parallel_loop3A_227 = arith.muli %parallel_loop3A_86, %parallel_loop3A_226 : i32
          %parallel_loop3A_228 = arith.constant 22 : i32
          %parallel_loop3A_229 = arith.index_cast %parallel_loop3A_228 : i32 to index
          %parallel_loop3A_230 = arith.index_cast %parallel_loop3A_227 : i32 to index
          %parallel_loop3A_231 = tpu.vector_load %arg5[%parallel_loop3A_229, %parallel_loop3A_230] {strides = array<i32>} : memref<32x256xf32, #tpu.memory_space<vmem>>, vector<16xf32>,
          %parallel_loop3A_232 = arith.constant 16 : i32
          %parallel_loop3A_233 = arith.muli %parallel_loop3A_86, %parallel_loop3A_232 : i32
          %parallel_loop3A_234 = arith.constant 23 : i32
          %parallel_loop3A_235 = arith.index_cast %parallel_loop3A_234 : i32 to index
          %parallel_loop3A_236 = arith.index_cast %parallel_loop3A_233 : i32 to index
          %parallel_loop3A_237 = tpu.vector_load %arg5[%parallel_loop3A_235, %parallel_loop3A_236] {strides = array<i32>} : memref<32x256xf32, #tpu.memory_space<vmem>>, vector<16xf32>,
          %parallel_loop3A_238 = arith.constant 16 : i32
          %parallel_loop3A_239 = arith.muli %parallel_loop3A_86, %parallel_loop3A_238 : i32
          %parallel_loop3A_240 = arith.constant 24 : i32
          %parallel_loop3A_241 = arith.index_cast %parallel_loop3A_240 : i32 to index
          %parallel_loop3A_242 = arith.index_cast %parallel_loop3A_239 : i32 to index
          %parallel_loop3A_243 = tpu.vector_load %arg5[%parallel_loop3A_241, %parallel_loop3A_242] {strides = array<i32>} : memref<32x256xf32, #tpu.memory_space<vmem>>, vector<16xf32>,
          %parallel_loop3A_244 = arith.constant 16 : i32
          %parallel_loop3A_245 = arith.muli %parallel_loop3A_86, %parallel_loop3A_244 : i32
          %parallel_loop3A_246 = arith.constant 25 : i32
          %parallel_loop3A_247 = arith.index_cast %parallel_loop3A_246 : i32 to index
          %parallel_loop3A_248 = arith.index_cast %parallel_loop3A_245 : i32 to index
          %parallel_loop3A_249 = tpu.vector_load %arg5[%parallel_loop3A_247, %parallel_loop3A_248] {strides = array<i32>} : memref<32x256xf32, #tpu.memory_space<vmem>>, vector<16xf32>,
          %parallel_loop3A_250 = arith.constant 16 : i32
          %parallel_loop3A_251 = arith.muli %parallel_loop3A_86, %parallel_loop3A_250 : i32
          %parallel_loop3A_252 = arith.constant 26 : i32
          %parallel_loop3A_253 = arith.index_cast %parallel_loop3A_252 : i32 to index
          %parallel_loop3A_254 = arith.index_cast %parallel_loop3A_251 : i32 to index
          %parallel_loop3A_255 = tpu.vector_load %arg5[%parallel_loop3A_253, %parallel_loop3A_254] {strides = array<i32>} : memref<32x256xf32, #tpu.memory_space<vmem>>, vector<16xf32>,
          %parallel_loop3A_256 = arith.constant 16 : i32
          %parallel_loop3A_257 = arith.muli %parallel_loop3A_86, %parallel_loop3A_256 : i32
          %parallel_loop3A_258 = arith.constant 27 : i32
          %parallel_loop3A_259 = arith.index_cast %parallel_loop3A_258 : i32 to index
          %parallel_loop3A_260 = arith.index_cast %parallel_loop3A_257 : i32 to index
          %parallel_loop3A_261 = tpu.vector_load %arg5[%parallel_loop3A_259, %parallel_loop3A_260] {strides = array<i32>} : memref<32x256xf32, #tpu.memory_space<vmem>>, vector<16xf32>,
          %parallel_loop3A_262 = arith.constant 16 : i32
          %parallel_loop3A_263 = arith.muli %parallel_loop3A_86, %parallel_loop3A_262 : i32
          %parallel_loop3A_264 = arith.constant 28 : i32
          %parallel_loop3A_265 = arith.index_cast %parallel_loop3A_264 : i32 to index
          %parallel_loop3A_266 = arith.index_cast %parallel_loop3A_263 : i32 to index
          %parallel_loop3A_267 = tpu.vector_load %arg5[%parallel_loop3A_265, %parallel_loop3A_266] {strides = array<i32>} : memref<32x256xf32, #tpu.memory_space<vmem>>, vector<16xf32>,
          %parallel_loop3A_268 = arith.constant 16 : i32
          %parallel_loop3A_269 = arith.muli %parallel_loop3A_86, %parallel_loop3A_268 : i32
          %parallel_loop3A_270 = arith.constant 29 : i32
          %parallel_loop3A_271 = arith.index_cast %parallel_loop3A_270 : i32 to index
          %parallel_loop3A_272 = arith.index_cast %parallel_loop3A_269 : i32 to index
          %parallel_loop3A_273 = tpu.vector_load %arg5[%parallel_loop3A_271, %parallel_loop3A_272] {strides = array<i32>} : memref<32x256xf32, #tpu.memory_space<vmem>>, vector<16xf32>,
          %parallel_loop3A_274 = arith.constant 16 : i32
          %parallel_loop3A_275 = arith.muli %parallel_loop3A_86, %parallel_loop3A_274 : i32
          %parallel_loop3A_276 = arith.constant 30 : i32
          %parallel_loop3A_277 = arith.index_cast %parallel_loop3A_276 : i32 to index
          %parallel_loop3A_278 = arith.index_cast %parallel_loop3A_275 : i32 to index
          %parallel_loop3A_279 = tpu.vector_load %arg5[%parallel_loop3A_277, %parallel_loop3A_278] {strides = array<i32>} : memref<32x256xf32, #tpu.memory_space<vmem>>, vector<16xf32>,
          %parallel_loop3A_280 = arith.constant 16 : i32
          %parallel_loop3A_281 = arith.muli %parallel_loop3A_86, %parallel_loop3A_280 : i32
          %parallel_loop3A_282 = arith.constant 31 : i32
          %parallel_loop3A_283 = arith.index_cast %parallel_loop3A_282 : i32 to index
          %parallel_loop3A_284 = arith.index_cast %parallel_loop3A_281 : i32 to index
          %parallel_loop3A_285 = tpu.vector_load %arg5[%parallel_loop3A_283, %parallel_loop3A_284] {strides = array<i32>} : memref<32x256xf32, #tpu.memory_space<vmem>>, vector<16xf32>,
          %parallel_loop3A_286 = arith.constant 0 : i32
          %parallel_loop3A_287 = vector.broadcast %parallel_loop3A_286 : i32 to vector<16xi32>
          %parallel_loop3A_288 = arith.addi %mul3A_5, %parallel_loop3A_287 : vector<16xi32>
          tpu.vector_store_idx %arg7[%parallel_loop3A_93, %parallel_loop3A_288], %parallel_loop3A_99 : memref<64x128xf32, #tpu.memory_space<vmem>>[vector<16xi32>, vector<16xi32>], vector<16xf32>,
          %parallel_loop3A_289 = arith.constant 1 : i32
          %parallel_loop3A_290 = vector.broadcast %parallel_loop3A_289 : i32 to vector<16xi32>
          %parallel_loop3A_291 = arith.addi %mul3A_5, %parallel_loop3A_290 : vector<16xi32>
          tpu.vector_store_idx %arg7[%parallel_loop3A_93, %parallel_loop3A_291], %parallel_loop3A_105 : memref<64x128xf32, #tpu.memory_space<vmem>>[vector<16xi32>, vector<16xi32>], vector<16xf32>,
          %parallel_loop3A_292 = arith.constant 2 : i32
          %parallel_loop3A_293 = vector.broadcast %parallel_loop3A_292 : i32 to vector<16xi32>
          %parallel_loop3A_294 = arith.addi %mul3A_5, %parallel_loop3A_293 : vector<16xi32>
          tpu.vector_store_idx %arg7[%parallel_loop3A_93, %parallel_loop3A_294], %parallel_loop3A_111 : memref<64x128xf32, #tpu.memory_space<vmem>>[vector<16xi32>, vector<16xi32>], vector<16xf32>,
          %parallel_loop3A_295 = arith.constant 3 : i32
          %parallel_loop3A_296 = vector.broadcast %parallel_loop3A_295 : i32 to vector<16xi32>
          %parallel_loop3A_297 = arith.addi %mul3A_5, %parallel_loop3A_296 : vector<16xi32>
          tpu.vector_store_idx %arg7[%parallel_loop3A_93, %parallel_loop3A_297], %parallel_loop3A_117 : memref<64x128xf32, #tpu.memory_space<vmem>>[vector<16xi32>, vector<16xi32>], vector<16xf32>,
          %parallel_loop3A_298 = arith.constant 4 : i32
          %parallel_loop3A_299 = vector.broadcast %parallel_loop3A_298 : i32 to vector<16xi32>
          %parallel_loop3A_300 = arith.addi %mul3A_5, %parallel_loop3A_299 : vector<16xi32>
          tpu.vector_store_idx %arg7[%parallel_loop3A_93, %parallel_loop3A_300], %parallel_loop3A_123 : memref<64x128xf32, #tpu.memory_space<vmem>>[vector<16xi32>, vector<16xi32>], vector<16xf32>,
          %parallel_loop3A_301 = arith.constant 5 : i32
          %parallel_loop3A_302 = vector.broadcast %parallel_loop3A_301 : i32 to vector<16xi32>
          %parallel_loop3A_303 = arith.addi %mul3A_5, %parallel_loop3A_302 : vector<16xi32>
          tpu.vector_store_idx %arg7[%parallel_loop3A_93, %parallel_loop3A_303], %parallel_loop3A_129 : memref<64x128xf32, #tpu.memory_space<vmem>>[vector<16xi32>, vector<16xi32>], vector<16xf32>,
          %parallel_loop3A_304 = arith.constant 6 : i32
          %parallel_loop3A_305 = vector.broadcast %parallel_loop3A_304 : i32 to vector<16xi32>
          %parallel_loop3A_306 = arith.addi %mul3A_5, %parallel_loop3A_305 : vector<16xi32>
          tpu.vector_store_idx %arg7[%parallel_loop3A_93, %parallel_loop3A_306], %parallel_loop3A_135 : memref<64x128xf32, #tpu.memory_space<vmem>>[vector<16xi32>, vector<16xi32>], vector<16xf32>,
          %parallel_loop3A_307 = arith.constant 7 : i32
          %parallel_loop3A_308 = vector.broadcast %parallel_loop3A_307 : i32 to vector<16xi32>
          %parallel_loop3A_309 = arith.addi %mul3A_5, %parallel_loop3A_308 : vector<16xi32>
          tpu.vector_store_idx %arg7[%parallel_loop3A_93, %parallel_loop3A_309], %parallel_loop3A_141 : memref<64x128xf32, #tpu.memory_space<vmem>>[vector<16xi32>, vector<16xi32>], vector<16xf32>,
          %parallel_loop3A_310 = arith.constant 8 : i32
          %parallel_loop3A_311 = vector.broadcast %parallel_loop3A_310 : i32 to vector<16xi32>
          %parallel_loop3A_312 = arith.addi %mul3A_5, %parallel_loop3A_311 : vector<16xi32>
          tpu.vector_store_idx %arg7[%parallel_loop3A_93, %parallel_loop3A_312], %parallel_loop3A_147 : memref<64x128xf32, #tpu.memory_space<vmem>>[vector<16xi32>, vector<16xi32>], vector<16xf32>,
          %parallel_loop3A_313 = arith.constant 9 : i32
          %parallel_loop3A_314 = vector.broadcast %parallel_loop3A_313 : i32 to vector<16xi32>
          %parallel_loop3A_315 = arith.addi %mul3A_5, %parallel_loop3A_314 : vector<16xi32>
          tpu.vector_store_idx %arg7[%parallel_loop3A_93, %parallel_loop3A_315], %parallel_loop3A_153 : memref<64x128xf32, #tpu.memory_space<vmem>>[vector<16xi32>, vector<16xi32>], vector<16xf32>,
          %parallel_loop3A_316 = arith.constant 10 : i32
          %parallel_loop3A_317 = vector.broadcast %parallel_loop3A_316 : i32 to vector<16xi32>
          %parallel_loop3A_318 = arith.addi %mul3A_5, %parallel_loop3A_317 : vector<16xi32>
          tpu.vector_store_idx %arg7[%parallel_loop3A_93, %parallel_loop3A_318], %parallel_loop3A_159 : memref<64x128xf32, #tpu.memory_space<vmem>>[vector<16xi32>, vector<16xi32>], vector<16xf32>,
          %parallel_loop3A_319 = arith.constant 11 : i32
          %parallel_loop3A_320 = vector.broadcast %parallel_loop3A_319 : i32 to vector<16xi32>
          %parallel_loop3A_321 = arith.addi %mul3A_5, %parallel_loop3A_320 : vector<16xi32>
          tpu.vector_store_idx %arg7[%parallel_loop3A_93, %parallel_loop3A_321], %parallel_loop3A_165 : memref<64x128xf32, #tpu.memory_space<vmem>>[vector<16xi32>, vector<16xi32>], vector<16xf32>,
          %parallel_loop3A_322 = arith.constant 12 : i32
          %parallel_loop3A_323 = vector.broadcast %parallel_loop3A_322 : i32 to vector<16xi32>
          %parallel_loop3A_324 = arith.addi %mul3A_5, %parallel_loop3A_323 : vector<16xi32>
          tpu.vector_store_idx %arg7[%parallel_loop3A_93, %parallel_loop3A_324], %parallel_loop3A_171 : memref<64x128xf32, #tpu.memory_space<vmem>>[vector<16xi32>, vector<16xi32>], vector<16xf32>,
          %parallel_loop3A_325 = arith.constant 13 : i32
          %parallel_loop3A_326 = vector.broadcast %parallel_loop3A_325 : i32 to vector<16xi32>
          %parallel_loop3A_327 = arith.addi %mul3A_5, %parallel_loop3A_326 : vector<16xi32>
          tpu.vector_store_idx %arg7[%parallel_loop3A_93, %parallel_loop3A_327], %parallel_loop3A_177 : memref<64x128xf32, #tpu.memory_space<vmem>>[vector<16xi32>, vector<16xi32>], vector<16xf32>,
          %parallel_loop3A_328 = arith.constant 14 : i32
          %parallel_loop3A_329 = vector.broadcast %parallel_loop3A_328 : i32 to vector<16xi32>
          %parallel_loop3A_330 = arith.addi %mul3A_5, %parallel_loop3A_329 : vector<16xi32>
          tpu.vector_store_idx %arg7[%parallel_loop3A_93, %parallel_loop3A_330], %parallel_loop3A_183 : memref<64x128xf32, #tpu.memory_space<vmem>>[vector<16xi32>, vector<16xi32>], vector<16xf32>,
          %parallel_loop3A_331 = arith.constant 15 : i32
          %parallel_loop3A_332 = vector.broadcast %parallel_loop3A_331 : i32 to vector<16xi32>
          %parallel_loop3A_333 = arith.addi %mul3A_5, %parallel_loop3A_332 : vector<16xi32>
          tpu.vector_store_idx %arg7[%parallel_loop3A_93, %parallel_loop3A_333], %parallel_loop3A_189 : memref<64x128xf32, #tpu.memory_space<vmem>>[vector<16xi32>, vector<16xi32>], vector<16xf32>,
          %parallel_loop3A_334 = arith.constant 16 : i32
          %parallel_loop3A_335 = vector.broadcast %parallel_loop3A_334 : i32 to vector<16xi32>
          %parallel_loop3A_336 = arith.addi %mul3A_5, %parallel_loop3A_335 : vector<16xi32>
          tpu.vector_store_idx %arg7[%parallel_loop3A_93, %parallel_loop3A_336], %parallel_loop3A_195 : memref<64x128xf32, #tpu.memory_space<vmem>>[vector<16xi32>, vector<16xi32>], vector<16xf32>,
          %parallel_loop3A_337 = arith.constant 17 : i32
          %parallel_loop3A_338 = vector.broadcast %parallel_loop3A_337 : i32 to vector<16xi32>
          %parallel_loop3A_339 = arith.addi %mul3A_5, %parallel_loop3A_338 : vector<16xi32>
          tpu.vector_store_idx %arg7[%parallel_loop3A_93, %parallel_loop3A_339], %parallel_loop3A_201 : memref<64x128xf32, #tpu.memory_space<vmem>>[vector<16xi32>, vector<16xi32>], vector<16xf32>,
          %parallel_loop3A_340 = arith.constant 18 : i32
          %parallel_loop3A_341 = vector.broadcast %parallel_loop3A_340 : i32 to vector<16xi32>
          %parallel_loop3A_342 = arith.addi %mul3A_5, %parallel_loop3A_341 : vector<16xi32>
          tpu.vector_store_idx %arg7[%parallel_loop3A_93, %parallel_loop3A_342], %parallel_loop3A_207 : memref<64x128xf32, #tpu.memory_space<vmem>>[vector<16xi32>, vector<16xi32>], vector<16xf32>,
          %parallel_loop3A_343 = arith.constant 19 : i32
          %parallel_loop3A_344 = vector.broadcast %parallel_loop3A_343 : i32 to vector<16xi32>
          %parallel_loop3A_345 = arith.addi %mul3A_5, %parallel_loop3A_344 : vector<16xi32>
          tpu.vector_store_idx %arg7[%parallel_loop3A_93, %parallel_loop3A_345], %parallel_loop3A_213 : memref<64x128xf32, #tpu.memory_space<vmem>>[vector<16xi32>, vector<16xi32>], vector<16xf32>,
          %parallel_loop3A_346 = arith.constant 20 : i32
          %parallel_loop3A_347 = vector.broadcast %parallel_loop3A_346 : i32 to vector<16xi32>
          %parallel_loop3A_348 = arith.addi %mul3A_5, %parallel_loop3A_347 : vector<16xi32>
          tpu.vector_store_idx %arg7[%parallel_loop3A_93, %parallel_loop3A_348], %parallel_loop3A_219 : memref<64x128xf32, #tpu.memory_space<vmem>>[vector<16xi32>, vector<16xi32>], vector<16xf32>,
          %parallel_loop3A_349 = arith.constant 21 : i32
          %parallel_loop3A_350 = vector.broadcast %parallel_loop3A_349 : i32 to vector<16xi32>
          %parallel_loop3A_351 = arith.addi %mul3A_5, %parallel_loop3A_350 : vector<16xi32>
          tpu.vector_store_idx %arg7[%parallel_loop3A_93, %parallel_loop3A_351], %parallel_loop3A_225 : memref<64x128xf32, #tpu.memory_space<vmem>>[vector<16xi32>, vector<16xi32>], vector<16xf32>,
          %parallel_loop3A_352 = arith.constant 22 : i32
          %parallel_loop3A_353 = vector.broadcast %parallel_loop3A_352 : i32 to vector<16xi32>
          %parallel_loop3A_354 = arith.addi %mul3A_5, %parallel_loop3A_353 : vector<16xi32>
          tpu.vector_store_idx %arg7[%parallel_loop3A_93, %parallel_loop3A_354], %parallel_loop3A_231 : memref<64x128xf32, #tpu.memory_space<vmem>>[vector<16xi32>, vector<16xi32>], vector<16xf32>,
          %parallel_loop3A_355 = arith.constant 23 : i32
          %parallel_loop3A_356 = vector.broadcast %parallel_loop3A_355 : i32 to vector<16xi32>
          %parallel_loop3A_357 = arith.addi %mul3A_5, %parallel_loop3A_356 : vector<16xi32>
          tpu.vector_store_idx %arg7[%parallel_loop3A_93, %parallel_loop3A_357], %parallel_loop3A_237 : memref<64x128xf32, #tpu.memory_space<vmem>>[vector<16xi32>, vector<16xi32>], vector<16xf32>,
          %parallel_loop3A_358 = arith.constant 24 : i32
          %parallel_loop3A_359 = vector.broadcast %parallel_loop3A_358 : i32 to vector<16xi32>
          %parallel_loop3A_360 = arith.addi %mul3A_5, %parallel_loop3A_359 : vector<16xi32>
          tpu.vector_store_idx %arg7[%parallel_loop3A_93, %parallel_loop3A_360], %parallel_loop3A_243 : memref<64x128xf32, #tpu.memory_space<vmem>>[vector<16xi32>, vector<16xi32>], vector<16xf32>,
          %parallel_loop3A_361 = arith.constant 25 : i32
          %parallel_loop3A_362 = vector.broadcast %parallel_loop3A_361 : i32 to vector<16xi32>
          %parallel_loop3A_363 = arith.addi %mul3A_5, %parallel_loop3A_362 : vector<16xi32>
          tpu.vector_store_idx %arg7[%parallel_loop3A_93, %parallel_loop3A_363], %parallel_loop3A_249 : memref<64x128xf32, #tpu.memory_space<vmem>>[vector<16xi32>, vector<16xi32>], vector<16xf32>,
          %parallel_loop3A_364 = arith.constant 26 : i32
          %parallel_loop3A_365 = vector.broadcast %parallel_loop3A_364 : i32 to vector<16xi32>
          %parallel_loop3A_366 = arith.addi %mul3A_5, %parallel_loop3A_365 : vector<16xi32>
          tpu.vector_store_idx %arg7[%parallel_loop3A_93, %parallel_loop3A_366], %parallel_loop3A_255 : memref<64x128xf32, #tpu.memory_space<vmem>>[vector<16xi32>, vector<16xi32>], vector<16xf32>,
          %parallel_loop3A_367 = arith.constant 27 : i32
          %parallel_loop3A_368 = vector.broadcast %parallel_loop3A_367 : i32 to vector<16xi32>
          %parallel_loop3A_369 = arith.addi %mul3A_5, %parallel_loop3A_368 : vector<16xi32>
          tpu.vector_store_idx %arg7[%parallel_loop3A_93, %parallel_loop3A_369], %parallel_loop3A_261 : memref<64x128xf32, #tpu.memory_space<vmem>>[vector<16xi32>, vector<16xi32>], vector<16xf32>,
          %parallel_loop3A_370 = arith.constant 28 : i32
          %parallel_loop3A_371 = vector.broadcast %parallel_loop3A_370 : i32 to vector<16xi32>
          %parallel_loop3A_372 = arith.addi %mul3A_5, %parallel_loop3A_371 : vector<16xi32>
          tpu.vector_store_idx %arg7[%parallel_loop3A_93, %parallel_loop3A_372], %parallel_loop3A_267 : memref<64x128xf32, #tpu.memory_space<vmem>>[vector<16xi32>, vector<16xi32>], vector<16xf32>,
          %parallel_loop3A_373 = arith.constant 29 : i32
          %parallel_loop3A_374 = vector.broadcast %parallel_loop3A_373 : i32 to vector<16xi32>
          %parallel_loop3A_375 = arith.addi %mul3A_5, %parallel_loop3A_374 : vector<16xi32>
          tpu.vector_store_idx %arg7[%parallel_loop3A_93, %parallel_loop3A_375], %parallel_loop3A_273 : memref<64x128xf32, #tpu.memory_space<vmem>>[vector<16xi32>, vector<16xi32>], vector<16xf32>,
          %parallel_loop3A_376 = arith.constant 30 : i32
          %parallel_loop3A_377 = vector.broadcast %parallel_loop3A_376 : i32 to vector<16xi32>
          %parallel_loop3A_378 = arith.addi %mul3A_5, %parallel_loop3A_377 : vector<16xi32>
          tpu.vector_store_idx %arg7[%parallel_loop3A_93, %parallel_loop3A_378], %parallel_loop3A_279 : memref<64x128xf32, #tpu.memory_space<vmem>>[vector<16xi32>, vector<16xi32>], vector<16xf32>,
          %parallel_loop3A_379 = arith.constant 31 : i32
          %parallel_loop3A_380 = vector.broadcast %parallel_loop3A_379 : i32 to vector<16xi32>
          %parallel_loop3A_381 = arith.addi %mul3A_5, %parallel_loop3A_380 : vector<16xi32>
          tpu.vector_store_idx %arg7[%parallel_loop3A_93, %parallel_loop3A_381], %parallel_loop3A_285 : memref<64x128xf32, #tpu.memory_space<vmem>>[vector<16xi32>, vector<16xi32>], vector<16xf32>,
        } {sc.loop_unroll_factor = 16 : i64, sc.parallel_access}
        %mul3A_74 = arith.constant 64 : i32
        %mul3A_75 = arith.muli %add3A_44, %mul3A_74 : i32
        %dma_start3A = arith.constant 0 : i32
        %dma_start3A_76 = tpu.memref_slice %arg4[%mul3A_75, %dma_start3A] : memref<250000x128xf32, #tpu.memory_space<hbm>> -> memref<64x128xf32, #tpu.memory_space<hbm>>
        %dma_start3A_77 = arith.constant 0 : i32
        %dma_start3A_78 = tpu.memref_slice %arg4[%mul3A_75, %dma_start3A_77] : memref<250000x128xf32, #tpu.memory_space<hbm>> -> memref<64x128xf32, #tpu.memory_space<hbm>>
        tpu.enqueue_dma source(%arg7 : memref<64x128xf32, #tpu.memory_space<vmem>>) target(%dma_start3A_78 : memref<64x128xf32, #tpu.memory_space<hbm>>) target_semaphore(%arg11 : memref<!tpu.dma_semaphore, #tpu.memory_space<semaphore_mem>>)
        %add3A_79 = arith.constant 64 : i32
        %add3A_80 = arith.addi %add3A_44, %add3A_79 : i32
        %lt3A_81 = arith.constant 3906 : i32
        %lt3A_82 = arith.cmpi slt, %add3A_80, %lt3A_81 : i32
        %convert_element_type3A_83 = arith.extui %lt3A_82 : i1 to i32
        %cond3A_84 = arith.constant 0 : i32
        %cond3A_85 = arith.cmpi ne, %convert_element_type3A_83, %cond3A_84 : i32
        scf.if %cond3A_85 {
          %mul3A_86 = arith.constant 256 : i32
          %mul3A_87 = arith.muli %add3A_80, %mul3A_86 : i32
          %dma_start3A_88 = arith.constant 0 : i32
          %dma_start3A_89 = tpu.memref_slice %arg2[%dma_start3A_88, %mul3A_87] : memref<32x1000000xf32, #tpu.memory_space<hbm>> -> memref<32x256xf32, #tpu.memory_space<hbm>>
          %dma_start3A_90 = arith.constant 0 : i32
          %dma_start3A_91 = tpu.memref_slice %arg2[%dma_start3A_90, %mul3A_87] : memref<32x1000000xf32, #tpu.memory_space<hbm>> -> memref<32x256xf32, #tpu.memory_space<hbm>>
          tpu.enqueue_dma source(%dma_start3A_91 : memref<32x256xf32, #tpu.memory_space<hbm>>) target(%arg5 : memref<32x256xf32, #tpu.memory_space<vmem>>) target_semaphore(%arg9 : memref<!tpu.dma_semaphore, #tpu.memory_space<semaphore_mem>>)
        } else {
        }
      } else {
      }
      %mul3A_50 = arith.constant 2 : i32
      %mul3A_51 = arith.muli %mul3A_50, %scan3A_37 : i32
      %add3A_52 = arith.constant 1 : i32
      %add3A_53 = arith.addi %mul3A_51, %add3A_52 : i32
      %mul3A_54 = arith.constant 32 : i32
      %mul3A_55 = arith.muli %add3A_53, %mul3A_54 : i32
      %add3A_56 = arith.addi %mul3A_55, %add3A : i32
      %lt3A_57 = arith.constant 3906 : i32
      %lt3A_58 = arith.cmpi slt, %add3A_56, %lt3A_57 : i32
      %convert_element_type3A_59 = arith.extui %lt3A_58 : i1 to i32
      %cond3A_60 = arith.constant 0 : i32
      %cond3A_61 = arith.cmpi ne, %convert_element_type3A_59, %cond3A_60 : i32
      scf.if %cond3A_61 {
        %dma_wait3A_62 = arith.constant 0 : i32
        %dma_wait3A_63 = arith.constant 0 : i32
        %dma_wait3A_64 = tpu.memref_slice %arg2[%dma_wait3A_62, %dma_wait3A_63] : memref<32x1000000xf32, #tpu.memory_space<hbm>> -> memref<32x256xf32, #tpu.memory_space<hbm>>
        %dma_wait3A_65 = arith.constant 0 : i32
        %dma_wait3A_66 = arith.constant 0 : i32
        %dma_wait3A_67 = tpu.memref_slice %arg2[%dma_wait3A_65, %dma_wait3A_66] : memref<32x1000000xf32, #tpu.memory_space<hbm>> -> memref<32x256xf32, #tpu.memory_space<hbm>>
        tpu.wait_dma2 semaphore(%arg10 : memref<!tpu.dma_semaphore, #tpu.memory_space<semaphore_mem>>) src(%dma_wait3A_67 : memref<32x256xf32, #tpu.memory_space<hbm>>) dst(%arg6 : memref<32x256xf32, #tpu.memory_space<vmem>>)
        %ge3A = arith.constant 1 : i32
        %ge3A_68 = arith.cmpi sge, %scan3A_37, %ge3A : i32
        %convert_element_type3A_69 = arith.extui %ge3A_68 : i1 to i32
        %cond3A_70 = arith.constant 0 : i32
        %cond3A_71 = arith.cmpi ne, %convert_element_type3A_69, %cond3A_70 : i32
        scf.if %cond3A_71 {
          %dma_wait3A_86 = arith.constant 0 : i32
          %dma_wait3A_87 = arith.constant 0 : i32
          %dma_wait3A_88 = tpu.memref_slice %arg4[%dma_wait3A_86, %dma_wait3A_87] : memref<250000x128xf32, #tpu.memory_space<hbm>> -> memref<64x128xf32, #tpu.memory_space<hbm>>
          %dma_wait3A_89 = arith.constant 0 : i32
          %dma_wait3A_90 = arith.constant 0 : i32
          %dma_wait3A_91 = tpu.memref_slice %arg4[%dma_wait3A_89, %dma_wait3A_90] : memref<250000x128xf32, #tpu.memory_space<hbm>> -> memref<64x128xf32, #tpu.memory_space<hbm>>
          tpu.wait_dma2 semaphore(%arg12 : memref<!tpu.dma_semaphore, #tpu.memory_space<semaphore_mem>>) src(%arg8 : memref<64x128xf32, #tpu.memory_space<vmem>>) dst(%dma_wait3A_91 : memref<64x128xf32, #tpu.memory_space<hbm>>)
        } else {
        }
        %parallel_loop3A = arith.constant 0 : i32
        %parallel_loop3A_72 = arith.constant 16 : i32
        %parallel_loop3A_73 = arith.constant 1 : i32
        scf.for %parallel_loop3A_86 = %parallel_loop3A to %parallel_loop3A_72 step %parallel_loop3A_73  : i32 {
          %parallel_loop3A_87 = arith.constant 4 : i32
          %parallel_loop3A_88 = arith.muli %parallel_loop3A_86, %parallel_loop3A_87 : i32
          %parallel_loop3A_89 = arith.constant 2 : i32
          %parallel_loop3A_90 = vector.broadcast %parallel_loop3A_89 : i32 to vector<16xi32>
          %parallel_loop3A_91 = arith.shrsi %iota3A, %parallel_loop3A_90 : vector<16xi32>
          %parallel_loop3A_92 = vector.broadcast %parallel_loop3A_88 : i32 to vector<16xi32>
          %parallel_loop3A_93 = arith.addi %parallel_loop3A_92, %parallel_loop3A_91 : vector<16xi32>
          %parallel_loop3A_94 = arith.constant 16 : i32
          %parallel_loop3A_95 = arith.muli %parallel_loop3A_86, %parallel_loop3A_94 : i32
          %parallel_loop3A_96 = arith.constant 0 : i32
          %parallel_loop3A_97 = arith.index_cast %parallel_loop3A_96 : i32 to index
          %parallel_loop3A_98 = arith.index_cast %parallel_loop3A_95 : i32 to index
          %parallel_loop3A_99 = tpu.vector_load %arg6[%parallel_loop3A_97, %parallel_loop3A_98] {strides = array<i32>} : memref<32x256xf32, #tpu.memory_space<vmem>>, vector<16xf32>,
          %parallel_loop3A_100 = arith.constant 16 : i32
          %parallel_loop3A_101 = arith.muli %parallel_loop3A_86, %parallel_loop3A_100 : i32
          %parallel_loop3A_102 = arith.constant 1 : i32
          %parallel_loop3A_103 = arith.index_cast %parallel_loop3A_102 : i32 to index
          %parallel_loop3A_104 = arith.index_cast %parallel_loop3A_101 : i32 to index
          %parallel_loop3A_105 = tpu.vector_load %arg6[%parallel_loop3A_103, %parallel_loop3A_104] {strides = array<i32>} : memref<32x256xf32, #tpu.memory_space<vmem>>, vector<16xf32>,
          %parallel_loop3A_106 = arith.constant 16 : i32
          %parallel_loop3A_107 = arith.muli %parallel_loop3A_86, %parallel_loop3A_106 : i32
          %parallel_loop3A_108 = arith.constant 2 : i32
          %parallel_loop3A_109 = arith.index_cast %parallel_loop3A_108 : i32 to index
          %parallel_loop3A_110 = arith.index_cast %parallel_loop3A_107 : i32 to index
          %parallel_loop3A_111 = tpu.vector_load %arg6[%parallel_loop3A_109, %parallel_loop3A_110] {strides = array<i32>} : memref<32x256xf32, #tpu.memory_space<vmem>>, vector<16xf32>,
          %parallel_loop3A_112 = arith.constant 16 : i32
          %parallel_loop3A_113 = arith.muli %parallel_loop3A_86, %parallel_loop3A_112 : i32
          %parallel_loop3A_114 = arith.constant 3 : i32
          %parallel_loop3A_115 = arith.index_cast %parallel_loop3A_114 : i32 to index
          %parallel_loop3A_116 = arith.index_cast %parallel_loop3A_113 : i32 to index
          %parallel_loop3A_117 = tpu.vector_load %arg6[%parallel_loop3A_115, %parallel_loop3A_116] {strides = array<i32>} : memref<32x256xf32, #tpu.memory_space<vmem>>, vector<16xf32>,
          %parallel_loop3A_118 = arith.constant 16 : i32
          %parallel_loop3A_119 = arith.muli %parallel_loop3A_86, %parallel_loop3A_118 : i32
          %parallel_loop3A_120 = arith.constant 4 : i32
          %parallel_loop3A_121 = arith.index_cast %parallel_loop3A_120 : i32 to index
          %parallel_loop3A_122 = arith.index_cast %parallel_loop3A_119 : i32 to index
          %parallel_loop3A_123 = tpu.vector_load %arg6[%parallel_loop3A_121, %parallel_loop3A_122] {strides = array<i32>} : memref<32x256xf32, #tpu.memory_space<vmem>>, vector<16xf32>,
          %parallel_loop3A_124 = arith.constant 16 : i32
          %parallel_loop3A_125 = arith.muli %parallel_loop3A_86, %parallel_loop3A_124 : i32
          %parallel_loop3A_126 = arith.constant 5 : i32
          %parallel_loop3A_127 = arith.index_cast %parallel_loop3A_126 : i32 to index
          %parallel_loop3A_128 = arith.index_cast %parallel_loop3A_125 : i32 to index
          %parallel_loop3A_129 = tpu.vector_load %arg6[%parallel_loop3A_127, %parallel_loop3A_128] {strides = array<i32>} : memref<32x256xf32, #tpu.memory_space<vmem>>, vector<16xf32>,
          %parallel_loop3A_130 = arith.constant 16 : i32
          %parallel_loop3A_131 = arith.muli %parallel_loop3A_86, %parallel_loop3A_130 : i32
          %parallel_loop3A_132 = arith.constant 6 : i32
          %parallel_loop3A_133 = arith.index_cast %parallel_loop3A_132 : i32 to index
          %parallel_loop3A_134 = arith.index_cast %parallel_loop3A_131 : i32 to index
          %parallel_loop3A_135 = tpu.vector_load %arg6[%parallel_loop3A_133, %parallel_loop3A_134] {strides = array<i32>} : memref<32x256xf32, #tpu.memory_space<vmem>>, vector<16xf32>,
          %parallel_loop3A_136 = arith.constant 16 : i32
          %parallel_loop3A_137 = arith.muli %parallel_loop3A_86, %parallel_loop3A_136 : i32
          %parallel_loop3A_138 = arith.constant 7 : i32
          %parallel_loop3A_139 = arith.index_cast %parallel_loop3A_138 : i32 to index
          %parallel_loop3A_140 = arith.index_cast %parallel_loop3A_137 : i32 to index
          %parallel_loop3A_141 = tpu.vector_load %arg6[%parallel_loop3A_139, %parallel_loop3A_140] {strides = array<i32>} : memref<32x256xf32, #tpu.memory_space<vmem>>, vector<16xf32>,
          %parallel_loop3A_142 = arith.constant 16 : i32
          %parallel_loop3A_143 = arith.muli %parallel_loop3A_86, %parallel_loop3A_142 : i32
          %parallel_loop3A_144 = arith.constant 8 : i32
          %parallel_loop3A_145 = arith.index_cast %parallel_loop3A_144 : i32 to index
          %parallel_loop3A_146 = arith.index_cast %parallel_loop3A_143 : i32 to index
          %parallel_loop3A_147 = tpu.vector_load %arg6[%parallel_loop3A_145, %parallel_loop3A_146] {strides = array<i32>} : memref<32x256xf32, #tpu.memory_space<vmem>>, vector<16xf32>,
          %parallel_loop3A_148 = arith.constant 16 : i32
          %parallel_loop3A_149 = arith.muli %parallel_loop3A_86, %parallel_loop3A_148 : i32
          %parallel_loop3A_150 = arith.constant 9 : i32
          %parallel_loop3A_151 = arith.index_cast %parallel_loop3A_150 : i32 to index
          %parallel_loop3A_152 = arith.index_cast %parallel_loop3A_149 : i32 to index
          %parallel_loop3A_153 = tpu.vector_load %arg6[%parallel_loop3A_151, %parallel_loop3A_152] {strides = array<i32>} : memref<32x256xf32, #tpu.memory_space<vmem>>, vector<16xf32>,
          %parallel_loop3A_154 = arith.constant 16 : i32
          %parallel_loop3A_155 = arith.muli %parallel_loop3A_86, %parallel_loop3A_154 : i32
          %parallel_loop3A_156 = arith.constant 10 : i32
          %parallel_loop3A_157 = arith.index_cast %parallel_loop3A_156 : i32 to index
          %parallel_loop3A_158 = arith.index_cast %parallel_loop3A_155 : i32 to index
          %parallel_loop3A_159 = tpu.vector_load %arg6[%parallel_loop3A_157, %parallel_loop3A_158] {strides = array<i32>} : memref<32x256xf32, #tpu.memory_space<vmem>>, vector<16xf32>,
          %parallel_loop3A_160 = arith.constant 16 : i32
          %parallel_loop3A_161 = arith.muli %parallel_loop3A_86, %parallel_loop3A_160 : i32
          %parallel_loop3A_162 = arith.constant 11 : i32
          %parallel_loop3A_163 = arith.index_cast %parallel_loop3A_162 : i32 to index
          %parallel_loop3A_164 = arith.index_cast %parallel_loop3A_161 : i32 to index
          %parallel_loop3A_165 = tpu.vector_load %arg6[%parallel_loop3A_163, %parallel_loop3A_164] {strides = array<i32>} : memref<32x256xf32, #tpu.memory_space<vmem>>, vector<16xf32>,
          %parallel_loop3A_166 = arith.constant 16 : i32
          %parallel_loop3A_167 = arith.muli %parallel_loop3A_86, %parallel_loop3A_166 : i32
          %parallel_loop3A_168 = arith.constant 12 : i32
          %parallel_loop3A_169 = arith.index_cast %parallel_loop3A_168 : i32 to index
          %parallel_loop3A_170 = arith.index_cast %parallel_loop3A_167 : i32 to index
          %parallel_loop3A_171 = tpu.vector_load %arg6[%parallel_loop3A_169, %parallel_loop3A_170] {strides = array<i32>} : memref<32x256xf32, #tpu.memory_space<vmem>>, vector<16xf32>,
          %parallel_loop3A_172 = arith.constant 16 : i32
          %parallel_loop3A_173 = arith.muli %parallel_loop3A_86, %parallel_loop3A_172 : i32
          %parallel_loop3A_174 = arith.constant 13 : i32
          %parallel_loop3A_175 = arith.index_cast %parallel_loop3A_174 : i32 to index
          %parallel_loop3A_176 = arith.index_cast %parallel_loop3A_173 : i32 to index
          %parallel_loop3A_177 = tpu.vector_load %arg6[%parallel_loop3A_175, %parallel_loop3A_176] {strides = array<i32>} : memref<32x256xf32, #tpu.memory_space<vmem>>, vector<16xf32>,
          %parallel_loop3A_178 = arith.constant 16 : i32
          %parallel_loop3A_179 = arith.muli %parallel_loop3A_86, %parallel_loop3A_178 : i32
          %parallel_loop3A_180 = arith.constant 14 : i32
          %parallel_loop3A_181 = arith.index_cast %parallel_loop3A_180 : i32 to index
          %parallel_loop3A_182 = arith.index_cast %parallel_loop3A_179 : i32 to index
          %parallel_loop3A_183 = tpu.vector_load %arg6[%parallel_loop3A_181, %parallel_loop3A_182] {strides = array<i32>} : memref<32x256xf32, #tpu.memory_space<vmem>>, vector<16xf32>,
          %parallel_loop3A_184 = arith.constant 16 : i32
          %parallel_loop3A_185 = arith.muli %parallel_loop3A_86, %parallel_loop3A_184 : i32
          %parallel_loop3A_186 = arith.constant 15 : i32
          %parallel_loop3A_187 = arith.index_cast %parallel_loop3A_186 : i32 to index
          %parallel_loop3A_188 = arith.index_cast %parallel_loop3A_185 : i32 to index
          %parallel_loop3A_189 = tpu.vector_load %arg6[%parallel_loop3A_187, %parallel_loop3A_188] {strides = array<i32>} : memref<32x256xf32, #tpu.memory_space<vmem>>, vector<16xf32>,
          %parallel_loop3A_190 = arith.constant 16 : i32
          %parallel_loop3A_191 = arith.muli %parallel_loop3A_86, %parallel_loop3A_190 : i32
          %parallel_loop3A_192 = arith.constant 16 : i32
          %parallel_loop3A_193 = arith.index_cast %parallel_loop3A_192 : i32 to index
          %parallel_loop3A_194 = arith.index_cast %parallel_loop3A_191 : i32 to index
          %parallel_loop3A_195 = tpu.vector_load %arg6[%parallel_loop3A_193, %parallel_loop3A_194] {strides = array<i32>} : memref<32x256xf32, #tpu.memory_space<vmem>>, vector<16xf32>,
          %parallel_loop3A_196 = arith.constant 16 : i32
          %parallel_loop3A_197 = arith.muli %parallel_loop3A_86, %parallel_loop3A_196 : i32
          %parallel_loop3A_198 = arith.constant 17 : i32
          %parallel_loop3A_199 = arith.index_cast %parallel_loop3A_198 : i32 to index
          %parallel_loop3A_200 = arith.index_cast %parallel_loop3A_197 : i32 to index
          %parallel_loop3A_201 = tpu.vector_load %arg6[%parallel_loop3A_199, %parallel_loop3A_200] {strides = array<i32>} : memref<32x256xf32, #tpu.memory_space<vmem>>, vector<16xf32>,
          %parallel_loop3A_202 = arith.constant 16 : i32
          %parallel_loop3A_203 = arith.muli %parallel_loop3A_86, %parallel_loop3A_202 : i32
          %parallel_loop3A_204 = arith.constant 18 : i32
          %parallel_loop3A_205 = arith.index_cast %parallel_loop3A_204 : i32 to index
          %parallel_loop3A_206 = arith.index_cast %parallel_loop3A_203 : i32 to index
          %parallel_loop3A_207 = tpu.vector_load %arg6[%parallel_loop3A_205, %parallel_loop3A_206] {strides = array<i32>} : memref<32x256xf32, #tpu.memory_space<vmem>>, vector<16xf32>,
          %parallel_loop3A_208 = arith.constant 16 : i32
          %parallel_loop3A_209 = arith.muli %parallel_loop3A_86, %parallel_loop3A_208 : i32
          %parallel_loop3A_210 = arith.constant 19 : i32
          %parallel_loop3A_211 = arith.index_cast %parallel_loop3A_210 : i32 to index
          %parallel_loop3A_212 = arith.index_cast %parallel_loop3A_209 : i32 to index
          %parallel_loop3A_213 = tpu.vector_load %arg6[%parallel_loop3A_211, %parallel_loop3A_212] {strides = array<i32>} : memref<32x256xf32, #tpu.memory_space<vmem>>, vector<16xf32>,
          %parallel_loop3A_214 = arith.constant 16 : i32
          %parallel_loop3A_215 = arith.muli %parallel_loop3A_86, %parallel_loop3A_214 : i32
          %parallel_loop3A_216 = arith.constant 20 : i32
          %parallel_loop3A_217 = arith.index_cast %parallel_loop3A_216 : i32 to index
          %parallel_loop3A_218 = arith.index_cast %parallel_loop3A_215 : i32 to index
          %parallel_loop3A_219 = tpu.vector_load %arg6[%parallel_loop3A_217, %parallel_loop3A_218] {strides = array<i32>} : memref<32x256xf32, #tpu.memory_space<vmem>>, vector<16xf32>,
          %parallel_loop3A_220 = arith.constant 16 : i32
          %parallel_loop3A_221 = arith.muli %parallel_loop3A_86, %parallel_loop3A_220 : i32
          %parallel_loop3A_222 = arith.constant 21 : i32
          %parallel_loop3A_223 = arith.index_cast %parallel_loop3A_222 : i32 to index
          %parallel_loop3A_224 = arith.index_cast %parallel_loop3A_221 : i32 to index
          %parallel_loop3A_225 = tpu.vector_load %arg6[%parallel_loop3A_223, %parallel_loop3A_224] {strides = array<i32>} : memref<32x256xf32, #tpu.memory_space<vmem>>, vector<16xf32>,
          %parallel_loop3A_226 = arith.constant 16 : i32
          %parallel_loop3A_227 = arith.muli %parallel_loop3A_86, %parallel_loop3A_226 : i32
          %parallel_loop3A_228 = arith.constant 22 : i32
          %parallel_loop3A_229 = arith.index_cast %parallel_loop3A_228 : i32 to index
          %parallel_loop3A_230 = arith.index_cast %parallel_loop3A_227 : i32 to index
          %parallel_loop3A_231 = tpu.vector_load %arg6[%parallel_loop3A_229, %parallel_loop3A_230] {strides = array<i32>} : memref<32x256xf32, #tpu.memory_space<vmem>>, vector<16xf32>,
          %parallel_loop3A_232 = arith.constant 16 : i32
          %parallel_loop3A_233 = arith.muli %parallel_loop3A_86, %parallel_loop3A_232 : i32
          %parallel_loop3A_234 = arith.constant 23 : i32
          %parallel_loop3A_235 = arith.index_cast %parallel_loop3A_234 : i32 to index
          %parallel_loop3A_236 = arith.index_cast %parallel_loop3A_233 : i32 to index
          %parallel_loop3A_237 = tpu.vector_load %arg6[%parallel_loop3A_235, %parallel_loop3A_236] {strides = array<i32>} : memref<32x256xf32, #tpu.memory_space<vmem>>, vector<16xf32>,
          %parallel_loop3A_238 = arith.constant 16 : i32
          %parallel_loop3A_239 = arith.muli %parallel_loop3A_86, %parallel_loop3A_238 : i32
          %parallel_loop3A_240 = arith.constant 24 : i32
          %parallel_loop3A_241 = arith.index_cast %parallel_loop3A_240 : i32 to index
          %parallel_loop3A_242 = arith.index_cast %parallel_loop3A_239 : i32 to index
          %parallel_loop3A_243 = tpu.vector_load %arg6[%parallel_loop3A_241, %parallel_loop3A_242] {strides = array<i32>} : memref<32x256xf32, #tpu.memory_space<vmem>>, vector<16xf32>,
          %parallel_loop3A_244 = arith.constant 16 : i32
          %parallel_loop3A_245 = arith.muli %parallel_loop3A_86, %parallel_loop3A_244 : i32
          %parallel_loop3A_246 = arith.constant 25 : i32
          %parallel_loop3A_247 = arith.index_cast %parallel_loop3A_246 : i32 to index
          %parallel_loop3A_248 = arith.index_cast %parallel_loop3A_245 : i32 to index
          %parallel_loop3A_249 = tpu.vector_load %arg6[%parallel_loop3A_247, %parallel_loop3A_248] {strides = array<i32>} : memref<32x256xf32, #tpu.memory_space<vmem>>, vector<16xf32>,
          %parallel_loop3A_250 = arith.constant 16 : i32
          %parallel_loop3A_251 = arith.muli %parallel_loop3A_86, %parallel_loop3A_250 : i32
          %parallel_loop3A_252 = arith.constant 26 : i32
          %parallel_loop3A_253 = arith.index_cast %parallel_loop3A_252 : i32 to index
          %parallel_loop3A_254 = arith.index_cast %parallel_loop3A_251 : i32 to index
          %parallel_loop3A_255 = tpu.vector_load %arg6[%parallel_loop3A_253, %parallel_loop3A_254] {strides = array<i32>} : memref<32x256xf32, #tpu.memory_space<vmem>>, vector<16xf32>,
          %parallel_loop3A_256 = arith.constant 16 : i32
          %parallel_loop3A_257 = arith.muli %parallel_loop3A_86, %parallel_loop3A_256 : i32
          %parallel_loop3A_258 = arith.constant 27 : i32
          %parallel_loop3A_259 = arith.index_cast %parallel_loop3A_258 : i32 to index
          %parallel_loop3A_260 = arith.index_cast %parallel_loop3A_257 : i32 to index
          %parallel_loop3A_261 = tpu.vector_load %arg6[%parallel_loop3A_259, %parallel_loop3A_260] {strides = array<i32>} : memref<32x256xf32, #tpu.memory_space<vmem>>, vector<16xf32>,
          %parallel_loop3A_262 = arith.constant 16 : i32
          %parallel_loop3A_263 = arith.muli %parallel_loop3A_86, %parallel_loop3A_262 : i32
          %parallel_loop3A_264 = arith.constant 28 : i32
          %parallel_loop3A_265 = arith.index_cast %parallel_loop3A_264 : i32 to index
          %parallel_loop3A_266 = arith.index_cast %parallel_loop3A_263 : i32 to index
          %parallel_loop3A_267 = tpu.vector_load %arg6[%parallel_loop3A_265, %parallel_loop3A_266] {strides = array<i32>} : memref<32x256xf32, #tpu.memory_space<vmem>>, vector<16xf32>,
          %parallel_loop3A_268 = arith.constant 16 : i32
          %parallel_loop3A_269 = arith.muli %parallel_loop3A_86, %parallel_loop3A_268 : i32
          %parallel_loop3A_270 = arith.constant 29 : i32
          %parallel_loop3A_271 = arith.index_cast %parallel_loop3A_270 : i32 to index
          %parallel_loop3A_272 = arith.index_cast %parallel_loop3A_269 : i32 to index
          %parallel_loop3A_273 = tpu.vector_load %arg6[%parallel_loop3A_271, %parallel_loop3A_272] {strides = array<i32>} : memref<32x256xf32, #tpu.memory_space<vmem>>, vector<16xf32>,
          %parallel_loop3A_274 = arith.constant 16 : i32
          %parallel_loop3A_275 = arith.muli %parallel_loop3A_86, %parallel_loop3A_274 : i32
          %parallel_loop3A_276 = arith.constant 30 : i32
          %parallel_loop3A_277 = arith.index_cast %parallel_loop3A_276 : i32 to index
          %parallel_loop3A_278 = arith.index_cast %parallel_loop3A_275 : i32 to index
          %parallel_loop3A_279 = tpu.vector_load %arg6[%parallel_loop3A_277, %parallel_loop3A_278] {strides = array<i32>} : memref<32x256xf32, #tpu.memory_space<vmem>>, vector<16xf32>,
          %parallel_loop3A_280 = arith.constant 16 : i32
          %parallel_loop3A_281 = arith.muli %parallel_loop3A_86, %parallel_loop3A_280 : i32
          %parallel_loop3A_282 = arith.constant 31 : i32
          %parallel_loop3A_283 = arith.index_cast %parallel_loop3A_282 : i32 to index
          %parallel_loop3A_284 = arith.index_cast %parallel_loop3A_281 : i32 to index
          %parallel_loop3A_285 = tpu.vector_load %arg6[%parallel_loop3A_283, %parallel_loop3A_284] {strides = array<i32>} : memref<32x256xf32, #tpu.memory_space<vmem>>, vector<16xf32>,
          %parallel_loop3A_286 = arith.constant 0 : i32
          %parallel_loop3A_287 = vector.broadcast %parallel_loop3A_286 : i32 to vector<16xi32>
          %parallel_loop3A_288 = arith.addi %mul3A_5, %parallel_loop3A_287 : vector<16xi32>
          tpu.vector_store_idx %arg8[%parallel_loop3A_93, %parallel_loop3A_288], %parallel_loop3A_99 : memref<64x128xf32, #tpu.memory_space<vmem>>[vector<16xi32>, vector<16xi32>], vector<16xf32>,
          %parallel_loop3A_289 = arith.constant 1 : i32
          %parallel_loop3A_290 = vector.broadcast %parallel_loop3A_289 : i32 to vector<16xi32>
          %parallel_loop3A_291 = arith.addi %mul3A_5, %parallel_loop3A_290 : vector<16xi32>
          tpu.vector_store_idx %arg8[%parallel_loop3A_93, %parallel_loop3A_291], %parallel_loop3A_105 : memref<64x128xf32, #tpu.memory_space<vmem>>[vector<16xi32>, vector<16xi32>], vector<16xf32>,
          %parallel_loop3A_292 = arith.constant 2 : i32
          %parallel_loop3A_293 = vector.broadcast %parallel_loop3A_292 : i32 to vector<16xi32>
          %parallel_loop3A_294 = arith.addi %mul3A_5, %parallel_loop3A_293 : vector<16xi32>
          tpu.vector_store_idx %arg8[%parallel_loop3A_93, %parallel_loop3A_294], %parallel_loop3A_111 : memref<64x128xf32, #tpu.memory_space<vmem>>[vector<16xi32>, vector<16xi32>], vector<16xf32>,
          %parallel_loop3A_295 = arith.constant 3 : i32
          %parallel_loop3A_296 = vector.broadcast %parallel_loop3A_295 : i32 to vector<16xi32>
          %parallel_loop3A_297 = arith.addi %mul3A_5, %parallel_loop3A_296 : vector<16xi32>
          tpu.vector_store_idx %arg8[%parallel_loop3A_93, %parallel_loop3A_297], %parallel_loop3A_117 : memref<64x128xf32, #tpu.memory_space<vmem>>[vector<16xi32>, vector<16xi32>], vector<16xf32>,
          %parallel_loop3A_298 = arith.constant 4 : i32
          %parallel_loop3A_299 = vector.broadcast %parallel_loop3A_298 : i32 to vector<16xi32>
          %parallel_loop3A_300 = arith.addi %mul3A_5, %parallel_loop3A_299 : vector<16xi32>
          tpu.vector_store_idx %arg8[%parallel_loop3A_93, %parallel_loop3A_300], %parallel_loop3A_123 : memref<64x128xf32, #tpu.memory_space<vmem>>[vector<16xi32>, vector<16xi32>], vector<16xf32>,
          %parallel_loop3A_301 = arith.constant 5 : i32
          %parallel_loop3A_302 = vector.broadcast %parallel_loop3A_301 : i32 to vector<16xi32>
          %parallel_loop3A_303 = arith.addi %mul3A_5, %parallel_loop3A_302 : vector<16xi32>
          tpu.vector_store_idx %arg8[%parallel_loop3A_93, %parallel_loop3A_303], %parallel_loop3A_129 : memref<64x128xf32, #tpu.memory_space<vmem>>[vector<16xi32>, vector<16xi32>], vector<16xf32>,
          %parallel_loop3A_304 = arith.constant 6 : i32
          %parallel_loop3A_305 = vector.broadcast %parallel_loop3A_304 : i32 to vector<16xi32>
          %parallel_loop3A_306 = arith.addi %mul3A_5, %parallel_loop3A_305 : vector<16xi32>
          tpu.vector_store_idx %arg8[%parallel_loop3A_93, %parallel_loop3A_306], %parallel_loop3A_135 : memref<64x128xf32, #tpu.memory_space<vmem>>[vector<16xi32>, vector<16xi32>], vector<16xf32>,
          %parallel_loop3A_307 = arith.constant 7 : i32
          %parallel_loop3A_308 = vector.broadcast %parallel_loop3A_307 : i32 to vector<16xi32>
          %parallel_loop3A_309 = arith.addi %mul3A_5, %parallel_loop3A_308 : vector<16xi32>
          tpu.vector_store_idx %arg8[%parallel_loop3A_93, %parallel_loop3A_309], %parallel_loop3A_141 : memref<64x128xf32, #tpu.memory_space<vmem>>[vector<16xi32>, vector<16xi32>], vector<16xf32>,
          %parallel_loop3A_310 = arith.constant 8 : i32
          %parallel_loop3A_311 = vector.broadcast %parallel_loop3A_310 : i32 to vector<16xi32>
          %parallel_loop3A_312 = arith.addi %mul3A_5, %parallel_loop3A_311 : vector<16xi32>
          tpu.vector_store_idx %arg8[%parallel_loop3A_93, %parallel_loop3A_312], %parallel_loop3A_147 : memref<64x128xf32, #tpu.memory_space<vmem>>[vector<16xi32>, vector<16xi32>], vector<16xf32>,
          %parallel_loop3A_313 = arith.constant 9 : i32
          %parallel_loop3A_314 = vector.broadcast %parallel_loop3A_313 : i32 to vector<16xi32>
          %parallel_loop3A_315 = arith.addi %mul3A_5, %parallel_loop3A_314 : vector<16xi32>
          tpu.vector_store_idx %arg8[%parallel_loop3A_93, %parallel_loop3A_315], %parallel_loop3A_153 : memref<64x128xf32, #tpu.memory_space<vmem>>[vector<16xi32>, vector<16xi32>], vector<16xf32>,
          %parallel_loop3A_316 = arith.constant 10 : i32
          %parallel_loop3A_317 = vector.broadcast %parallel_loop3A_316 : i32 to vector<16xi32>
          %parallel_loop3A_318 = arith.addi %mul3A_5, %parallel_loop3A_317 : vector<16xi32>
          tpu.vector_store_idx %arg8[%parallel_loop3A_93, %parallel_loop3A_318], %parallel_loop3A_159 : memref<64x128xf32, #tpu.memory_space<vmem>>[vector<16xi32>, vector<16xi32>], vector<16xf32>,
          %parallel_loop3A_319 = arith.constant 11 : i32
          %parallel_loop3A_320 = vector.broadcast %parallel_loop3A_319 : i32 to vector<16xi32>
          %parallel_loop3A_321 = arith.addi %mul3A_5, %parallel_loop3A_320 : vector<16xi32>
          tpu.vector_store_idx %arg8[%parallel_loop3A_93, %parallel_loop3A_321], %parallel_loop3A_165 : memref<64x128xf32, #tpu.memory_space<vmem>>[vector<16xi32>, vector<16xi32>], vector<16xf32>,
          %parallel_loop3A_322 = arith.constant 12 : i32
          %parallel_loop3A_323 = vector.broadcast %parallel_loop3A_322 : i32 to vector<16xi32>
          %parallel_loop3A_324 = arith.addi %mul3A_5, %parallel_loop3A_323 : vector<16xi32>
          tpu.vector_store_idx %arg8[%parallel_loop3A_93, %parallel_loop3A_324], %parallel_loop3A_171 : memref<64x128xf32, #tpu.memory_space<vmem>>[vector<16xi32>, vector<16xi32>], vector<16xf32>,
          %parallel_loop3A_325 = arith.constant 13 : i32
          %parallel_loop3A_326 = vector.broadcast %parallel_loop3A_325 : i32 to vector<16xi32>
          %parallel_loop3A_327 = arith.addi %mul3A_5, %parallel_loop3A_326 : vector<16xi32>
          tpu.vector_store_idx %arg8[%parallel_loop3A_93, %parallel_loop3A_327], %parallel_loop3A_177 : memref<64x128xf32, #tpu.memory_space<vmem>>[vector<16xi32>, vector<16xi32>], vector<16xf32>,
          %parallel_loop3A_328 = arith.constant 14 : i32
          %parallel_loop3A_329 = vector.broadcast %parallel_loop3A_328 : i32 to vector<16xi32>
          %parallel_loop3A_330 = arith.addi %mul3A_5, %parallel_loop3A_329 : vector<16xi32>
          tpu.vector_store_idx %arg8[%parallel_loop3A_93, %parallel_loop3A_330], %parallel_loop3A_183 : memref<64x128xf32, #tpu.memory_space<vmem>>[vector<16xi32>, vector<16xi32>], vector<16xf32>,
          %parallel_loop3A_331 = arith.constant 15 : i32
          %parallel_loop3A_332 = vector.broadcast %parallel_loop3A_331 : i32 to vector<16xi32>
          %parallel_loop3A_333 = arith.addi %mul3A_5, %parallel_loop3A_332 : vector<16xi32>
          tpu.vector_store_idx %arg8[%parallel_loop3A_93, %parallel_loop3A_333], %parallel_loop3A_189 : memref<64x128xf32, #tpu.memory_space<vmem>>[vector<16xi32>, vector<16xi32>], vector<16xf32>,
          %parallel_loop3A_334 = arith.constant 16 : i32
          %parallel_loop3A_335 = vector.broadcast %parallel_loop3A_334 : i32 to vector<16xi32>
          %parallel_loop3A_336 = arith.addi %mul3A_5, %parallel_loop3A_335 : vector<16xi32>
          tpu.vector_store_idx %arg8[%parallel_loop3A_93, %parallel_loop3A_336], %parallel_loop3A_195 : memref<64x128xf32, #tpu.memory_space<vmem>>[vector<16xi32>, vector<16xi32>], vector<16xf32>,
          %parallel_loop3A_337 = arith.constant 17 : i32
          %parallel_loop3A_338 = vector.broadcast %parallel_loop3A_337 : i32 to vector<16xi32>
          %parallel_loop3A_339 = arith.addi %mul3A_5, %parallel_loop3A_338 : vector<16xi32>
          tpu.vector_store_idx %arg8[%parallel_loop3A_93, %parallel_loop3A_339], %parallel_loop3A_201 : memref<64x128xf32, #tpu.memory_space<vmem>>[vector<16xi32>, vector<16xi32>], vector<16xf32>,
          %parallel_loop3A_340 = arith.constant 18 : i32
          %parallel_loop3A_341 = vector.broadcast %parallel_loop3A_340 : i32 to vector<16xi32>
          %parallel_loop3A_342 = arith.addi %mul3A_5, %parallel_loop3A_341 : vector<16xi32>
          tpu.vector_store_idx %arg8[%parallel_loop3A_93, %parallel_loop3A_342], %parallel_loop3A_207 : memref<64x128xf32, #tpu.memory_space<vmem>>[vector<16xi32>, vector<16xi32>], vector<16xf32>,
          %parallel_loop3A_343 = arith.constant 19 : i32
          %parallel_loop3A_344 = vector.broadcast %parallel_loop3A_343 : i32 to vector<16xi32>
          %parallel_loop3A_345 = arith.addi %mul3A_5, %parallel_loop3A_344 : vector<16xi32>
          tpu.vector_store_idx %arg8[%parallel_loop3A_93, %parallel_loop3A_345], %parallel_loop3A_213 : memref<64x128xf32, #tpu.memory_space<vmem>>[vector<16xi32>, vector<16xi32>], vector<16xf32>,
          %parallel_loop3A_346 = arith.constant 20 : i32
          %parallel_loop3A_347 = vector.broadcast %parallel_loop3A_346 : i32 to vector<16xi32>
          %parallel_loop3A_348 = arith.addi %mul3A_5, %parallel_loop3A_347 : vector<16xi32>
          tpu.vector_store_idx %arg8[%parallel_loop3A_93, %parallel_loop3A_348], %parallel_loop3A_219 : memref<64x128xf32, #tpu.memory_space<vmem>>[vector<16xi32>, vector<16xi32>], vector<16xf32>,
          %parallel_loop3A_349 = arith.constant 21 : i32
          %parallel_loop3A_350 = vector.broadcast %parallel_loop3A_349 : i32 to vector<16xi32>
          %parallel_loop3A_351 = arith.addi %mul3A_5, %parallel_loop3A_350 : vector<16xi32>
          tpu.vector_store_idx %arg8[%parallel_loop3A_93, %parallel_loop3A_351], %parallel_loop3A_225 : memref<64x128xf32, #tpu.memory_space<vmem>>[vector<16xi32>, vector<16xi32>], vector<16xf32>,
          %parallel_loop3A_352 = arith.constant 22 : i32
          %parallel_loop3A_353 = vector.broadcast %parallel_loop3A_352 : i32 to vector<16xi32>
          %parallel_loop3A_354 = arith.addi %mul3A_5, %parallel_loop3A_353 : vector<16xi32>
          tpu.vector_store_idx %arg8[%parallel_loop3A_93, %parallel_loop3A_354], %parallel_loop3A_231 : memref<64x128xf32, #tpu.memory_space<vmem>>[vector<16xi32>, vector<16xi32>], vector<16xf32>,
          %parallel_loop3A_355 = arith.constant 23 : i32
          %parallel_loop3A_356 = vector.broadcast %parallel_loop3A_355 : i32 to vector<16xi32>
          %parallel_loop3A_357 = arith.addi %mul3A_5, %parallel_loop3A_356 : vector<16xi32>
          tpu.vector_store_idx %arg8[%parallel_loop3A_93, %parallel_loop3A_357], %parallel_loop3A_237 : memref<64x128xf32, #tpu.memory_space<vmem>>[vector<16xi32>, vector<16xi32>], vector<16xf32>,
          %parallel_loop3A_358 = arith.constant 24 : i32
          %parallel_loop3A_359 = vector.broadcast %parallel_loop3A_358 : i32 to vector<16xi32>
          %parallel_loop3A_360 = arith.addi %mul3A_5, %parallel_loop3A_359 : vector<16xi32>
          tpu.vector_store_idx %arg8[%parallel_loop3A_93, %parallel_loop3A_360], %parallel_loop3A_243 : memref<64x128xf32, #tpu.memory_space<vmem>>[vector<16xi32>, vector<16xi32>], vector<16xf32>,
          %parallel_loop3A_361 = arith.constant 25 : i32
          %parallel_loop3A_362 = vector.broadcast %parallel_loop3A_361 : i32 to vector<16xi32>
          %parallel_loop3A_363 = arith.addi %mul3A_5, %parallel_loop3A_362 : vector<16xi32>
          tpu.vector_store_idx %arg8[%parallel_loop3A_93, %parallel_loop3A_363], %parallel_loop3A_249 : memref<64x128xf32, #tpu.memory_space<vmem>>[vector<16xi32>, vector<16xi32>], vector<16xf32>,
          %parallel_loop3A_364 = arith.constant 26 : i32
          %parallel_loop3A_365 = vector.broadcast %parallel_loop3A_364 : i32 to vector<16xi32>
          %parallel_loop3A_366 = arith.addi %mul3A_5, %parallel_loop3A_365 : vector<16xi32>
          tpu.vector_store_idx %arg8[%parallel_loop3A_93, %parallel_loop3A_366], %parallel_loop3A_255 : memref<64x128xf32, #tpu.memory_space<vmem>>[vector<16xi32>, vector<16xi32>], vector<16xf32>,
          %parallel_loop3A_367 = arith.constant 27 : i32
          %parallel_loop3A_368 = vector.broadcast %parallel_loop3A_367 : i32 to vector<16xi32>
          %parallel_loop3A_369 = arith.addi %mul3A_5, %parallel_loop3A_368 : vector<16xi32>
          tpu.vector_store_idx %arg8[%parallel_loop3A_93, %parallel_loop3A_369], %parallel_loop3A_261 : memref<64x128xf32, #tpu.memory_space<vmem>>[vector<16xi32>, vector<16xi32>], vector<16xf32>,
          %parallel_loop3A_370 = arith.constant 28 : i32
          %parallel_loop3A_371 = vector.broadcast %parallel_loop3A_370 : i32 to vector<16xi32>
          %parallel_loop3A_372 = arith.addi %mul3A_5, %parallel_loop3A_371 : vector<16xi32>
          tpu.vector_store_idx %arg8[%parallel_loop3A_93, %parallel_loop3A_372], %parallel_loop3A_267 : memref<64x128xf32, #tpu.memory_space<vmem>>[vector<16xi32>, vector<16xi32>], vector<16xf32>,
          %parallel_loop3A_373 = arith.constant 29 : i32
          %parallel_loop3A_374 = vector.broadcast %parallel_loop3A_373 : i32 to vector<16xi32>
          %parallel_loop3A_375 = arith.addi %mul3A_5, %parallel_loop3A_374 : vector<16xi32>
          tpu.vector_store_idx %arg8[%parallel_loop3A_93, %parallel_loop3A_375], %parallel_loop3A_273 : memref<64x128xf32, #tpu.memory_space<vmem>>[vector<16xi32>, vector<16xi32>], vector<16xf32>,
          %parallel_loop3A_376 = arith.constant 30 : i32
          %parallel_loop3A_377 = vector.broadcast %parallel_loop3A_376 : i32 to vector<16xi32>
          %parallel_loop3A_378 = arith.addi %mul3A_5, %parallel_loop3A_377 : vector<16xi32>
          tpu.vector_store_idx %arg8[%parallel_loop3A_93, %parallel_loop3A_378], %parallel_loop3A_279 : memref<64x128xf32, #tpu.memory_space<vmem>>[vector<16xi32>, vector<16xi32>], vector<16xf32>,
          %parallel_loop3A_379 = arith.constant 31 : i32
          %parallel_loop3A_380 = vector.broadcast %parallel_loop3A_379 : i32 to vector<16xi32>
          %parallel_loop3A_381 = arith.addi %mul3A_5, %parallel_loop3A_380 : vector<16xi32>
          tpu.vector_store_idx %arg8[%parallel_loop3A_93, %parallel_loop3A_381], %parallel_loop3A_285 : memref<64x128xf32, #tpu.memory_space<vmem>>[vector<16xi32>, vector<16xi32>], vector<16xf32>,
        } {sc.loop_unroll_factor = 16 : i64, sc.parallel_access}
        %mul3A_74 = arith.constant 64 : i32
        %mul3A_75 = arith.muli %add3A_56, %mul3A_74 : i32
        %dma_start3A = arith.constant 0 : i32
        %dma_start3A_76 = tpu.memref_slice %arg4[%mul3A_75, %dma_start3A] : memref<250000x128xf32, #tpu.memory_space<hbm>> -> memref<64x128xf32, #tpu.memory_space<hbm>>
        %dma_start3A_77 = arith.constant 0 : i32
        %dma_start3A_78 = tpu.memref_slice %arg4[%mul3A_75, %dma_start3A_77] : memref<250000x128xf32, #tpu.memory_space<hbm>> -> memref<64x128xf32, #tpu.memory_space<hbm>>
        tpu.enqueue_dma source(%arg8 : memref<64x128xf32, #tpu.memory_space<vmem>>) target(%dma_start3A_78 : memref<64x128xf32, #tpu.memory_space<hbm>>) target_semaphore(%arg12 : memref<!tpu.dma_semaphore, #tpu.memory_space<semaphore_mem>>)
        %add3A_79 = arith.constant 64 : i32
        %add3A_80 = arith.addi %add3A_56, %add3A_79 : i32
        %lt3A_81 = arith.constant 3906 : i32
        %lt3A_82 = arith.cmpi slt, %add3A_80, %lt3A_81 : i32
        %convert_element_type3A_83 = arith.extui %lt3A_82 : i1 to i32
        %cond3A_84 = arith.constant 0 : i32
        %cond3A_85 = arith.cmpi ne, %convert_element_type3A_83, %cond3A_84 : i32
        scf.if %cond3A_85 {
          %mul3A_86 = arith.constant 256 : i32
          %mul3A_87 = arith.muli %add3A_80, %mul3A_86 : i32
          %dma_start3A_88 = arith.constant 0 : i32
          %dma_start3A_89 = tpu.memref_slice %arg2[%dma_start3A_88, %mul3A_87] : memref<32x1000000xf32, #tpu.memory_space<hbm>> -> memref<32x256xf32, #tpu.memory_space<hbm>>
          %dma_start3A_90 = arith.constant 0 : i32
          %dma_start3A_91 = tpu.memref_slice %arg2[%dma_start3A_90, %mul3A_87] : memref<32x1000000xf32, #tpu.memory_space<hbm>> -> memref<32x256xf32, #tpu.memory_space<hbm>>
          tpu.enqueue_dma source(%dma_start3A_91 : memref<32x256xf32, #tpu.memory_space<hbm>>) target(%arg6 : memref<32x256xf32, #tpu.memory_space<vmem>>) target_semaphore(%arg10 : memref<!tpu.dma_semaphore, #tpu.memory_space<semaphore_mem>>)
        } else {
        }
      } else {
      }
    }
    %scan3A_21 = arith.constant 62 : i32
    %dma_wait3A = arith.constant 0 : i32
    %dma_wait3A_22 = arith.constant 0 : i32
    %dma_wait3A_23 = tpu.memref_slice %arg4[%dma_wait3A, %dma_wait3A_22] : memref<250000x128xf32, #tpu.memory_space<hbm>> -> memref<64x128xf32, #tpu.memory_space<hbm>>
    %dma_wait3A_24 = arith.constant 0 : i32
    %dma_wait3A_25 = arith.constant 0 : i32
    %dma_wait3A_26 = tpu.memref_slice %arg4[%dma_wait3A_24, %dma_wait3A_25] : memref<250000x128xf32, #tpu.memory_space<hbm>> -> memref<64x128xf32, #tpu.memory_space<hbm>>
    tpu.wait_dma2 semaphore(%arg11 : memref<!tpu.dma_semaphore, #tpu.memory_space<semaphore_mem>>) src(%arg7 : memref<64x128xf32, #tpu.memory_space<vmem>>) dst(%dma_wait3A_26 : memref<64x128xf32, #tpu.memory_space<hbm>>)
    %dma_wait3A_27 = arith.constant 0 : i32
    %dma_wait3A_28 = arith.constant 0 : i32
    %dma_wait3A_29 = tpu.memref_slice %arg4[%dma_wait3A_27, %dma_wait3A_28] : memref<250000x128xf32, #tpu.memory_space<hbm>> -> memref<64x128xf32, #tpu.memory_space<hbm>>
    %dma_wait3A_30 = arith.constant 0 : i32
    %dma_wait3A_31 = arith.constant 0 : i32
    %dma_wait3A_32 = tpu.memref_slice %arg4[%dma_wait3A_30, %dma_wait3A_31] : memref<250000x128xf32, #tpu.memory_space<hbm>> -> memref<64x128xf32, #tpu.memory_space<hbm>>
    tpu.wait_dma2 semaphore(%arg12 : memref<!tpu.dma_semaphore, #tpu.memory_space<semaphore_mem>>) src(%arg8 : memref<64x128xf32, #tpu.memory_space<vmem>>) dst(%dma_wait3A_32 : memref<64x128xf32, #tpu.memory_space<hbm>>)
    %eq3A = arith.constant 31 : i32
    %eq3A_33 = arith.cmpi eq, %add3A, %eq3A : i32
    %convert_element_type3A_34 = arith.extui %eq3A_33 : i1 to i32
    %cond3A_35 = arith.constant 0 : i32
    %cond3A_36 = arith.cmpi ne, %convert_element_type3A_34, %cond3A_35 : i32
    scf.if %cond3A_36 {
      "tpu.region"() ({
        %run_scoped3A = tpu.sem_alloc : memref<!tpu.dma_semaphore, #tpu.memory_space<semaphore_mem>>
        %dma_start3A = arith.constant 0 : i32
        %dma_start3A_37 = arith.constant 0 : i32
        %dma_start3A_38 = tpu.memref_slice %arg5[%dma_start3A, %dma_start3A_37] : memref<32x256xf32, #tpu.memory_space<vmem>> -> memref<16x128xf32, #tpu.memory_space<vmem>>
        %dma_start3A_39 = arith.constant 0 : i32
        %dma_start3A_40 = arith.constant 0 : i32
        %dma_start3A_41 = tpu.memref_slice %arg5[%dma_start3A_39, %dma_start3A_40] : memref<32x256xf32, #tpu.memory_space<vmem>> -> memref<16x128xf32, #tpu.memory_space<vmem>>
        tpu.enqueue_dma source(%arg3 : memref<16x128xf32, #tpu.memory_space<hbm>>) target(%dma_start3A_41 : memref<16x128xf32, #tpu.memory_space<vmem>>) target_semaphore(%run_scoped3A : memref<!tpu.dma_semaphore, #tpu.memory_space<semaphore_mem>>)
        %dma_wait3A_42 = arith.constant 0 : i32
        %dma_wait3A_43 = arith.constant 0 : i32
        %dma_wait3A_44 = tpu.memref_slice %arg5[%dma_wait3A_42, %dma_wait3A_43] : memref<32x256xf32, #tpu.memory_space<vmem>> -> memref<16x128xf32, #tpu.memory_space<vmem>>
        %dma_wait3A_45 = arith.constant 0 : i32
        %dma_wait3A_46 = arith.constant 0 : i32
        %dma_wait3A_47 = tpu.memref_slice %arg5[%dma_wait3A_45, %dma_wait3A_46] : memref<32x256xf32, #tpu.memory_space<vmem>> -> memref<16x128xf32, #tpu.memory_space<vmem>>
        tpu.wait_dma2 semaphore(%run_scoped3A : memref<!tpu.dma_semaphore, #tpu.memory_space<semaphore_mem>>) src(%arg3 : memref<16x128xf32, #tpu.memory_space<hbm>>) dst(%dma_wait3A_47 : memref<16x128xf32, #tpu.memory_space<vmem>>)
        tpu.yield
      }) : () -> ()
      "tpu.region"() ({
        %run_scoped3A = tpu.sem_alloc : memref<!tpu.dma_semaphore, #tpu.memory_space<semaphore_mem>>
        %dma_start3A = arith.constant 0 : i32
        %dma_start3A_37 = arith.constant 0 : i32
        %dma_start3A_38 = tpu.memref_slice %arg5[%dma_start3A, %dma_start3A_37] : memref<32x256xf32, #tpu.memory_space<vmem>> -> memref<16x128xf32, #tpu.memory_space<vmem>>
        %dma_start3A_39 = arith.constant 249984 : i32
        %dma_start3A_40 = arith.constant 0 : i32
        %dma_start3A_41 = tpu.memref_slice %arg4[%dma_start3A_39, %dma_start3A_40] : memref<250000x128xf32, #tpu.memory_space<hbm>> -> memref<16x128xf32, #tpu.memory_space<hbm>>
        %dma_start3A_42 = arith.constant 249984 : i32
        %dma_start3A_43 = arith.constant 0 : i32
        %dma_start3A_44 = tpu.memref_slice %arg4[%dma_start3A_42, %dma_start3A_43] : memref<250000x128xf32, #tpu.memory_space<hbm>> -> memref<16x128xf32, #tpu.memory_space<hbm>>
        %dma_start3A_45 = arith.constant 0 : i32
        %dma_start3A_46 = arith.constant 0 : i32
        %dma_start3A_47 = tpu.memref_slice %arg5[%dma_start3A_45, %dma_start3A_46] : memref<32x256xf32, #tpu.memory_space<vmem>> -> memref<16x128xf32, #tpu.memory_space<vmem>>
        tpu.enqueue_dma source(%dma_start3A_47 : memref<16x128xf32, #tpu.memory_space<vmem>>) target(%dma_start3A_44 : memref<16x128xf32, #tpu.memory_space<hbm>>) target_semaphore(%run_scoped3A : memref<!tpu.dma_semaphore, #tpu.memory_space<semaphore_mem>>)
        %dma_wait3A_48 = arith.constant 0 : i32
        %dma_wait3A_49 = arith.constant 0 : i32
        %dma_wait3A_50 = tpu.memref_slice %arg5[%dma_wait3A_48, %dma_wait3A_49] : memref<32x256xf32, #tpu.memory_space<vmem>> -> memref<16x128xf32, #tpu.memory_space<vmem>>
        %dma_wait3A_51 = arith.constant 249984 : i32
        %dma_wait3A_52 = arith.constant 0 : i32
        %dma_wait3A_53 = tpu.memref_slice %arg4[%dma_wait3A_51, %dma_wait3A_52] : memref<250000x128xf32, #tpu.memory_space<hbm>> -> memref<16x128xf32, #tpu.memory_space<hbm>>
        %dma_wait3A_54 = arith.constant 249984 : i32
        %dma_wait3A_55 = arith.constant 0 : i32
        %dma_wait3A_56 = tpu.memref_slice %arg4[%dma_wait3A_54, %dma_wait3A_55] : memref<250000x128xf32, #tpu.memory_space<hbm>> -> memref<16x128xf32, #tpu.memory_space<hbm>>
        %dma_wait3A_57 = arith.constant 0 : i32
        %dma_wait3A_58 = arith.constant 0 : i32
        %dma_wait3A_59 = tpu.memref_slice %arg5[%dma_wait3A_57, %dma_wait3A_58] : memref<32x256xf32, #tpu.memory_space<vmem>> -> memref<16x128xf32, #tpu.memory_space<vmem>>
        tpu.wait_dma2 semaphore(%run_scoped3A : memref<!tpu.dma_semaphore, #tpu.memory_space<semaphore_mem>>) src(%dma_wait3A_59 : memref<16x128xf32, #tpu.memory_space<vmem>>) dst(%dma_wait3A_56 : memref<16x128xf32, #tpu.memory_space<hbm>>)
        tpu.yield
      }) : () -> ()
    } else {
    }
    return
  }
}

</mosaic_0001>

<sc_bundles>
// kernel: _sc_transpose.3.cloned.1.call-start
scs
__scs_entry_jumppad:
0x0: {  	(pc) =	sbr.rel $0x88, $3  }
0x1: {  	(tag) =	ssettag $0x0;
	lr =	simm.s32 $0x1  }
0x2: {  	[smem:$0x3F9F] =	sst lr;
	_ =	strace $0xD0000000  }
0x3: {  	_ = 	snop  }
0x4: {  	_ = 	snop  }
0x5: {  	_ = 	snop  }
0x6: {  	_ = 	snop  }
0x7: {  	_ = 	snop  }
__scs_overlays_trampoline_lowered:
0x8: {  	[smem:$0x3FAE] =	sst s0  }
0x9: {  	[smem:$0x3FAF] =	sst s1  }
0xa: {  	[smem:$0x3FB0] =	sst s2  }
0xb: {  	[smem:$0x3FB1] =	sst s3  }
0xc: {  	[smem:$0x3FB2] =	sst s4  }
0xd: {  	[smem:$0x3FB3] =	sst s5  }
0xe: {  	[smem:$0x3FB4] =	sst s6  }
0xf: {  	[smem:$0x3FB5] =	sst s7  }
0x10: {  	[smem:$0x3FB6] =	sst s8  }
0x11: {  	[smem:$0x3FB7] =	sst s9;
	s0 =	simm.s32 @!p0 $0x0  }
0x12: {  	s1 =	sld [smem:$0x3F9D];
	s0 =	simm.s32 @p0 $0x1  }
0x13: {  	[smem:$0x3FB8] =	sst s0;
	s0 =	simm.s32 @!p1 $0x0  }
0x14: {  	s2 =	sld [smem:$0x3F9C];
	s0 =	simm.s32 @p1 $0x1  }
0x15: {  	[smem:$0x3FB9] =	sst s0;
	s0 =	simm.s32 @!p2 $0x0  }
0x16: {  	s3 =	sld [smem:$0x3FDB];
	s0 =	simm.s32 @p2 $0x1  }
0x17: {  	s4 =	simm.s32 $0x1BF5;
	[smem:$0x3FBB] =	sst s0  }
0x18: {  	s0 =	sld [smem:$0x3F9E];
	_ =	swait.ge [sflag:s4], $0x0  }
0x19: {  	s7 =	sld [smem:$0x3F9F]  }
0x1a: {  	s8 =	sadd.s32 $0xFFFFE003, lr  }
0x1b: {  	s9 =	sadd.s32 $0xFFFFFEF7, lr;
	s5 =	simm.s32 $0xFFFFFFFF;
	p2 =	slt.u32 s8, $0xFFFFF086  }
0x1c: {  	p1 =	slt.u32 s9, $0xF7A;
	s5 =	simm.s32 @!p2 $0x0  }
0x1d: {  	s5 =	simm.s32 @p1 $0x1;
	p0 =	seq.s32 s7, s2  }
0x1e: {  	s7 =	smul.u32 @!p0 $0xF7A, s2;
	p2 =	seq.s32 @!p0 s5, $0x0  }
0x1f: {  	s9 =	smul.u32 $0xF7A, s1;
	s8 =	simm.s32 @!p0 $0x1BF5;
	p2 =	por !p2, p0  }
0x20: {  	[sflag:s8] =	ssyncset.s32 @!p0 $0xFFFFF086;
	s6 =	sadd.s32 @!p0 s3, s7;
	s7 =	simm.s32 @!p0 $0x108  }
0x21: {  	s3 =	sadd.s32 s3, s9;
	s6 =	sadd.s32 @!p0 $0x88, s6;
	s7 =	simm.s32 @p2 $0x1082  }
0x22: {  	[simem:s7], [sflag:s8] =	dma.local @!p0 [hbm:s6], $0xF7A  }
0x23: {  	s9 =	sor.u32 $0xD0000000, s2;
	s6 =	simm.s32 $0x108;
	_ =	swait.ge @!p0 [sflag:s8], $0x0  }
0x24: {  	s3 =	sadd.s32 $0x88, s3;
	s6 =	simm.s32 @!p1 $0x1082;
	[sflag:s4] =	ssyncset.s32 $0xFFFFF086  }
0x25: {  	[simem:s6], [sflag:s4] =	dma.local [hbm:s3], $0xF7A  }
0x26: {  	[smem:$0x3F9F] =	sst s1;
	(tag) =	ssettag s2;
	_ =	strace s9  }
0x27: {  	s1 =	sld [smem:$0x3FAF]  }
0x28: {  	s2 =	sld [smem:$0x3FB0]  }
0x29: {  	s4 =	sld [smem:$0x3FB2]  }
0x2a: {  	p0 =	seq.s32 s5, $0x0;
	s5 =	sld [smem:$0x3FB3]  }
0x2b: {  	s6 =	sld [smem:$0x3FB4]  }
0x2c: {  	s7 =	sld [smem:$0x3FB5]  }
0x2d: {  	s3 =	simm.s32 $0x108;
	s8 =	sld [smem:$0x3FB6]  }
0x2e: {  	s3 =	simm.s32 @!p0 $0x1082;
	s9 =	sld [smem:$0x3FB7]  }
0x2f: {  	lr =	sadd.s32 s0, s3;
	s0 =	sld [smem:$0x3FAE]  }
0x30: {  	s3 =	sld [smem:$0x3FB1]  }
0x31: {  	[smem:$0x3FBA] =	sst s10  }
0x32: {  	s10 =	sld [smem:$0x3FB8];
	_ =	sdelay $0x3  }
0x33: {  	p0 =	seq.s32 s10, $0x1;
	s10 =	sld [smem:$0x3FBA];
	_ =	sdelay $0x3  }
0x34: {  	[smem:$0x3FBA] =	sst s10  }
0x35: {  	s10 =	sld [smem:$0x3FB9];
	_ =	sdelay $0x3  }
0x36: {  	p1 =	seq.s32 s10, $0x1;
	s10 =	sld [smem:$0x3FBA];
	_ =	sdelay $0x3  }
0x37: {  	[smem:$0x3FBA] =	sst s10  }
0x38: {  	s10 =	sld [smem:$0x3FBB]  }
0x39: {  	_ = 	snop;
	(pc) =	sbr.ind lr, $3  }
0x3a: {  	_ = 	snop  }
0x3b: {  	_ = 	snop  }
0x3c: {  	p2 =	seq.s32 s10, $0x1;
	s10 =	sld [smem:$0x3FBA]  }
0x3d: {  	_ =	shalt  }
0x3e: {  	_ =	shalt  }
0x3f: {  	_ =	shalt  }
0x40: {  	_ =	shalt  }
0x41: {  	_ =	shalt  }
0x42: {  	_ =	shalt  }
0x43: {  	_ =	shalt  }
0x44: {  	_ =	shalt  }
0x45: {  	_ =	shalt  }
0x46: {  	_ =	shalt  }
0x47: {  	_ =	shalt  }
0x48: {  	_ =	shalt  }
0x49: {  	_ =	shalt  }
0x4a: {  	_ =	shalt  }
0x4b: {  	_ =	shalt  }
0x4c: {  	_ =	shalt  }
0x4d: {  	_ =	shalt  }
0x4e: {  	_ =	shalt  }
0x4f: {  	_ =	shalt  }
0x50: {  	_ =	shalt  }
0x51: {  	_ =	shalt  }
0x52: {  	_ =	shalt  }
0x53: {  	_ =	shalt  }
0x54: {  	_ =	shalt  }
0x55: {  	_ =	shalt  }
0x56: {  	_ =	shalt  }
0x57: {  	_ =	shalt  }
0x58: {  	_ =	shalt  }
0x59: {  	_ =	shalt  }
0x5a: {  	_ =	shalt  }
0x5b: {  	_ =	shalt  }
0x5c: {  	_ =	shalt  }
0x5d: {  	_ =	shalt  }
0x5e: {  	_ =	shalt  }
0x5f: {  	_ =	shalt  }
0x60: {  	_ =	shalt  }
0x61: {  	_ =	shalt  }
0x62: {  	_ =	shalt  }
0x63: {  	_ =	shalt  }
0x64: {  	_ =	shalt  }
0x65: {  	_ =	shalt  }
0x66: {  	_ =	shalt  }
0x67: {  	_ =	shalt  }
0x68: {  	_ =	shalt  }
0x69: {  	_ =	shalt  }
0x6a: {  	_ =	shalt  }
0x6b: {  	_ =	shalt  }
0x6c: {  	_ =	shalt  }
0x6d: {  	_ =	shalt  }
0x6e: {  	_ =	shalt  }
0x6f: {  	_ =	shalt  }
0x70: {  	_ =	shalt  }
0x71: {  	_ =	shalt  }
0x72: {  	_ =	shalt  }
0x73: {  	_ =	shalt  }
0x74: {  	_ =	shalt  }
0x75: {  	_ =	shalt  }
0x76: {  	_ =	shalt  }
0x77: {  	_ =	shalt  }
0x78: {  	_ =	shalt  }
0x79: {  	_ =	shalt  }
0x7a: {  	_ =	shalt  }
0x7b: {  	_ =	shalt  }
0x7c: {  	_ =	shalt  }
0x7d: {  	_ =	shalt  }
0x7e: {  	_ =	shalt  }
0x7f: {  	_ =	shalt  }
0x80: {  	_ =	shalt  }
0x81: {  	_ =	shalt  }
0x82: {  	_ =	shalt  }
0x83: {  	_ =	shalt  }
0x84: {  	_ =	shalt  }
0x85: {  	_ =	shalt  }
0x86: {  	_ =	shalt  }
0x87: {  	_ =	shalt  }
.Lfunc_end0:
.L_simem_size_0:
called_computation_lowered:
.L_overlay_start_0:
0x88: {  	s2 =	sld [smem:$0x3FD9]  }
0x89: {  	s3 =	sld [smem:$0x3FFE];
	_ =	sdelay $0x1  }
0x8a: {  	s1 =	srdreg.scid  }
0x8b: {  	s0 =	sand.u32 $0x1, s1  }
0x8c: {  	s18 =	sshll.u32 s0, $0xA;
	s2 =	sadd.s32 s3, s2  }
0x8d: {  	s2 =	sadd.s32 s2, s18  }
0x8e: {  	[smem:$0x3FC6] =	sst s2  }
0x8f: {  	_ = 	snop  }
0x90: {  	s2 =	sld [smem:$0x3FC9]  }
0x91: {  	s19 =	sld [smem:$0x3FC8]  }
0x92: {  	s4 =	sld [smem:$0x3FD0];
	(tm) =	ssettm $0x1  }
0x93: {  	s5 =	sld [smem:$0x3FFB];
	_ =	sdelay $0x3  }
0x94: {  	_ =	strace s5  }
0x95: {  	s5 =	sld [smem:$0x3FFC];
	_ =	sdelay $0x3  }
0x96: {  	_ =	strace s5  }
0x97: {  	s5 =	sld [smem:$0x3FFD];
	_ =	sdelay $0x3  }
0x98: {  	_ =	strace s5  }
0x99: {  	_ =	strace $0x8FFFFFFF  }
0x9a: {  	s20 =	sld [smem:$0x3FDB];
	_ =	sdelay $0x1  }
0x9b: {  	s6 =	simm.s32 $_scs_section_size  }
0x9c: {  	s7 =	simm.s32 $_size__tile_overlayer_lowered;
	s8 =	simm.s32 $_tile_overlayer_lowered  }
0x9d: {  	s23 =	simm.s32 $0x1BFF;
	s22 =	sshll.u32 s8, $0x1;
	s5 =	sadd.s32 s6, s20  }
0x9e: {  	s9 =	simm.s32 $0x0;
	s21 =	sshll.u32 s7, $0x1;
	s7 =	sadd.s32 s22, s5  }
0x9f: {  	[timem:s9], [sflag:s23] =	dma.local [hbm:s7], s21  }
0xa0: {  	_ =	swait.ge [sflag:s23], s21  }
0xa1: {  	s6 =	ssub.s32 $0x0, s21;
	[sflag:s23] =	ssyncset.done $0x0  }
0xa2: {  	[sflag:s23] =	ssyncadd.s32 s6;
	_ =	sdelay $0x1  }
0xa3: {  	s24 =	simm.s32 $0x1B8B  }
0xa4: {  	_ =	swait.ge [sflag:s24], $0x1  }
0xa5: {  	[sflag:s24] =	ssyncset.done $0x0  }
0xa6: {  	s25 =	simm.s32 $0x1B8E;
	[sflag:s24] =	ssyncadd.s32 $0xFFFFFFFF  }
0xa7: {  	s26 =	simm.s32 $execute0_lowered;
	[smem:$0x3FD2] =	sst s25  }
0xa8: {  	s6 =	sshll.u32 s26, $0x1;
	_ =	strace $0x80000046;
	[dreg:$0x1] =	wrdreg $0xFFFFFFFF  }
0xa9: {  	s28 =	simm.s32 $_size_execute0_lowered;
	s5 =	sadd.s32 s5, s6;
	[dreg:$0x0] =	wrdreg $0x0  }
0xaa: {  	s6 =	sshll.u32 s28, $0x1;
	[dreg:$0x2] =	wrdreg s5  }
0xab: {  	[dreg:$0x3] =	wrdreg s6  }
0xac: {  	[dreg:$0x4] =	wrdreg $0xC0  }
0xad: {  	_ =	task [dreg:s9], $0x5FFFF  }
0xae: {  	[dreg:$0x1] =	wrdreg $0xFFFFFFFF  }
0xaf: {  	[dreg:$0x0] =	wrdreg $0x60  }
0xb0: {  	[dreg:$0x2] =	wrdreg s2  }
0xb1: {  	[dreg:$0x3] =	wrdreg s19  }
0xb2: {  	[dreg:$0x4] =	wrdreg s4  }
0xb3: {  	[dreg:$0x5] =	wrdreg $0x9  }
0xb4: {  	_ =	task.clear_ibuf [dreg:s9], $0x6FFFF;
	_ =	strace $0x90000046  }
0xb5: {  	s29 =	simm.s32 $0x9;
	_ =	strace $0x80000048  }
0xb6: {  	_ =	swait.ge [sflag:s29], $0x1  }
0xb7: {  	[sflag:s29] =	ssyncadd.s32 $0xFFFFFFFF  }
0xb8: {  	_ =	strace $0x90000048  }
0xb9: {  	_ =	sfence  }
0xba: {  	s30 =	sld [smem:$0x0];
	_ =	sdelay $0x2  }
0xbb: {  	s31 =	sshll.u32 s1, $0xD;
	s1 =	sshrl.u32 s1, $0x2  }
0xbc: {  	s3 =	sand.u32 $0x4000, s31;
	s1 =	sadd.s32 s1, s30  }
0xbd: {  	s0 =	sor.u32 s3, s0;
	s1 =	sshll.u32 s1, $0x11  }
0xbe: {  	s0 =	sor.u32 s1, s0  }
0xbf: {  	s0 =	sadd.s32 $0x8F2B, s0  }
0xc0: {  	[sflag:s0] =	ssyncadd.remote.s32 $0x1  }
0xc1: {  	_ =	sfence.sel $0xFFFF  }
0xc2: {  	[dreg:$0x0] =	wrdreg $0xFFFFFFFF;
	(pc) =	sbr.abs _section_cstart, $3  }
0xc3: {  	[dreg:$0x1] =	wrdreg $0xFFFFFFFF  }
0xc4: {  	_ =	task.clear_ibuf [dreg:s9], $0x2FFFF;
	_ =	strace $0x9FFFFFFF  }
0xc5: {  	(tm) =	ssettm $0x7FFFFFFF  }
tec
execute0_lowered:
.L_overlay_start_1:
0x0: {  	(tag) =	ssettag $0x1  }
0x1: {  	v0 =	vlaneseq.u32  }
0x2: {  	v0 =	vmul.u32 $0x20, v0;
	_ =	sdelay $0x1  }
0x3: {  	v1 =	vor.u32 $0x1, v0  }
0x4: {  	[tilespmem:$0x1FDB0] =	vst v1;
	v1 =	vor.u32 $0x2, v0  }
0x5: {  	[tilespmem:$0x1FDC0] =	vst v1;
	v1 =	vor.u32 $0x3, v0  }
0x6: {  	[tilespmem:$0x1FDD0] =	vst v1;
	v1 =	vor.u32 $0x4, v0  }
0x7: {  	[tilespmem:$0x1FDE0] =	vst v1;
	v1 =	vor.u32 $0x5, v0  }
0x8: {  	[tilespmem:$0x1FDF0] =	vst v1;
	v1 =	vor.u32 $0x6, v0  }
0x9: {  	[tilespmem:$0x1FE00] =	vst v1;
	v1 =	vor.u32 $0x7, v0  }
0xa: {  	[tilespmem:$0x1FE10] =	vst v1;
	v1 =	vor.u32 $0x8, v0  }
0xb: {  	[tilespmem:$0x1FE20] =	vst v1;
	v1 =	vor.u32 $0x9, v0  }
0xc: {  	[tilespmem:$0x1FE30] =	vst v1;
	v1 =	vor.u32 $0xA, v0  }
0xd: {  	[tilespmem:$0x1FE40] =	vst v1;
	v1 =	vor.u32 $0xB, v0  }
0xe: {  	[tilespmem:$0x1FE50] =	vst v1;
	v1 =	vor.u32 $0xC, v0  }
0xf: {  	[tilespmem:$0x1FE60] =	vst v1;
	v1 =	vor.u32 $0xD, v0  }
0x10: {  	[tilespmem:$0x1FE70] =	vst v1;
	v1 =	vor.u32 $0xE, v0  }
0x11: {  	[tilespmem:$0x1FE80] =	vst v1;
	v1 =	vor.u32 $0xF, v0  }
0x12: {  	[tilespmem:$0x1FE90] =	vst v1;
	v1 =	vor.u32 $0x10, v0  }
0x13: {  	[tilespmem:$0x1FEA0] =	vst v1;
	v1 =	vor.u32 $0x11, v0  }
0x14: {  	[tilespmem:$0x1FEB0] =	vst v1;
	v1 =	vor.u32 $0x12, v0  }
0x15: {  	[tilespmem:$0x1FEC0] =	vst v1;
	v1 =	vor.u32 $0x13, v0  }
0x16: {  	[tilespmem:$0x1FED0] =	vst v1;
	v1 =	vor.u32 $0x14, v0  }
0x17: {  	[tilespmem:$0x1FEE0] =	vst v1;
	v1 =	vor.u32 $0x15, v0  }
0x18: {  	[tilespmem:$0x1FEF0] =	vst v1;
	v1 =	vor.u32 $0x16, v0  }
0x19: {  	[tilespmem:$0x1FF00] =	vst v1;
	v1 =	vor.u32 $0x17, v0  }
0x1a: {  	s10 =	rddreg [dreg:$0x0];
	[tilespmem:$0x1FF10] =	vst v1;
	v1 =	vor.u32 $0x18, v0  }
0x1b: {  	s0 =	rddreg [dreg:$0x1];
	s2 =	srdreg.scid;
	v38 =	vor.u32 $0x206, v0;
	[tilespmem:$0x1FF20] =	vst v1;
	v1 =	vor.u32 $0x19, v0  }
0x1c: {  	s1 =	stileid.u32;
	s11 =	rddreg [dreg:$0x2];
	v39 =	vor.u32 $0x207, v0;
	v40 =	vor.u32 $0x208, v0;
	[tilespmem:$0x1FF30] =	vst v1;
	v1 =	vor.u32 $0x1A, v0  }
0x1d: {  	s3 =	simm.s32 $0x0;
	s15 =	simm.s32 $0x1;
	s16 =	simm.s32 $0x4000;
	v41 =	vor.u32 $0x209, v0;
	v42 =	vor.u32 $0x20A, v0;
	[tilespmem:$0x1FF40] =	vst v1;
	v1 =	vor.u32 $0x1B, v0  }
0x1e: {  	s17 =	simm.s32 $0x2;
	s18 =	simm.s32 $0x6000;
	s19 =	simm.s32 $0x3;
	v43 =	vor.u32 $0x20B, v0;
	v44 =	vor.u32 $0x20C, v0;
	[tilespmem:$0x1FF50] =	vst v1;
	v1 =	vor.u32 $0x1C, v0  }
0x1f: {  	s20 =	simm.s32 $0x4;
	s12 =	sand.u32 $0x1, s2;
	s2 =	rddreg [dreg:$0x3];
	v45 =	vor.u32 $0x20D, v0;
	v46 =	vor.u32 $0x20E, v0;
	[tilespmem:$0x1FF60] =	vst v1;
	v1 =	vor.u32 $0x1D, v0  }
0x20: {  	s21 =	simm.s32 $0x0;
	s4 =	sshll.u32 s1, $0x1;
	[smem:$0x7FF] =	sst s3;
	v47 =	vor.u32 $0x20F, v0;
	v48 =	vor.u32 $0x210, v0;
	[tilespmem:$0x1FF70] =	vst v1;
	v1 =	vor.u32 $0x1E, v0  }
0x21: {  	s9 =	sadd.s32 $0x80, s0;
	s13 =	sshll.u32 s1, $0x9;
	s14 =	sshll.u32 s1, $0xB;
	v49 =	vor.u32 $0x211, v0;
	v50 =	vor.u32 $0x212, v0;
	[tilespmem:$0x1FF80] =	vst v1;
	v1 =	vor.u32 $0x1F, v0  }
0x22: {  	s4 =	sor.u32 s12, s4;
	s6 =	ssub.s32 $0x2, s12;
	s31 =	sshll.u32 s12, $0x8;
	v51 =	vor.u32 $0x213, v0;
	v52 =	vor.u32 $0x214, v0;
	[tilespmem:$0x1FF90] =	vst v1;
	v1 =	vor.u32 $0x200, v0  }
0x23: {  	s12 =	sshll.u32 s12, $0xA;
	s5 =	sshll.u32 s4, $0x8;
	s7 =	sshrl.u32 s6, $0x1;
	v53 =	vor.u32 $0x215, v0;
	v54 =	vor.u32 $0x216, v0;
	[tilespmem:$0x1FFA0] =	vst v1;
	v1 =	vor.u32 $0x201, v0  }
.Ltmp0:
0x24: {  	v55 =	vor.u32 $0x217, v0;
	v56 =	vor.u32 $0x218, v0;
	p0 =	sne.s32 s4, $0x1F;
	s5 =	sadd.s32 s10, s5;
	[tilespmem:$0x1FFB0] =	vst v1;
	v1 =	vor.u32 $0x202, v0;
	(pc) =	sbr.rel .LBB2_1-.Ltmp0, $4  }
0x25: {  	v57 =	vor.u32 $0x219, v0;
	v58 =	vor.u32 $0x21A, v0;
	s8 =	ssub.s32 s6, s7;
	s7 =	sadd.s32 $0x3D0800, s11;
	s10 =	sadd.s32 s13, s10;
	[tilespmem:$0x1FFC0] =	vst v1;
	v1 =	vor.u32 $0x203, v0  }
0x26: {  	v59 =	vor.u32 $0x21B, v0;
	s11 =	sadd.s32 s14, s11;
	s13 =	simm.s32 $0x7A1400;
	s14 =	simm.s32 $0x2000;
	[tilespmem:$0x1FFD0] =	vst v1;
	v1 =	vor.u32 $0x204, v0  }
0x27: {  	v60 =	vor.u32 $0x21C, v0;
	v61 =	vor.u32 $0x21D, v0;
	s6 =	sadd.s32 $0x2000, s5;
	s8 =	smax.u32 s8, $0x1;
	s10 =	sadd.s32 s31, s10;
	[tilespmem:$0x1FFE0] =	vst v1;
	v1 =	vor.u32 $0x205, v0  }
0x28: {  	v62 =	vor.u32 $0x21E, v0;
	v63 =	vor.u32 $0x21F, v0;
	s11 =	sadd.s32 s12, s11;
	s12 =	simm.s32 $0x800;
	_ =	strace $0x80000047;
	[tilespmem:$0x1FFF0] =	vst v1  }
.LBB2_7:
0x29: {  	_ =	swait.ge [sflag:s19], $0x2000  }
0x2a: {  	[sflag:s19] =	ssyncset.done $0x0  }
0x2b: {  	[sflag:s19] =	ssyncadd.s32 $0xFFFFE000  }
0x2c: {  	_ =	swait.ge [sflag:s20], $0x2000  }
0x2d: {  	[sflag:s20] =	ssyncset.done $0x0  }
0x2e: {  	s22 =	simm.s32 @!p0 $0x0;
	[sflag:s20] =	ssyncadd.s32 $0xFFFFE000  }
0x2f: {  	[tilespmem:s22], [sflag:$0x5] =	stream.linear.gather @!p0 [hbm4b:s0+s22], $0x400, $0x38;
	[tilespmem:$0x8000] =	vst v63  }
0x30: {  	s23 =	simm.s32 @!p0 $0x800;
	s24 =	simm.s32 @!p0 $0x5  }
0x31: {  	[tilespmem:s23], [sflag:$0x5] =	stream.linear.gather @!p0 [hbm4b:s9+s22], $0x400, $0x38;
	[tilespmem:$0x8000] =	vst v63  }
0x32: {  	_ =	swait.ge @!p0 [sflag:s24], $0x800  }
0x33: {  	s21 =	sadd.s32 $0x1, s21;
	[sflag:s24] =	ssyncset.done @!p0 $0x0  }
0x34: {  	p1 =	sne.s32 s21, s8;
	[sflag:s24] =	ssyncadd.s32 @!p0 $0xFFFFF800  }
0x35: {  	[hbm4b:s7+s22] =	stream.linear.scatter @!p0 [tilespmem:s22], [sflag:$0x5], $0x400, $0x38;
	[tilespmem:$0x8000] =	vst v63  }
.Ltmp1:
0x36: {  	s25 =	sadd.s32 @!p0 $0x80, s7;
	(pc) =	sbr.rel @!p1 .LBB2_8-.Ltmp1, $4  }
0x37: {  	[hbm4b:s25+s22] =	stream.linear.scatter @!p0 [tilespmem:s23], [sflag:$0x5], $0x400, $0x38;
	[tilespmem:$0x8000] =	vst v63  }
0x38: {  	_ =	swait.ge @!p0 [sflag:s24], $0x800  }
0x39: {  	[sflag:s24] =	ssyncset.done @!p0 $0x0  }
0x3a: {  	[sflag:s24] =	ssyncadd.s32 @!p0 $0xFFFFF800  }
.LBB2_1:
.Ltmp2:
0x3b: {  	(pc) =	sbr.rel .LBB2_2-.Ltmp2, $4  }
0x3c: {  	_ = 	snop  }
0x3d: {  	[tilespmem:s3], [sflag:$0x1] =	stream.strided.gather [hbm4b:s5+s12], $0x2000, s13, s12, $0x38;
	[tilespmem:$0x8000] =	vst v63  }
0x3e: {  	s22 =	smov.u32 s4;
	s23 =	smov.u32 s11;
	s24 =	simm.s32 $0x0  }
0x3f: {  	[tilespmem:s14], [sflag:$0x2] =	stream.strided.gather [hbm4b:s6+s12], $0x2000, s13, s12, $0x38;
	[tilespmem:$0x8000] =	vst v63  }
.LBB2_6:
0x40: {  	s24 =	sadd.s32 $0x4000, s24  }
0x41: {  	p1 =	sne.s32 s24, $0xF8000  }
.Ltmp3:
0x42: {  	_ = 	snop;
	(pc) =	sbr.rel @!p1 .LBB2_7-.Ltmp3, $2  }
0x43: {  	_ =	sdelay $0x2  }
0x44: {  	s23 =	sadd.s32 $0x10000, s23;
	s22 =	sadd.s32 $0x40, s22  }
.LBB2_2:
0x45: {  	p2 =	sgt.u32 s22, $0xF41  }
.Ltmp4:
0x46: {  	_ = 	snop;
	(pc) =	sbr.rel @p2 .LBB2_4-.Ltmp4, $2  }
0x47: {  	_ =	sdelay $0x2  }
0x48: {  	p1 =	seq.s32 s24, $0x0  }
0x49: {  	_ =	swait.ge [sflag:s15], $0x2000  }
0x4a: {  	[sflag:s15] =	ssyncset.done $0x0  }
0x4b: {  	s25 =	simm.s32 @!p1 $0x3;
	[sflag:s15] =	ssyncadd.s32 $0xFFFFE000  }
0x4c: {  	_ =	swait.ge @!p1 [sflag:s25], $0x2000  }
0x4d: {  	[sflag:s25] =	ssyncset.done @!p1 $0x0;
	v33 =	vld [tilespmem:$0x1FDB0]  }
0x4e: {  	v36 =	vld [tilespmem:$0x1FDC0];
	[sflag:s25] =	ssyncadd.s32 @!p1 $0xFFFFE000  }
0x4f: {  	v1 =	vld [tilespmem:$0x0]  }
0x50: {  	v2 =	vld [tilespmem:$0x80]  }
0x51: {  	v3 =	vld [tilespmem:$0x100]  }
0x52: {  	v4 =	vld [tilespmem:$0x180]  }
0x53: {  	v5 =	vld [tilespmem:$0x200]  }
0x54: {  	v6 =	vld [tilespmem:$0x280]  }
0x55: {  	v7 =	vld [tilespmem:$0x300]  }
0x56: {  	v8 =	vld [tilespmem:$0x380]  }
0x57: {  	v9 =	vld [tilespmem:$0x800]  }
0x58: {  	v10 =	vld [tilespmem:$0x880]  }
0x59: {  	v11 =	vld [tilespmem:$0x900]  }
0x5a: {  	v12 =	vld [tilespmem:$0x980]  }
0x5b: {  	v13 =	vld [tilespmem:$0xA00]  }
0x5c: {  	v14 =	vld [tilespmem:$0xA80]  }
0x5d: {  	v15 =	vld [tilespmem:$0xB00]  }
0x5e: {  	v16 =	vld [tilespmem:$0xB80]  }
0x5f: {  	v17 =	vld [tilespmem:$0x1000]  }
0x60: {  	v18 =	vld [tilespmem:$0x1080]  }
0x61: {  	v19 =	vld [tilespmem:$0x1100]  }
0x62: {  	v20 =	vld [tilespmem:$0x1180]  }
0x63: {  	v21 =	vld [tilespmem:$0x1200]  }
0x64: {  	v22 =	vld [tilespmem:$0x1280]  }
0x65: {  	v23 =	vld [tilespmem:$0x1300]  }
0x66: {  	v24 =	vld [tilespmem:$0x1380]  }
0x67: {  	v25 =	vld [tilespmem:$0x1800]  }
0x68: {  	v26 =	vld [tilespmem:$0x1880]  }
0x69: {  	v27 =	vld [tilespmem:$0x1900]  }
0x6a: {  	v28 =	vld [tilespmem:$0x1980]  }
0x6b: {  	v29 =	vld [tilespmem:$0x1A00]  }
0x6c: {  	v30 =	vld [tilespmem:$0x1A80]  }
0x6d: {  	v31 =	vld [tilespmem:$0x1B00]  }
0x6e: {  	v32 =	vld [tilespmem:$0x1B80];
	[tilespmem:v0+s16+$0x0] =	vst.idx.msk $0xffff, v1  }
0x6f: {  	v37 =	vld [tilespmem:$0x1FDD0];
	[tilespmem:v33+s16+$0x0] =	vst.idx.msk $0xffff, v2  }
0x70: {  	[tilespmem:v36+s16+$0x0] =	vst.idx.msk $0xffff, v3;
	v36 =	vld [tilespmem:$0x1FDE0];
	_ =	sdelay $0x6  }
0x71: {  	[tilespmem:v37+s16+$0x0] =	vst.idx.msk $0xffff, v4;
	v37 =	vld [tilespmem:$0x1FDF0]  }
0x72: {  	[tilespmem:v36+s16+$0x0] =	vst.idx.msk $0xffff, v5;
	v36 =	vld [tilespmem:$0x1FE00];
	_ =	sdelay $0x6  }
0x73: {  	[tilespmem:v37+s16+$0x0] =	vst.idx.msk $0xffff, v6;
	v37 =	vld [tilespmem:$0x1FE10]  }
0x74: {  	[tilespmem:v36+s16+$0x0] =	vst.idx.msk $0xffff, v7;
	v36 =	vld [tilespmem:$0x1FE20];
	_ =	sdelay $0x4  }
0x75: {  	v1 =	vld [tilespmem:$0x10]  }
0x76: {  	v2 =	vld [tilespmem:$0x90]  }
0x77: {  	[tilespmem:v37+s16+$0x0] =	vst.idx.msk $0xffff, v8;
	v37 =	vld [tilespmem:$0x1FE30]  }
0x78: {  	[tilespmem:v36+s16+$0x0] =	vst.idx.msk $0xffff, v9;
	v36 =	vld [tilespmem:$0x1FE40]  }
0x79: {  	v3 =	vld [tilespmem:$0x110]  }
0x7a: {  	v4 =	vld [tilespmem:$0x190]  }
0x7b: {  	v5 =	vld [tilespmem:$0x210]  }
0x7c: {  	v6 =	vld [tilespmem:$0x290]  }
0x7d: {  	v7 =	vld [tilespmem:$0x310]  }
0x7e: {  	v8 =	vld [tilespmem:$0x390]  }
0x7f: {  	v9 =	vld [tilespmem:$0x810];
	[tilespmem:v37+s16+$0x0] =	vst.idx.msk $0xffff, v10  }
0x80: {  	v10 =	vld [tilespmem:$0x890];
	[tilespmem:v36+s16+$0x0] =	vst.idx.msk $0xffff, v11  }
0x81: {  	v11 =	vld [tilespmem:$0x910]  }
0x82: {  	v37 =	vld [tilespmem:$0x1FE50];
	_ =	sdelay $0x6  }
0x83: {  	v36 =	vld [tilespmem:$0x1FE60]  }
0x84: {  	[tilespmem:v37+s16+$0x0] =	vst.idx.msk $0xffff, v12;
	v37 =	vld [tilespmem:$0x1FE70];
	_ =	sdelay $0x6  }
0x85: {  	[tilespmem:v36+s16+$0x0] =	vst.idx.msk $0xffff, v13;
	v36 =	vld [tilespmem:$0x1FE80]  }
0x86: {  	[tilespmem:v37+s16+$0x0] =	vst.idx.msk $0xffff, v14;
	v37 =	vld [tilespmem:$0x1FE90];
	_ =	sdelay $0x6  }
0x87: {  	[tilespmem:v36+s16+$0x0] =	vst.idx.msk $0xffff, v15;
	v36 =	vld [tilespmem:$0x1FEA0]  }
0x88: {  	[tilespmem:v37+s16+$0x0] =	vst.idx.msk $0xffff, v16;
	v37 =	vld [tilespmem:$0x1FEB0];
	_ =	sdelay $0x6  }
0x89: {  	[tilespmem:v36+s16+$0x0] =	vst.idx.msk $0xffff, v17;
	v36 =	vld [tilespmem:$0x1FEC0]  }
0x8a: {  	[tilespmem:v37+s16+$0x0] =	vst.idx.msk $0xffff, v18;
	v37 =	vld [tilespmem:$0x1FED0];
	_ =	sdelay $0x6  }
0x8b: {  	[tilespmem:v36+s16+$0x0] =	vst.idx.msk $0xffff, v19;
	v36 =	vld [tilespmem:$0x1FEE0]  }
0x8c: {  	[tilespmem:v37+s16+$0x0] =	vst.idx.msk $0xffff, v20;
	v37 =	vld [tilespmem:$0x1FEF0];
	_ =	sdelay $0x6  }
0x8d: {  	[tilespmem:v36+s16+$0x0] =	vst.idx.msk $0xffff, v21;
	v36 =	vld [tilespmem:$0x1FF00]  }
0x8e: {  	[tilespmem:v37+s16+$0x0] =	vst.idx.msk $0xffff, v22;
	v37 =	vld [tilespmem:$0x1FF10];
	_ =	sdelay $0x6  }
0x8f: {  	[tilespmem:v36+s16+$0x0] =	vst.idx.msk $0xffff, v23;
	v36 =	vld [tilespmem:$0x1FF20]  }
0x90: {  	[tilespmem:v37+s16+$0x0] =	vst.idx.msk $0xffff, v24;
	v37 =	vld [tilespmem:$0x1FF30];
	_ =	sdelay $0x6  }
0x91: {  	[tilespmem:v36+s16+$0x0] =	vst.idx.msk $0xffff, v25;
	v36 =	vld [tilespmem:$0x1FF40]  }
0x92: {  	[tilespmem:v37+s16+$0x0] =	vst.idx.msk $0xffff, v26;
	v37 =	vld [tilespmem:$0x1FF50];
	_ =	sdelay $0x3  }
0x93: {  	v12 =	vld [tilespmem:$0x990]  }
0x94: {  	v13 =	vld [tilespmem:$0xA10]  }
0x95: {  	v14 =	vld [tilespmem:$0xA90]  }
0x96: {  	[tilespmem:v36+s16+$0x0] =	vst.idx.msk $0xffff, v27;
	v36 =	vld [tilespmem:$0x1FF60]  }
0x97: {  	[tilespmem:v37+s16+$0x0] =	vst.idx.msk $0xffff, v28;
	v37 =	vld [tilespmem:$0x1FF70]  }
0x98: {  	v15 =	vld [tilespmem:$0xB10]  }
0x99: {  	v16 =	vld [tilespmem:$0xB90]  }
0x9a: {  	v17 =	vld [tilespmem:$0x1010]  }
0x9b: {  	v18 =	vld [tilespmem:$0x1090]  }
0x9c: {  	v19 =	vld [tilespmem:$0x1110]  }
0x9d: {  	v20 =	vld [tilespmem:$0x1190]  }
0x9e: {  	[tilespmem:v36+s16+$0x0] =	vst.idx.msk $0xffff, v29;
	v36 =	vld [tilespmem:$0x1FF80]  }
0x9f: {  	[tilespmem:v37+s16+$0x0] =	vst.idx.msk $0xffff, v30;
	v37 =	vld [tilespmem:$0x1FF90]  }
0xa0: {  	v21 =	vld [tilespmem:$0x1210]  }
0xa1: {  	v22 =	vld [tilespmem:$0x1290]  }
0xa2: {  	v23 =	vld [tilespmem:$0x1310]  }
0xa3: {  	v24 =	vld [tilespmem:$0x1390]  }
0xa4: {  	v25 =	vld [tilespmem:$0x1810]  }
0xa5: {  	v26 =	vld [tilespmem:$0x1890]  }
0xa6: {  	[tilespmem:v36+s16+$0x0] =	vst.idx.msk $0xffff, v31;
	v36 =	vld [tilespmem:$0x1FFA0]  }
0xa7: {  	[tilespmem:v37+s16+$0x0] =	vst.idx.msk $0xffff, v32;
	v37 =	vld [tilespmem:$0x1FFB0]  }
0xa8: {  	v27 =	vld [tilespmem:$0x1910]  }
0xa9: {  	v28 =	vld [tilespmem:$0x1990]  }
0xaa: {  	v29 =	vld [tilespmem:$0x1A10]  }
0xab: {  	v30 =	vld [tilespmem:$0x1A90]  }
0xac: {  	v31 =	vld [tilespmem:$0x1B10]  }
0xad: {  	v32 =	vld [tilespmem:$0x1B90]  }
0xae: {  	[tilespmem:v36+s16+$0x0] =	vst.idx.msk $0xffff, v1;
	v36 =	vld [tilespmem:$0x1FFC0]  }
0xaf: {  	[tilespmem:v37+s16+$0x0] =	vst.idx.msk $0xffff, v2;
	v37 =	vld [tilespmem:$0x1FFD0];
	_ =	sdelay $0x6  }
0xb0: {  	[tilespmem:v36+s16+$0x0] =	vst.idx.msk $0xffff, v3;
	v36 =	vld [tilespmem:$0x1FFE0]  }
0xb1: {  	[tilespmem:v37+s16+$0x0] =	vst.idx.msk $0xffff, v4;
	v37 =	vld [tilespmem:$0x1FFF0];
	_ =	sdelay $0x3  }
0xb2: {  	v1 =	vld [tilespmem:$0x20]  }
0xb3: {  	v2 =	vld [tilespmem:$0xA0]  }
0xb4: {  	v3 =	vld [tilespmem:$0x120]  }
0xb5: {  	v4 =	vld [tilespmem:$0x1A0];
	[tilespmem:v36+s16+$0x0] =	vst.idx.msk $0xffff, v5  }
0xb6: {  	v5 =	vld [tilespmem:$0x220];
	[tilespmem:v37+s16+$0x0] =	vst.idx.msk $0xffff, v6  }
0xb7: {  	v6 =	vld [tilespmem:$0x2A0];
	[tilespmem:v38+s16+$0x0] =	vst.idx.msk $0xffff, v7  }
0xb8: {  	v7 =	vld [tilespmem:$0x320];
	[tilespmem:v39+s16+$0x0] =	vst.idx.msk $0xffff, v8  }
0xb9: {  	v8 =	vld [tilespmem:$0x3A0];
	[tilespmem:v40+s16+$0x0] =	vst.idx.msk $0xffff, v9  }
0xba: {  	v9 =	vld [tilespmem:$0x820];
	[tilespmem:v41+s16+$0x0] =	vst.idx.msk $0xffff, v10  }
0xbb: {  	v10 =	vld [tilespmem:$0x8A0];
	[tilespmem:v42+s16+$0x0] =	vst.idx.msk $0xffff, v11  }
0xbc: {  	v11 =	vld [tilespmem:$0x920];
	[tilespmem:v43+s16+$0x0] =	vst.idx.msk $0xffff, v12  }
0xbd: {  	v12 =	vld [tilespmem:$0x9A0];
	[tilespmem:v44+s16+$0x0] =	vst.idx.msk $0xffff, v13  }
0xbe: {  	v13 =	vld [tilespmem:$0xA20];
	[tilespmem:v45+s16+$0x0] =	vst.idx.msk $0xffff, v14  }
0xbf: {  	v14 =	vld [tilespmem:$0xAA0];
	[tilespmem:v46+s16+$0x0] =	vst.idx.msk $0xffff, v15  }
0xc0: {  	v15 =	vld [tilespmem:$0xB20];
	[tilespmem:v47+s16+$0x0] =	vst.idx.msk $0xffff, v16  }
0xc1: {  	v16 =	vld [tilespmem:$0xBA0];
	[tilespmem:v48+s16+$0x0] =	vst.idx.msk $0xffff, v17  }
0xc2: {  	v17 =	vld [tilespmem:$0x1020];
	[tilespmem:v49+s16+$0x0] =	vst.idx.msk $0xffff, v18  }
0xc3: {  	v18 =	vld [tilespmem:$0x10A0];
	[tilespmem:v50+s16+$0x0] =	vst.idx.msk $0xffff, v19  }
0xc4: {  	v19 =	vld [tilespmem:$0x1120];
	[tilespmem:v51+s16+$0x0] =	vst.idx.msk $0xffff, v20  }
0xc5: {  	v20 =	vld [tilespmem:$0x11A0];
	[tilespmem:v52+s16+$0x0] =	vst.idx.msk $0xffff, v21  }
0xc6: {  	v21 =	vld [tilespmem:$0x1220];
	[tilespmem:v53+s16+$0x0] =	vst.idx.msk $0xffff, v22  }
0xc7: {  	v22 =	vld [tilespmem:$0x12A0];
	[tilespmem:v54+s16+$0x0] =	vst.idx.msk $0xffff, v23  }
0xc8: {  	v23 =	vld [tilespmem:$0x1320];
	[tilespmem:v55+s16+$0x0] =	vst.idx.msk $0xffff, v24  }
0xc9: {  	v24 =	vld [tilespmem:$0x13A0];
	[tilespmem:v56+s16+$0x0] =	vst.idx.msk $0xffff, v25  }
0xca: {  	v25 =	vld [tilespmem:$0x1820];
	[tilespmem:v57+s16+$0x0] =	vst.idx.msk $0xffff, v26  }
0xcb: {  	v26 =	vld [tilespmem:$0x18A0];
	[tilespmem:v58+s16+$0x0] =	vst.idx.msk $0xffff, v27  }
0xcc: {  	v33 =	vor.u32 $0x400, v0;
	v27 =	vld [tilespmem:$0x1920];
	[tilespmem:v59+s16+$0x0] =	vst.idx.msk $0xffff, v28  }
0xcd: {  	v34 =	vor.u32 $0x401, v0;
	v28 =	vld [tilespmem:$0x19A0];
	[tilespmem:v60+s16+$0x0] =	vst.idx.msk $0xffff, v29  }
0xce: {  	v35 =	vor.u32 $0x402, v0;
	v29 =	vld [tilespmem:$0x1A20];
	[tilespmem:v61+s16+$0x0] =	vst.idx.msk $0xffff, v30  }
0xcf: {  	v36 =	vor.u32 $0x403, v0;
	v30 =	vld [tilespmem:$0x1AA0];
	[tilespmem:v62+s16+$0x0] =	vst.idx.msk $0xffff, v31  }
0xd0: {  	v37 =	vor.u32 $0x404, v0;
	v31 =	vld [tilespmem:$0x1B20];
	[tilespmem:v63+s16+$0x0] =	vst.idx.msk $0xffff, v32  }
0xd1: {  	v32 =	vld [tilespmem:$0x1BA0];
	[tilespmem:v33+s16+$0x0] =	vst.idx.msk $0xffff, v1;
	v1 =	vor.u32 $0x405, v0  }
0xd2: {  	v33 =	vld [tilespmem:$0x30];
	[tilespmem:v34+s16+$0x0] =	vst.idx.msk $0xffff, v2;
	v2 =	vor.u32 $0x406, v0  }
0xd3: {  	v34 =	vld [tilespmem:$0xB0];
	[tilespmem:v35+s16+$0x0] =	vst.idx.msk $0xffff, v3;
	v3 =	vor.u32 $0x407, v0  }
0xd4: {  	v35 =	vld [tilespmem:$0x130];
	[tilespmem:v36+s16+$0x0] =	vst.idx.msk $0xffff, v4;
	v4 =	vor.u32 $0x408, v0  }
0xd5: {  	v36 =	vld [tilespmem:$0x1B0];
	[tilespmem:v37+s16+$0x0] =	vst.idx.msk $0xffff, v5;
	v5 =	vor.u32 $0x409, v0  }
0xd6: {  	v37 =	vld [tilespmem:$0x230];
	[tilespmem:v1+s16+$0x0] =	vst.idx.msk $0xffff, v6;
	v1 =	vor.u32 $0x40A, v0  }
0xd7: {  	v6 =	vld [tilespmem:$0x2B0];
	[tilespmem:v2+s16+$0x0] =	vst.idx.msk $0xffff, v7;
	v2 =	vor.u32 $0x40B, v0  }
0xd8: {  	v7 =	vld [tilespmem:$0x330];
	[tilespmem:v3+s16+$0x0] =	vst.idx.msk $0xffff, v8;
	v3 =	vor.u32 $0x40C, v0  }
0xd9: {  	v8 =	vld [tilespmem:$0x3B0];
	[tilespmem:v4+s16+$0x0] =	vst.idx.msk $0xffff, v9;
	v4 =	vor.u32 $0x40D, v0  }
0xda: {  	v9 =	vld [tilespmem:$0x830];
	[tilespmem:v5+s16+$0x0] =	vst.idx.msk $0xffff, v10;
	v5 =	vor.u32 $0x40E, v0  }
0xdb: {  	v10 =	vld [tilespmem:$0x8B0];
	[tilespmem:v1+s16+$0x0] =	vst.idx.msk $0xffff, v11;
	v1 =	vor.u32 $0x40F, v0  }
0xdc: {  	v11 =	vld [tilespmem:$0x930];
	[tilespmem:v2+s16+$0x0] =	vst.idx.msk $0xffff, v12;
	v2 =	vor.u32 $0x410, v0  }
0xdd: {  	v12 =	vld [tilespmem:$0x9B0];
	[tilespmem:v3+s16+$0x0] =	vst.idx.msk $0xffff, v13;
	v3 =	vor.u32 $0x411, v0  }
0xde: {  	v13 =	vld [tilespmem:$0xA30];
	[tilespmem:v4+s16+$0x0] =	vst.idx.msk $0xffff, v14;
	v4 =	vor.u32 $0x412, v0  }
0xdf: {  	v14 =	vld [tilespmem:$0xAB0];
	[tilespmem:v5+s16+$0x0] =	vst.idx.msk $0xffff, v15;
	v5 =	vor.u32 $0x413, v0  }
0xe0: {  	v15 =	vld [tilespmem:$0xB30];
	[tilespmem:v1+s16+$0x0] =	vst.idx.msk $0xffff, v16;
	v1 =	vor.u32 $0x414, v0  }
0xe1: {  	v16 =	vld [tilespmem:$0xBB0];
	[tilespmem:v2+s16+$0x0] =	vst.idx.msk $0xffff, v17;
	v2 =	vor.u32 $0x415, v0  }
0xe2: {  	v17 =	vld [tilespmem:$0x1030];
	[tilespmem:v3+s16+$0x0] =	vst.idx.msk $0xffff, v18;
	v3 =	vor.u32 $0x416, v0  }
0xe3: {  	v18 =	vld [tilespmem:$0x10B0];
	[tilespmem:v4+s16+$0x0] =	vst.idx.msk $0xffff, v19;
	v4 =	vor.u32 $0x417, v0  }
0xe4: {  	v19 =	vld [tilespmem:$0x1130];
	[tilespmem:v5+s16+$0x0] =	vst.idx.msk $0xffff, v20;
	v5 =	vor.u32 $0x418, v0  }
0xe5: {  	v20 =	vld [tilespmem:$0x11B0];
	[tilespmem:v1+s16+$0x0] =	vst.idx.msk $0xffff, v21;
	v1 =	vor.u32 $0x419, v0  }
0xe6: {  	v21 =	vld [tilespmem:$0x1230];
	[tilespmem:v2+s16+$0x0] =	vst.idx.msk $0xffff, v22;
	v2 =	vor.u32 $0x41A, v0  }
0xe7: {  	v22 =	vld [tilespmem:$0x12B0];
	[tilespmem:v3+s16+$0x0] =	vst.idx.msk $0xffff, v23;
	v3 =	vor.u32 $0x41B, v0  }
0xe8: {  	v23 =	vld [tilespmem:$0x1330];
	[tilespmem:v4+s16+$0x0] =	vst.idx.msk $0xffff, v24;
	v4 =	vor.u32 $0x41C, v0  }
0xe9: {  	v24 =	vld [tilespmem:$0x13B0];
	[tilespmem:v5+s16+$0x0] =	vst.idx.msk $0xffff, v25;
	v5 =	vor.u32 $0x41D, v0  }
0xea: {  	v25 =	vld [tilespmem:$0x1830];
	[tilespmem:v1+s16+$0x0] =	vst.idx.msk $0xffff, v26;
	v1 =	vor.u32 $0x41E, v0  }
0xeb: {  	v26 =	vld [tilespmem:$0x18B0];
	[tilespmem:v2+s16+$0x0] =	vst.idx.msk $0xffff, v27;
	v2 =	vor.u32 $0x41F, v0  }
0xec: {  	v27 =	vld [tilespmem:$0x1930];
	[tilespmem:v3+s16+$0x0] =	vst.idx.msk $0xffff, v28;
	v28 =	vor.u32 $0x600, v0  }
0xed: {  	v3 =	vld [tilespmem:$0x19B0];
	[tilespmem:v4+s16+$0x0] =	vst.idx.msk $0xffff, v29;
	v29 =	vor.u32 $0x601, v0  }
0xee: {  	v4 =	vld [tilespmem:$0x1A30];
	[tilespmem:v5+s16+$0x0] =	vst.idx.msk $0xffff, v30;
	v30 =	vor.u32 $0x602, v0  }
0xef: {  	v5 =	vld [tilespmem:$0x1AB0];
	[tilespmem:v1+s16+$0x0] =	vst.idx.msk $0xffff, v31;
	v31 =	vor.u32 $0x603, v0  }
0xf0: {  	v1 =	vld [tilespmem:$0x1B30];
	[tilespmem:v2+s16+$0x0] =	vst.idx.msk $0xffff, v32;
	v32 =	vor.u32 $0x604, v0  }
0xf1: {  	v2 =	vld [tilespmem:$0x1BB0];
	[tilespmem:v28+s16+$0x0] =	vst.idx.msk $0xffff, v33;
	v28 =	vor.u32 $0x605, v0  }
0xf2: {  	v33 =	vld [tilespmem:$0x40];
	[tilespmem:v29+s16+$0x0] =	vst.idx.msk $0xffff, v34;
	v29 =	vor.u32 $0x606, v0  }
0xf3: {  	v34 =	vld [tilespmem:$0xC0];
	[tilespmem:v30+s16+$0x0] =	vst.idx.msk $0xffff, v35;
	v30 =	vor.u32 $0x607, v0  }
0xf4: {  	v35 =	vld [tilespmem:$0x140];
	[tilespmem:v31+s16+$0x0] =	vst.idx.msk $0xffff, v36;
	v31 =	vor.u32 $0x608, v0  }
0xf5: {  	v36 =	vld [tilespmem:$0x1C0];
	[tilespmem:v32+s16+$0x0] =	vst.idx.msk $0xffff, v37;
	v32 =	vor.u32 $0x609, v0  }
0xf6: {  	v37 =	vld [tilespmem:$0x240];
	[tilespmem:v28+s16+$0x0] =	vst.idx.msk $0xffff, v6;
	v6 =	vor.u32 $0x60A, v0  }
0xf7: {  	v28 =	vld [tilespmem:$0x2C0];
	[tilespmem:v29+s16+$0x0] =	vst.idx.msk $0xffff, v7;
	v7 =	vor.u32 $0x60B, v0  }
0xf8: {  	v29 =	vld [tilespmem:$0x340];
	[tilespmem:v30+s16+$0x0] =	vst.idx.msk $0xffff, v8;
	v8 =	vor.u32 $0x60C, v0  }
0xf9: {  	v30 =	vld [tilespmem:$0x3C0];
	[tilespmem:v31+s16+$0x0] =	vst.idx.msk $0xffff, v9;
	v9 =	vor.u32 $0x60D, v0  }
0xfa: {  	v31 =	vld [tilespmem:$0x840];
	[tilespmem:v32+s16+$0x0] =	vst.idx.msk $0xffff, v10;
	v10 =	vor.u32 $0x60E, v0  }
0xfb: {  	v32 =	vld [tilespmem:$0x8C0];
	[tilespmem:v6+s16+$0x0] =	vst.idx.msk $0xffff, v11;
	v6 =	vor.u32 $0x60F, v0  }
0xfc: {  	v11 =	vld [tilespmem:$0x940];
	[tilespmem:v7+s16+$0x0] =	vst.idx.msk $0xffff, v12;
	v7 =	vor.u32 $0x610, v0  }
0xfd: {  	v12 =	vld [tilespmem:$0x9C0];
	[tilespmem:v8+s16+$0x0] =	vst.idx.msk $0xffff, v13;
	v8 =	vor.u32 $0x611, v0  }
0xfe: {  	v13 =	vld [tilespmem:$0xA40];
	[tilespmem:v9+s16+$0x0] =	vst.idx.msk $0xffff, v14;
	v9 =	vor.u32 $0x612, v0  }
0xff: {  	v14 =	vld [tilespmem:$0xAC0];
	[tilespmem:v10+s16+$0x0] =	vst.idx.msk $0xffff, v15;
	v10 =	vor.u32 $0x613, v0  }
0x100: {  	v15 =	vld [tilespmem:$0xB40];
	[tilespmem:v6+s16+$0x0] =	vst.idx.msk $0xffff, v16;
	v6 =	vor.u32 $0x614, v0  }
0x101: {  	v16 =	vld [tilespmem:$0xBC0];
	[tilespmem:v7+s16+$0x0] =	vst.idx.msk $0xffff, v17;
	v7 =	vor.u32 $0x615, v0  }
0x102: {  	v17 =	vld [tilespmem:$0x1040];
	[tilespmem:v8+s16+$0x0] =	vst.idx.msk $0xffff, v18;
	v8 =	vor.u32 $0x616, v0  }
0x103: {  	v18 =	vld [tilespmem:$0x10C0];
	[tilespmem:v9+s16+$0x0] =	vst.idx.msk $0xffff, v19;
	v9 =	vor.u32 $0x617, v0  }
0x104: {  	v19 =	vld [tilespmem:$0x1140];
	[tilespmem:v10+s16+$0x0] =	vst.idx.msk $0xffff, v20;
	v10 =	vor.u32 $0x618, v0  }
0x105: {  	v20 =	vld [tilespmem:$0x11C0];
	[tilespmem:v6+s16+$0x0] =	vst.idx.msk $0xffff, v21;
	v6 =	vor.u32 $0x619, v0  }
0x106: {  	v21 =	vld [tilespmem:$0x1240];
	[tilespmem:v7+s16+$0x0] =	vst.idx.msk $0xffff, v22;
	v7 =	vor.u32 $0x61A, v0  }
0x107: {  	v22 =	vld [tilespmem:$0x12C0];
	[tilespmem:v8+s16+$0x0] =	vst.idx.msk $0xffff, v23;
	v8 =	vor.u32 $0x61B, v0  }
0x108: {  	v23 =	vld [tilespmem:$0x1340];
	[tilespmem:v9+s16+$0x0] =	vst.idx.msk $0xffff, v24;
	v9 =	vor.u32 $0x61C, v0  }
0x109: {  	v24 =	vld [tilespmem:$0x13C0];
	[tilespmem:v10+s16+$0x0] =	vst.idx.msk $0xffff, v25;
	v10 =	vor.u32 $0x61D, v0  }
0x10a: {  	v25 =	vld [tilespmem:$0x1840];
	[tilespmem:v6+s16+$0x0] =	vst.idx.msk $0xffff, v26;
	v6 =	vor.u32 $0x61E, v0  }
0x10b: {  	v26 =	vld [tilespmem:$0x18C0];
	[tilespmem:v7+s16+$0x0] =	vst.idx.msk $0xffff, v27;
	v7 =	vor.u32 $0x61F, v0  }
0x10c: {  	v27 =	vld [tilespmem:$0x1940];
	[tilespmem:v8+s16+$0x0] =	vst.idx.msk $0xffff, v3;
	v8 =	vor.u32 $0x800, v0  }
0x10d: {  	v3 =	vld [tilespmem:$0x19C0];
	[tilespmem:v9+s16+$0x0] =	vst.idx.msk $0xffff, v4;
	v9 =	vor.u32 $0x801, v0  }
0x10e: {  	v4 =	vld [tilespmem:$0x1A40];
	[tilespmem:v10+s16+$0x0] =	vst.idx.msk $0xffff, v5;
	v10 =	vor.u32 $0x802, v0  }
0x10f: {  	v5 =	vld [tilespmem:$0x1AC0];
	[tilespmem:v6+s16+$0x0] =	vst.idx.msk $0xffff, v1;
	v6 =	vor.u32 $0x803, v0  }
0x110: {  	v1 =	vld [tilespmem:$0x1B40];
	[tilespmem:v7+s16+$0x0] =	vst.idx.msk $0xffff, v2;
	v7 =	vor.u32 $0x804, v0  }
0x111: {  	v2 =	vld [tilespmem:$0x1BC0];
	[tilespmem:v8+s16+$0x0] =	vst.idx.msk $0xffff, v33;
	v8 =	vor.u32 $0x805, v0  }
0x112: {  	v33 =	vld [tilespmem:$0x50];
	[tilespmem:v9+s16+$0x0] =	vst.idx.msk $0xffff, v34;
	v9 =	vor.u32 $0x806, v0  }
0x113: {  	v34 =	vld [tilespmem:$0xD0];
	[tilespmem:v10+s16+$0x0] =	vst.idx.msk $0xffff, v35;
	v10 =	vor.u32 $0x807, v0  }
0x114: {  	v35 =	vld [tilespmem:$0x150];
	[tilespmem:v6+s16+$0x0] =	vst.idx.msk $0xffff, v36;
	v6 =	vor.u32 $0x808, v0  }
0x115: {  	v36 =	vld [tilespmem:$0x1D0];
	[tilespmem:v7+s16+$0x0] =	vst.idx.msk $0xffff, v37;
	v7 =	vor.u32 $0x809, v0  }
0x116: {  	v37 =	vld [tilespmem:$0x250];
	[tilespmem:v8+s16+$0x0] =	vst.idx.msk $0xffff, v28;
	v8 =	vor.u32 $0x80A, v0  }
0x117: {  	v28 =	vld [tilespmem:$0x2D0];
	[tilespmem:v9+s16+$0x0] =	vst.idx.msk $0xffff, v29;
	v9 =	vor.u32 $0x80B, v0  }
0x118: {  	v29 =	vld [tilespmem:$0x350];
	[tilespmem:v10+s16+$0x0] =	vst.idx.msk $0xffff, v30;
	v10 =	vor.u32 $0x80C, v0  }
0x119: {  	v30 =	vld [tilespmem:$0x3D0];
	[tilespmem:v6+s16+$0x0] =	vst.idx.msk $0xffff, v31;
	v6 =	vor.u32 $0x80D, v0  }
0x11a: {  	v31 =	vld [tilespmem:$0x850];
	[tilespmem:v7+s16+$0x0] =	vst.idx.msk $0xffff, v32;
	v7 =	vor.u32 $0x80E, v0  }
0x11b: {  	v32 =	vld [tilespmem:$0x8D0];
	[tilespmem:v8+s16+$0x0] =	vst.idx.msk $0xffff, v11;
	v8 =	vor.u32 $0x80F, v0  }
0x11c: {  	v11 =	vld [tilespmem:$0x950];
	[tilespmem:v9+s16+$0x0] =	vst.idx.msk $0xffff, v12;
	v9 =	vor.u32 $0x810, v0  }
0x11d: {  	v12 =	vld [tilespmem:$0x9D0];
	[tilespmem:v10+s16+$0x0] =	vst.idx.msk $0xffff, v13;
	v10 =	vor.u32 $0x811, v0  }
0x11e: {  	v13 =	vld [tilespmem:$0xA50];
	[tilespmem:v6+s16+$0x0] =	vst.idx.msk $0xffff, v14;
	v6 =	vor.u32 $0x812, v0  }
0x11f: {  	v14 =	vld [tilespmem:$0xAD0];
	[tilespmem:v7+s16+$0x0] =	vst.idx.msk $0xffff, v15;
	v7 =	vor.u32 $0x813, v0  }
0x120: {  	v15 =	vld [tilespmem:$0xB50];
	[tilespmem:v8+s16+$0x0] =	vst.idx.msk $0xffff, v16;
	v8 =	vor.u32 $0x814, v0  }
0x121: {  	v16 =	vld [tilespmem:$0xBD0];
	[tilespmem:v9+s16+$0x0] =	vst.idx.msk $0xffff, v17;
	v9 =	vor.u32 $0x815, v0  }
0x122: {  	v17 =	vld [tilespmem:$0x1050];
	[tilespmem:v10+s16+$0x0] =	vst.idx.msk $0xffff, v18;
	v10 =	vor.u32 $0x816, v0  }
0x123: {  	v18 =	vld [tilespmem:$0x10D0];
	[tilespmem:v6+s16+$0x0] =	vst.idx.msk $0xffff, v19;
	v6 =	vor.u32 $0x817, v0  }
0x124: {  	v19 =	vld [tilespmem:$0x1150];
	[tilespmem:v7+s16+$0x0] =	vst.idx.msk $0xffff, v20;
	v7 =	vor.u32 $0x818, v0  }
0x125: {  	v20 =	vld [tilespmem:$0x11D0];
	[tilespmem:v8+s16+$0x0] =	vst.idx.msk $0xffff, v21;
	v8 =	vor.u32 $0x819, v0  }
0x126: {  	v21 =	vld [tilespmem:$0x1250];
	[tilespmem:v9+s16+$0x0] =	vst.idx.msk $0xffff, v22;
	v9 =	vor.u32 $0x81A, v0  }
0x127: {  	v22 =	vld [tilespmem:$0x12D0];
	[tilespmem:v10+s16+$0x0] =	vst.idx.msk $0xffff, v23;
	v10 =	vor.u32 $0x81B, v0  }
0x128: {  	v23 =	vld [tilespmem:$0x1350];
	[tilespmem:v6+s16+$0x0] =	vst.idx.msk $0xffff, v24;
	v6 =	vor.u32 $0x81C, v0  }
0x129: {  	v24 =	vld [tilespmem:$0x13D0];
	[tilespmem:v7+s16+$0x0] =	vst.idx.msk $0xffff, v25;
	v7 =	vor.u32 $0x81D, v0  }
0x12a: {  	v25 =	vld [tilespmem:$0x1850];
	[tilespmem:v8+s16+$0x0] =	vst.idx.msk $0xffff, v26;
	v8 =	vor.u32 $0x81E, v0  }
0x12b: {  	v26 =	vld [tilespmem:$0x18D0];
	[tilespmem:v9+s16+$0x0] =	vst.idx.msk $0xffff, v27;
	v9 =	vor.u32 $0x81F, v0  }
0x12c: {  	v27 =	vld [tilespmem:$0x1950];
	[tilespmem:v10+s16+$0x0] =	vst.idx.msk $0xffff, v3;
	v10 =	vor.u32 $0xA00, v0  }
0x12d: {  	v3 =	vld [tilespmem:$0x19D0];
	[tilespmem:v6+s16+$0x0] =	vst.idx.msk $0xffff, v4;
	v6 =	vor.u32 $0xA01, v0  }
0x12e: {  	v4 =	vld [tilespmem:$0x1A50];
	[tilespmem:v7+s16+$0x0] =	vst.idx.msk $0xffff, v5;
	v7 =	vor.u32 $0xA02, v0  }
0x12f: {  	v5 =	vld [tilespmem:$0x1AD0];
	[tilespmem:v8+s16+$0x0] =	vst.idx.msk $0xffff, v1;
	v8 =	vor.u32 $0xA03, v0  }
0x130: {  	v1 =	vld [tilespmem:$0x1B50];
	[tilespmem:v9+s16+$0x0] =	vst.idx.msk $0xffff, v2;
	v9 =	vor.u32 $0xA04, v0  }
0x131: {  	v2 =	vld [tilespmem:$0x1BD0];
	[tilespmem:v10+s16+$0x0] =	vst.idx.msk $0xffff, v33;
	v10 =	vor.u32 $0xA05, v0  }
0x132: {  	v33 =	vld [tilespmem:$0x60];
	[tilespmem:v6+s16+$0x0] =	vst.idx.msk $0xffff, v34;
	v6 =	vor.u32 $0xA06, v0  }
0x133: {  	v34 =	vld [tilespmem:$0xE0];
	[tilespmem:v7+s16+$0x0] =	vst.idx.msk $0xffff, v35;
	v7 =	vor.u32 $0xA07, v0  }
0x134: {  	v35 =	vld [tilespmem:$0x160];
	[tilespmem:v8+s16+$0x0] =	vst.idx.msk $0xffff, v36;
	v8 =	vor.u32 $0xA08, v0  }
0x135: {  	v36 =	vld [tilespmem:$0x1E0];
	[tilespmem:v9+s16+$0x0] =	vst.idx.msk $0xffff, v37;
	v9 =	vor.u32 $0xA09, v0  }
0x136: {  	v37 =	vld [tilespmem:$0x260];
	[tilespmem:v10+s16+$0x0] =	vst.idx.msk $0xffff, v28;
	v10 =	vor.u32 $0xA0A, v0  }
0x137: {  	v28 =	vld [tilespmem:$0x2E0];
	[tilespmem:v6+s16+$0x0] =	vst.idx.msk $0xffff, v29;
	v6 =	vor.u32 $0xA0B, v0  }
0x138: {  	v29 =	vld [tilespmem:$0x360];
	[tilespmem:v7+s16+$0x0] =	vst.idx.msk $0xffff, v30;
	v7 =	vor.u32 $0xA0C, v0  }
0x139: {  	v30 =	vld [tilespmem:$0x3E0];
	[tilespmem:v8+s16+$0x0] =	vst.idx.msk $0xffff, v31;
	v8 =	vor.u32 $0xA0D, v0  }
0x13a: {  	v31 =	vld [tilespmem:$0x860];
	[tilespmem:v9+s16+$0x0] =	vst.idx.msk $0xffff, v32;
	v9 =	vor.u32 $0xA0E, v0  }
0x13b: {  	v32 =	vld [tilespmem:$0x8E0];
	[tilespmem:v10+s16+$0x0] =	vst.idx.msk $0xffff, v11;
	v10 =	vor.u32 $0xA0F, v0  }
0x13c: {  	v11 =	vld [tilespmem:$0x960];
	[tilespmem:v6+s16+$0x0] =	vst.idx.msk $0xffff, v12;
	v6 =	vor.u32 $0xA10, v0  }
0x13d: {  	v12 =	vld [tilespmem:$0x9E0];
	[tilespmem:v7+s16+$0x0] =	vst.idx.msk $0xffff, v13;
	v7 =	vor.u32 $0xA11, v0  }
0x13e: {  	v13 =	vld [tilespmem:$0xA60];
	[tilespmem:v8+s16+$0x0] =	vst.idx.msk $0xffff, v14;
	v8 =	vor.u32 $0xA12, v0  }
0x13f: {  	v14 =	vld [tilespmem:$0xAE0];
	[tilespmem:v9+s16+$0x0] =	vst.idx.msk $0xffff, v15;
	v9 =	vor.u32 $0xA13, v0  }
0x140: {  	v15 =	vld [tilespmem:$0xB60];
	[tilespmem:v10+s16+$0x0] =	vst.idx.msk $0xffff, v16;
	v10 =	vor.u32 $0xA14, v0  }
0x141: {  	v16 =	vld [tilespmem:$0xBE0];
	[tilespmem:v6+s16+$0x0] =	vst.idx.msk $0xffff, v17;
	v6 =	vor.u32 $0xA15, v0  }
0x142: {  	v17 =	vld [tilespmem:$0x1060];
	[tilespmem:v7+s16+$0x0] =	vst.idx.msk $0xffff, v18;
	v7 =	vor.u32 $0xA16, v0  }
0x143: {  	v18 =	vld [tilespmem:$0x10E0];
	[tilespmem:v8+s16+$0x0] =	vst.idx.msk $0xffff, v19;
	v8 =	vor.u32 $0xA17, v0  }
0x144: {  	v19 =	vld [tilespmem:$0x1160];
	[tilespmem:v9+s16+$0x0] =	vst.idx.msk $0xffff, v20;
	v9 =	vor.u32 $0xA18, v0  }
0x145: {  	v20 =	vld [tilespmem:$0x11E0];
	[tilespmem:v10+s16+$0x0] =	vst.idx.msk $0xffff, v21;
	v10 =	vor.u32 $0xA19, v0  }
0x146: {  	v21 =	vld [tilespmem:$0x1260];
	[tilespmem:v6+s16+$0x0] =	vst.idx.msk $0xffff, v22;
	v6 =	vor.u32 $0xA1A, v0  }
0x147: {  	v22 =	vld [tilespmem:$0x12E0];
	[tilespmem:v7+s16+$0x0] =	vst.idx.msk $0xffff, v23;
	v7 =	vor.u32 $0xA1B, v0  }
0x148: {  	v23 =	vld [tilespmem:$0x1360];
	[tilespmem:v8+s16+$0x0] =	vst.idx.msk $0xffff, v24;
	v8 =	vor.u32 $0xA1C, v0  }
0x149: {  	v24 =	vld [tilespmem:$0x13E0];
	[tilespmem:v9+s16+$0x0] =	vst.idx.msk $0xffff, v25;
	v9 =	vor.u32 $0xA1D, v0  }
0x14a: {  	v25 =	vld [tilespmem:$0x1860];
	[tilespmem:v10+s16+$0x0] =	vst.idx.msk $0xffff, v26;
	v10 =	vor.u32 $0xA1E, v0  }
0x14b: {  	v26 =	vld [tilespmem:$0x18E0];
	[tilespmem:v6+s16+$0x0] =	vst.idx.msk $0xffff, v27;
	v6 =	vor.u32 $0xA1F, v0  }
0x14c: {  	v27 =	vld [tilespmem:$0x1960];
	[tilespmem:v7+s16+$0x0] =	vst.idx.msk $0xffff, v3;
	v7 =	vor.u32 $0xC00, v0  }
0x14d: {  	v3 =	vld [tilespmem:$0x19E0];
	[tilespmem:v8+s16+$0x0] =	vst.idx.msk $0xffff, v4;
	v8 =	vor.u32 $0xC01, v0  }
0x14e: {  	v4 =	vld [tilespmem:$0x1A60];
	[tilespmem:v9+s16+$0x0] =	vst.idx.msk $0xffff, v5;
	v9 =	vor.u32 $0xC02, v0  }
0x14f: {  	v5 =	vld [tilespmem:$0x1AE0];
	[tilespmem:v10+s16+$0x0] =	vst.idx.msk $0xffff, v1;
	v10 =	vor.u32 $0xC03, v0  }
0x150: {  	v1 =	vld [tilespmem:$0x1B60];
	[tilespmem:v6+s16+$0x0] =	vst.idx.msk $0xffff, v2;
	v6 =	vor.u32 $0xC04, v0  }
0x151: {  	v2 =	vld [tilespmem:$0x1BE0];
	[tilespmem:v7+s16+$0x0] =	vst.idx.msk $0xffff, v33;
	v7 =	vor.u32 $0xC05, v0  }
0x152: {  	v33 =	vld [tilespmem:$0x70];
	[tilespmem:v8+s16+$0x0] =	vst.idx.msk $0xffff, v34;
	v8 =	vor.u32 $0xC06, v0  }
0x153: {  	v34 =	vld [tilespmem:$0xF0];
	[tilespmem:v9+s16+$0x0] =	vst.idx.msk $0xffff, v35;
	v9 =	vor.u32 $0xC07, v0  }
0x154: {  	v35 =	vld [tilespmem:$0x170];
	[tilespmem:v10+s16+$0x0] =	vst.idx.msk $0xffff, v36;
	v10 =	vor.u32 $0xC08, v0  }
0x155: {  	v36 =	vld [tilespmem:$0x1F0];
	[tilespmem:v6+s16+$0x0] =	vst.idx.msk $0xffff, v37;
	v6 =	vor.u32 $0xC09, v0  }
0x156: {  	v37 =	vld [tilespmem:$0x270];
	[tilespmem:v7+s16+$0x0] =	vst.idx.msk $0xffff, v28;
	v7 =	vor.u32 $0xC0A, v0  }
0x157: {  	v28 =	vld [tilespmem:$0x2F0];
	[tilespmem:v8+s16+$0x0] =	vst.idx.msk $0xffff, v29;
	v8 =	vor.u32 $0xC0B, v0  }
0x158: {  	v29 =	vld [tilespmem:$0x370];
	[tilespmem:v9+s16+$0x0] =	vst.idx.msk $0xffff, v30;
	v9 =	vor.u32 $0xC0C, v0  }
0x159: {  	v30 =	vld [tilespmem:$0x3F0];
	[tilespmem:v10+s16+$0x0] =	vst.idx.msk $0xffff, v31;
	v10 =	vor.u32 $0xC0D, v0  }
0x15a: {  	v31 =	vld [tilespmem:$0x870];
	[tilespmem:v6+s16+$0x0] =	vst.idx.msk $0xffff, v32;
	v6 =	vor.u32 $0xC0E, v0  }
0x15b: {  	v32 =	vld [tilespmem:$0x8F0];
	[tilespmem:v7+s16+$0x0] =	vst.idx.msk $0xffff, v11;
	v7 =	vor.u32 $0xC0F, v0  }
0x15c: {  	v11 =	vld [tilespmem:$0x970];
	[tilespmem:v8+s16+$0x0] =	vst.idx.msk $0xffff, v12;
	v8 =	vor.u32 $0xC10, v0  }
0x15d: {  	v12 =	vld [tilespmem:$0x9F0];
	[tilespmem:v9+s16+$0x0] =	vst.idx.msk $0xffff, v13;
	v9 =	vor.u32 $0xC11, v0  }
0x15e: {  	v13 =	vld [tilespmem:$0xA70];
	[tilespmem:v10+s16+$0x0] =	vst.idx.msk $0xffff, v14;
	v10 =	vor.u32 $0xC12, v0  }
0x15f: {  	v14 =	vld [tilespmem:$0xAF0];
	[tilespmem:v6+s16+$0x0] =	vst.idx.msk $0xffff, v15;
	v6 =	vor.u32 $0xC13, v0  }
0x160: {  	v15 =	vld [tilespmem:$0xB70];
	[tilespmem:v7+s16+$0x0] =	vst.idx.msk $0xffff, v16;
	v7 =	vor.u32 $0xC14, v0  }
0x161: {  	v16 =	vld [tilespmem:$0xBF0];
	[tilespmem:v8+s16+$0x0] =	vst.idx.msk $0xffff, v17;
	v8 =	vor.u32 $0xC15, v0  }
0x162: {  	v17 =	vld [tilespmem:$0x1070];
	[tilespmem:v9+s16+$0x0] =	vst.idx.msk $0xffff, v18;
	v9 =	vor.u32 $0xC16, v0  }
0x163: {  	v18 =	vld [tilespmem:$0x10F0];
	[tilespmem:v10+s16+$0x0] =	vst.idx.msk $0xffff, v19;
	v10 =	vor.u32 $0xC17, v0  }
0x164: {  	v19 =	vld [tilespmem:$0x1170];
	[tilespmem:v6+s16+$0x0] =	vst.idx.msk $0xffff, v20;
	v6 =	vor.u32 $0xC18, v0  }
0x165: {  	v20 =	vld [tilespmem:$0x11F0];
	[tilespmem:v7+s16+$0x0] =	vst.idx.msk $0xffff, v21;
	v7 =	vor.u32 $0xC19, v0  }
0x166: {  	v21 =	vld [tilespmem:$0x1270];
	[tilespmem:v8+s16+$0x0] =	vst.idx.msk $0xffff, v22;
	v8 =	vor.u32 $0xC1A, v0  }
0x167: {  	v22 =	vld [tilespmem:$0x12F0];
	[tilespmem:v9+s16+$0x0] =	vst.idx.msk $0xffff, v23;
	v9 =	vor.u32 $0xC1B, v0  }
0x168: {  	v23 =	vld [tilespmem:$0x1370];
	[tilespmem:v10+s16+$0x0] =	vst.idx.msk $0xffff, v24;
	v10 =	vor.u32 $0xC1C, v0  }
0x169: {  	v24 =	vld [tilespmem:$0x13F0];
	[tilespmem:v6+s16+$0x0] =	vst.idx.msk $0xffff, v25;
	v6 =	vor.u32 $0xC1D, v0  }
0x16a: {  	v25 =	vld [tilespmem:$0x1870];
	[tilespmem:v7+s16+$0x0] =	vst.idx.msk $0xffff, v26;
	v7 =	vor.u32 $0xC1E, v0  }
0x16b: {  	v26 =	vld [tilespmem:$0x18F0];
	[tilespmem:v8+s16+$0x0] =	vst.idx.msk $0xffff, v27;
	v8 =	vor.u32 $0xC1F, v0  }
0x16c: {  	v27 =	vld [tilespmem:$0x1970];
	[tilespmem:v9+s16+$0x0] =	vst.idx.msk $0xffff, v3;
	v9 =	vor.u32 $0xE00, v0  }
0x16d: {  	v3 =	vld [tilespmem:$0x19F0];
	[tilespmem:v10+s16+$0x0] =	vst.idx.msk $0xffff, v4;
	v10 =	vor.u32 $0xE01, v0  }
0x16e: {  	v4 =	vld [tilespmem:$0x1A70];
	[tilespmem:v6+s16+$0x0] =	vst.idx.msk $0xffff, v5;
	v6 =	vor.u32 $0xE02, v0  }
0x16f: {  	v5 =	vld [tilespmem:$0x1AF0];
	[tilespmem:v7+s16+$0x0] =	vst.idx.msk $0xffff, v1;
	v7 =	vor.u32 $0xE03, v0  }
0x170: {  	v1 =	vld [tilespmem:$0x1B70];
	[tilespmem:v8+s16+$0x0] =	vst.idx.msk $0xffff, v2;
	v8 =	vor.u32 $0xE04, v0  }
0x171: {  	v2 =	vld [tilespmem:$0x1BF0];
	[tilespmem:v9+s16+$0x0] =	vst.idx.msk $0xffff, v33;
	v33 =	vor.u32 $0xE05, v0  }
0x172: {  	[tilespmem:v10+s16+$0x0] =	vst.idx.msk $0xffff, v34;
	v34 =	vor.u32 $0xE06, v0  }
0x173: {  	[tilespmem:v6+s16+$0x0] =	vst.idx.msk $0xffff, v35;
	v35 =	vor.u32 $0xE07, v0  }
0x174: {  	[tilespmem:v7+s16+$0x0] =	vst.idx.msk $0xffff, v36;
	v36 =	vor.u32 $0xE08, v0  }
0x175: {  	[tilespmem:v8+s16+$0x0] =	vst.idx.msk $0xffff, v37;
	v37 =	vor.u32 $0xE09, v0  }
0x176: {  	[tilespmem:v33+s16+$0x0] =	vst.idx.msk $0xffff, v28;
	v28 =	vor.u32 $0xE0A, v0  }
0x177: {  	v33 =	vor.u32 $0xE0B, v0;
	[tilespmem:v34+s16+$0x0] =	vst.idx.msk $0xffff, v29  }
0x178: {  	v34 =	vor.u32 $0xE0C, v0;
	[tilespmem:v35+s16+$0x0] =	vst.idx.msk $0xffff, v30  }
0x179: {  	v35 =	vor.u32 $0xE0D, v0;
	[tilespmem:v36+s16+$0x0] =	vst.idx.msk $0xffff, v31  }
0x17a: {  	v36 =	vor.u32 $0xE0E, v0;
	[tilespmem:v37+s16+$0x0] =	vst.idx.msk $0xffff, v32  }
0x17b: {  	v37 =	vor.u32 $0xE0F, v0;
	[tilespmem:v28+s16+$0x0] =	vst.idx.msk $0xffff, v11  }
0x17c: {  	[tilespmem:v33+s16+$0x0] =	vst.idx.msk $0xffff, v12;
	v12 =	vor.u32 $0xE10, v0  }
0x17d: {  	[tilespmem:v34+s16+$0x0] =	vst.idx.msk $0xffff, v13;
	v13 =	vor.u32 $0xE11, v0  }
0x17e: {  	[tilespmem:v35+s16+$0x0] =	vst.idx.msk $0xffff, v14;
	v14 =	vor.u32 $0xE12, v0  }
0x17f: {  	[tilespmem:v36+s16+$0x0] =	vst.idx.msk $0xffff, v15;
	v15 =	vor.u32 $0xE13, v0  }
0x180: {  	[tilespmem:v37+s16+$0x0] =	vst.idx.msk $0xffff, v16;
	v16 =	vor.u32 $0xE14, v0  }
0x181: {  	[tilespmem:v12+s16+$0x0] =	vst.idx.msk $0xffff, v17;
	v17 =	vor.u32 $0xE15, v0  }
0x182: {  	[tilespmem:v13+s16+$0x0] =	vst.idx.msk $0xffff, v18;
	v18 =	vor.u32 $0xE16, v0  }
0x183: {  	v11 =	vld [tilespmem:$0x400];
	[tilespmem:v14+s16+$0x0] =	vst.idx.msk $0xffff, v19;
	v19 =	vor.u32 $0xE17, v0  }
0x184: {  	v12 =	vld [tilespmem:$0x480];
	[tilespmem:v15+s16+$0x0] =	vst.idx.msk $0xffff, v20;
	v20 =	vor.u32 $0xE18, v0  }
0x185: {  	v13 =	vld [tilespmem:$0x500];
	[tilespmem:v16+s16+$0x0] =	vst.idx.msk $0xffff, v21;
	v21 =	vor.u32 $0xE19, v0  }
0x186: {  	v14 =	vld [tilespmem:$0x580];
	[tilespmem:v17+s16+$0x0] =	vst.idx.msk $0xffff, v22;
	v22 =	vor.u32 $0xE1A, v0  }
0x187: {  	v15 =	vld [tilespmem:$0x600];
	[tilespmem:v18+s16+$0x0] =	vst.idx.msk $0xffff, v23;
	v23 =	vor.u32 $0xE1B, v0  }
0x188: {  	v16 =	vld [tilespmem:$0x680];
	[tilespmem:v19+s16+$0x0] =	vst.idx.msk $0xffff, v24;
	v24 =	vor.u32 $0xE1C, v0  }
0x189: {  	v17 =	vld [tilespmem:$0x700];
	[tilespmem:v20+s16+$0x0] =	vst.idx.msk $0xffff, v25;
	v25 =	vor.u32 $0xE1D, v0  }
0x18a: {  	v18 =	vld [tilespmem:$0x780];
	[tilespmem:v21+s16+$0x0] =	vst.idx.msk $0xffff, v26;
	v26 =	vor.u32 $0xE1E, v0  }
0x18b: {  	v28 =	vor.u32 $0xE1F, v0;
	v19 =	vld [tilespmem:$0xC00];
	[tilespmem:v22+s16+$0x0] =	vst.idx.msk $0xffff, v27  }
0x18c: {  	[tilespmem:v23+s16+$0x0] =	vst.idx.msk $0xffff, v3;
	v3 =	vld [tilespmem:$0xC80]  }
0x18d: {  	[tilespmem:v24+s16+$0x0] =	vst.idx.msk $0xffff, v4;
	v4 =	vld [tilespmem:$0xD00]  }
0x18e: {  	[tilespmem:v25+s16+$0x0] =	vst.idx.msk $0xffff, v5;
	v5 =	vld [tilespmem:$0xD80]  }
0x18f: {  	[tilespmem:v26+s16+$0x0] =	vst.idx.msk $0xffff, v1;
	v1 =	vld [tilespmem:$0xE00]  }
0x190: {  	[tilespmem:v28+s16+$0x0] =	vst.idx.msk $0xffff, v2;
	v2 =	vld [tilespmem:$0xE80]  }
0x191: {  	v6 =	vld [tilespmem:$0xF00]  }
0x192: {  	v7 =	vld [tilespmem:$0xF80]  }
0x193: {  	v8 =	vld [tilespmem:$0x1400]  }
0x194: {  	v9 =	vld [tilespmem:$0x1480]  }
0x195: {  	v10 =	vld [tilespmem:$0x1500]  }
0x196: {  	v20 =	vld [tilespmem:$0x1580]  }
0x197: {  	v21 =	vld [tilespmem:$0x1600]  }
0x198: {  	v22 =	vld [tilespmem:$0x1680]  }
0x199: {  	v23 =	vld [tilespmem:$0x1700]  }
0x19a: {  	v24 =	vld [tilespmem:$0x1780]  }
0x19b: {  	v25 =	vld [tilespmem:$0x1C00]  }
0x19c: {  	v26 =	vld [tilespmem:$0x1C80]  }
0x19d: {  	v29 =	vor.u32 $0x1000, v0;
	v27 =	vld [tilespmem:$0x1D00]  }
0x19e: {  	v31 =	vor.u32 $0x1001, v0;
	v28 =	vld [tilespmem:$0x1D80]  }
0x19f: {  	v33 =	vor.u32 $0x1002, v0;
	v30 =	vld [tilespmem:$0x1E00]  }
0x1a0: {  	v35 =	vor.u32 $0x1003, v0;
	v32 =	vld [tilespmem:$0x1E80]  }
0x1a1: {  	v37 =	vor.u32 $0x1004, v0;
	v34 =	vld [tilespmem:$0x1F00]  }
0x1a2: {  	v36 =	vld [tilespmem:$0x1F80];
	[tilespmem:v29+s16+$0x0] =	vst.idx.msk $0xffff, v11;
	v11 =	vor.u32 $0x1005, v0  }
0x1a3: {  	v29 =	vld [tilespmem:$0x410];
	[tilespmem:v31+s16+$0x0] =	vst.idx.msk $0xffff, v12;
	v12 =	vor.u32 $0x1006, v0  }
0x1a4: {  	v31 =	vld [tilespmem:$0x490];
	[tilespmem:v33+s16+$0x0] =	vst.idx.msk $0xffff, v13;
	v13 =	vor.u32 $0x1007, v0  }
0x1a5: {  	v33 =	vld [tilespmem:$0x510];
	[tilespmem:v35+s16+$0x0] =	vst.idx.msk $0xffff, v14;
	v14 =	vor.u32 $0x1008, v0  }
0x1a6: {  	v35 =	vld [tilespmem:$0x590];
	[tilespmem:v37+s16+$0x0] =	vst.idx.msk $0xffff, v15;
	v15 =	vor.u32 $0x1009, v0  }
0x1a7: {  	v37 =	vld [tilespmem:$0x610];
	[tilespmem:v11+s16+$0x0] =	vst.idx.msk $0xffff, v16;
	v11 =	vor.u32 $0x100A, v0  }
0x1a8: {  	v16 =	vld [tilespmem:$0x690];
	[tilespmem:v12+s16+$0x0] =	vst.idx.msk $0xffff, v17;
	v12 =	vor.u32 $0x100B, v0  }
0x1a9: {  	v17 =	vld [tilespmem:$0x710];
	[tilespmem:v13+s16+$0x0] =	vst.idx.msk $0xffff, v18;
	v13 =	vor.u32 $0x100C, v0  }
0x1aa: {  	v18 =	vld [tilespmem:$0x790];
	[tilespmem:v14+s16+$0x0] =	vst.idx.msk $0xffff, v19;
	v14 =	vor.u32 $0x100D, v0  }
0x1ab: {  	v19 =	vld [tilespmem:$0xC10];
	[tilespmem:v15+s16+$0x0] =	vst.idx.msk $0xffff, v3;
	v3 =	vor.u32 $0x100E, v0  }
0x1ac: {  	v15 =	vld [tilespmem:$0xC90];
	[tilespmem:v11+s16+$0x0] =	vst.idx.msk $0xffff, v4;
	v4 =	vor.u32 $0x100F, v0  }
0x1ad: {  	v11 =	vld [tilespmem:$0xD10];
	[tilespmem:v12+s16+$0x0] =	vst.idx.msk $0xffff, v5;
	v5 =	vor.u32 $0x1010, v0  }
0x1ae: {  	v12 =	vld [tilespmem:$0xD90];
	[tilespmem:v13+s16+$0x0] =	vst.idx.msk $0xffff, v1;
	v1 =	vor.u32 $0x1011, v0  }
0x1af: {  	v13 =	vld [tilespmem:$0xE10];
	[tilespmem:v14+s16+$0x0] =	vst.idx.msk $0xffff, v2;
	v2 =	vor.u32 $0x1012, v0  }
0x1b0: {  	v14 =	vld [tilespmem:$0xE90];
	[tilespmem:v3+s16+$0x0] =	vst.idx.msk $0xffff, v6;
	v3 =	vor.u32 $0x1013, v0  }
0x1b1: {  	v6 =	vld [tilespmem:$0xF10];
	[tilespmem:v4+s16+$0x0] =	vst.idx.msk $0xffff, v7;
	v4 =	vor.u32 $0x1014, v0  }
0x1b2: {  	v7 =	vld [tilespmem:$0xF90];
	[tilespmem:v5+s16+$0x0] =	vst.idx.msk $0xffff, v8;
	v5 =	vor.u32 $0x1015, v0  }
0x1b3: {  	v8 =	vld [tilespmem:$0x1410];
	[tilespmem:v1+s16+$0x0] =	vst.idx.msk $0xffff, v9;
	v1 =	vor.u32 $0x1016, v0  }
0x1b4: {  	v9 =	vld [tilespmem:$0x1490];
	[tilespmem:v2+s16+$0x0] =	vst.idx.msk $0xffff, v10;
	v2 =	vor.u32 $0x1017, v0  }
0x1b5: {  	v10 =	vld [tilespmem:$0x1510];
	[tilespmem:v3+s16+$0x0] =	vst.idx.msk $0xffff, v20;
	v3 =	vor.u32 $0x1018, v0  }
0x1b6: {  	v20 =	vld [tilespmem:$0x1590];
	[tilespmem:v4+s16+$0x0] =	vst.idx.msk $0xffff, v21;
	v4 =	vor.u32 $0x1019, v0  }
0x1b7: {  	v21 =	vld [tilespmem:$0x1610];
	[tilespmem:v5+s16+$0x0] =	vst.idx.msk $0xffff, v22;
	v5 =	vor.u32 $0x101A, v0  }
0x1b8: {  	v22 =	vld [tilespmem:$0x1690];
	[tilespmem:v1+s16+$0x0] =	vst.idx.msk $0xffff, v23;
	v1 =	vor.u32 $0x101B, v0  }
0x1b9: {  	v23 =	vld [tilespmem:$0x1710];
	[tilespmem:v2+s16+$0x0] =	vst.idx.msk $0xffff, v24;
	v2 =	vor.u32 $0x101C, v0  }
0x1ba: {  	v24 =	vld [tilespmem:$0x1790];
	[tilespmem:v3+s16+$0x0] =	vst.idx.msk $0xffff, v25;
	v3 =	vor.u32 $0x101D, v0  }
0x1bb: {  	v25 =	vld [tilespmem:$0x1C10];
	[tilespmem:v4+s16+$0x0] =	vst.idx.msk $0xffff, v26;
	v4 =	vor.u32 $0x101E, v0  }
0x1bc: {  	v26 =	vld [tilespmem:$0x1C90];
	[tilespmem:v5+s16+$0x0] =	vst.idx.msk $0xffff, v27;
	v5 =	vor.u32 $0x101F, v0  }
0x1bd: {  	v27 =	vld [tilespmem:$0x1D10];
	[tilespmem:v1+s16+$0x0] =	vst.idx.msk $0xffff, v28;
	v28 =	vor.u32 $0x1200, v0  }
0x1be: {  	v1 =	vld [tilespmem:$0x1D90];
	[tilespmem:v2+s16+$0x0] =	vst.idx.msk $0xffff, v30;
	v30 =	vor.u32 $0x1201, v0  }
0x1bf: {  	v2 =	vld [tilespmem:$0x1E10];
	[tilespmem:v3+s16+$0x0] =	vst.idx.msk $0xffff, v32;
	v32 =	vor.u32 $0x1202, v0  }
0x1c0: {  	v3 =	vld [tilespmem:$0x1E90];
	[tilespmem:v4+s16+$0x0] =	vst.idx.msk $0xffff, v34;
	v34 =	vor.u32 $0x1203, v0  }
0x1c1: {  	v4 =	vld [tilespmem:$0x1F10];
	[tilespmem:v5+s16+$0x0] =	vst.idx.msk $0xffff, v36;
	v36 =	vor.u32 $0x1204, v0  }
0x1c2: {  	v5 =	vld [tilespmem:$0x1F90];
	[tilespmem:v28+s16+$0x0] =	vst.idx.msk $0xffff, v29;
	v28 =	vor.u32 $0x1205, v0  }
0x1c3: {  	v29 =	vld [tilespmem:$0x420];
	[tilespmem:v30+s16+$0x0] =	vst.idx.msk $0xffff, v31;
	v30 =	vor.u32 $0x1206, v0  }
0x1c4: {  	v31 =	vld [tilespmem:$0x4A0];
	[tilespmem:v32+s16+$0x0] =	vst.idx.msk $0xffff, v33;
	v32 =	vor.u32 $0x1207, v0  }
0x1c5: {  	v33 =	vld [tilespmem:$0x520];
	[tilespmem:v34+s16+$0x0] =	vst.idx.msk $0xffff, v35;
	v34 =	vor.u32 $0x1208, v0  }
0x1c6: {  	v35 =	vld [tilespmem:$0x5A0];
	[tilespmem:v36+s16+$0x0] =	vst.idx.msk $0xffff, v37;
	v36 =	vor.u32 $0x1209, v0  }
0x1c7: {  	v37 =	vld [tilespmem:$0x620];
	[tilespmem:v28+s16+$0x0] =	vst.idx.msk $0xffff, v16;
	v16 =	vor.u32 $0x120A, v0  }
0x1c8: {  	v28 =	vld [tilespmem:$0x6A0];
	[tilespmem:v30+s16+$0x0] =	vst.idx.msk $0xffff, v17;
	v17 =	vor.u32 $0x120B, v0  }
0x1c9: {  	v30 =	vld [tilespmem:$0x720];
	[tilespmem:v32+s16+$0x0] =	vst.idx.msk $0xffff, v18;
	v18 =	vor.u32 $0x120C, v0  }
0x1ca: {  	v32 =	vld [tilespmem:$0x7A0];
	[tilespmem:v34+s16+$0x0] =	vst.idx.msk $0xffff, v19;
	v19 =	vor.u32 $0x120D, v0  }
0x1cb: {  	v34 =	vld [tilespmem:$0xC20];
	[tilespmem:v36+s16+$0x0] =	vst.idx.msk $0xffff, v15;
	v15 =	vor.u32 $0x120E, v0  }
0x1cc: {  	v36 =	vld [tilespmem:$0xCA0];
	[tilespmem:v16+s16+$0x0] =	vst.idx.msk $0xffff, v11;
	v11 =	vor.u32 $0x120F, v0  }
0x1cd: {  	v16 =	vld [tilespmem:$0xD20];
	[tilespmem:v17+s16+$0x0] =	vst.idx.msk $0xffff, v12;
	v12 =	vor.u32 $0x1210, v0  }
0x1ce: {  	v17 =	vld [tilespmem:$0xDA0];
	[tilespmem:v18+s16+$0x0] =	vst.idx.msk $0xffff, v13;
	v13 =	vor.u32 $0x1211, v0  }
0x1cf: {  	v18 =	vld [tilespmem:$0xE20];
	[tilespmem:v19+s16+$0x0] =	vst.idx.msk $0xffff, v14;
	v14 =	vor.u32 $0x1212, v0  }
0x1d0: {  	v19 =	vld [tilespmem:$0xEA0];
	[tilespmem:v15+s16+$0x0] =	vst.idx.msk $0xffff, v6;
	v6 =	vor.u32 $0x1213, v0  }
0x1d1: {  	v15 =	vld [tilespmem:$0xF20];
	[tilespmem:v11+s16+$0x0] =	vst.idx.msk $0xffff, v7;
	v7 =	vor.u32 $0x1214, v0  }
0x1d2: {  	v11 =	vld [tilespmem:$0xFA0];
	[tilespmem:v12+s16+$0x0] =	vst.idx.msk $0xffff, v8;
	v8 =	vor.u32 $0x1215, v0  }
0x1d3: {  	v12 =	vld [tilespmem:$0x1420];
	[tilespmem:v13+s16+$0x0] =	vst.idx.msk $0xffff, v9;
	v9 =	vor.u32 $0x1216, v0  }
0x1d4: {  	v13 =	vld [tilespmem:$0x14A0];
	[tilespmem:v14+s16+$0x0] =	vst.idx.msk $0xffff, v10;
	v10 =	vor.u32 $0x1217, v0  }
0x1d5: {  	v14 =	vld [tilespmem:$0x1520];
	[tilespmem:v6+s16+$0x0] =	vst.idx.msk $0xffff, v20;
	v6 =	vor.u32 $0x1218, v0  }
0x1d6: {  	v20 =	vld [tilespmem:$0x15A0];
	[tilespmem:v7+s16+$0x0] =	vst.idx.msk $0xffff, v21;
	v7 =	vor.u32 $0x1219, v0  }
0x1d7: {  	v21 =	vld [tilespmem:$0x1620];
	[tilespmem:v8+s16+$0x0] =	vst.idx.msk $0xffff, v22;
	v8 =	vor.u32 $0x121A, v0  }
0x1d8: {  	v22 =	vld [tilespmem:$0x16A0];
	[tilespmem:v9+s16+$0x0] =	vst.idx.msk $0xffff, v23;
	v9 =	vor.u32 $0x121B, v0  }
0x1d9: {  	v23 =	vld [tilespmem:$0x1720];
	[tilespmem:v10+s16+$0x0] =	vst.idx.msk $0xffff, v24;
	v10 =	vor.u32 $0x121C, v0  }
0x1da: {  	v24 =	vld [tilespmem:$0x17A0];
	[tilespmem:v6+s16+$0x0] =	vst.idx.msk $0xffff, v25;
	v6 =	vor.u32 $0x121D, v0  }
0x1db: {  	v25 =	vld [tilespmem:$0x1C20];
	[tilespmem:v7+s16+$0x0] =	vst.idx.msk $0xffff, v26;
	v7 =	vor.u32 $0x121E, v0  }
0x1dc: {  	v26 =	vld [tilespmem:$0x1CA0];
	[tilespmem:v8+s16+$0x0] =	vst.idx.msk $0xffff, v27;
	v8 =	vor.u32 $0x121F, v0  }
0x1dd: {  	v27 =	vld [tilespmem:$0x1D20];
	[tilespmem:v9+s16+$0x0] =	vst.idx.msk $0xffff, v1;
	v9 =	vor.u32 $0x1400, v0  }
0x1de: {  	v1 =	vld [tilespmem:$0x1DA0];
	[tilespmem:v10+s16+$0x0] =	vst.idx.msk $0xffff, v2;
	v10 =	vor.u32 $0x1401, v0  }
0x1df: {  	v2 =	vld [tilespmem:$0x1E20];
	[tilespmem:v6+s16+$0x0] =	vst.idx.msk $0xffff, v3;
	v6 =	vor.u32 $0x1402, v0  }
0x1e0: {  	v3 =	vld [tilespmem:$0x1EA0];
	[tilespmem:v7+s16+$0x0] =	vst.idx.msk $0xffff, v4;
	v7 =	vor.u32 $0x1403, v0  }
0x1e1: {  	v4 =	vld [tilespmem:$0x1F20];
	[tilespmem:v8+s16+$0x0] =	vst.idx.msk $0xffff, v5;
	v8 =	vor.u32 $0x1404, v0  }
0x1e2: {  	v5 =	vld [tilespmem:$0x1FA0];
	[tilespmem:v9+s16+$0x0] =	vst.idx.msk $0xffff, v29;
	v9 =	vor.u32 $0x1405, v0  }
0x1e3: {  	v29 =	vld [tilespmem:$0x430];
	[tilespmem:v10+s16+$0x0] =	vst.idx.msk $0xffff, v31;
	v10 =	vor.u32 $0x1406, v0  }
0x1e4: {  	v31 =	vld [tilespmem:$0x4B0];
	[tilespmem:v6+s16+$0x0] =	vst.idx.msk $0xffff, v33;
	v6 =	vor.u32 $0x1407, v0  }
0x1e5: {  	v33 =	vld [tilespmem:$0x530];
	[tilespmem:v7+s16+$0x0] =	vst.idx.msk $0xffff, v35;
	v7 =	vor.u32 $0x1408, v0  }
0x1e6: {  	v35 =	vld [tilespmem:$0x5B0];
	[tilespmem:v8+s16+$0x0] =	vst.idx.msk $0xffff, v37;
	v8 =	vor.u32 $0x1409, v0  }
0x1e7: {  	v37 =	vld [tilespmem:$0x630];
	[tilespmem:v9+s16+$0x0] =	vst.idx.msk $0xffff, v28;
	v9 =	vor.u32 $0x140A, v0  }
0x1e8: {  	v28 =	vld [tilespmem:$0x6B0];
	[tilespmem:v10+s16+$0x0] =	vst.idx.msk $0xffff, v30;
	v10 =	vor.u32 $0x140B, v0  }
0x1e9: {  	v30 =	vld [tilespmem:$0x730];
	[tilespmem:v6+s16+$0x0] =	vst.idx.msk $0xffff, v32;
	v6 =	vor.u32 $0x140C, v0  }
0x1ea: {  	v32 =	vld [tilespmem:$0x7B0];
	[tilespmem:v7+s16+$0x0] =	vst.idx.msk $0xffff, v34;
	v7 =	vor.u32 $0x140D, v0  }
0x1eb: {  	v34 =	vld [tilespmem:$0xC30];
	[tilespmem:v8+s16+$0x0] =	vst.idx.msk $0xffff, v36;
	v8 =	vor.u32 $0x140E, v0  }
0x1ec: {  	v36 =	vld [tilespmem:$0xCB0];
	[tilespmem:v9+s16+$0x0] =	vst.idx.msk $0xffff, v16;
	v9 =	vor.u32 $0x140F, v0  }
0x1ed: {  	v16 =	vld [tilespmem:$0xD30];
	[tilespmem:v10+s16+$0x0] =	vst.idx.msk $0xffff, v17;
	v10 =	vor.u32 $0x1410, v0  }
0x1ee: {  	v17 =	vld [tilespmem:$0xDB0];
	[tilespmem:v6+s16+$0x0] =	vst.idx.msk $0xffff, v18;
	v6 =	vor.u32 $0x1411, v0  }
0x1ef: {  	v18 =	vld [tilespmem:$0xE30];
	[tilespmem:v7+s16+$0x0] =	vst.idx.msk $0xffff, v19;
	v7 =	vor.u32 $0x1412, v0  }
0x1f0: {  	v19 =	vld [tilespmem:$0xEB0];
	[tilespmem:v8+s16+$0x0] =	vst.idx.msk $0xffff, v15;
	v8 =	vor.u32 $0x1413, v0  }
0x1f1: {  	v15 =	vld [tilespmem:$0xF30];
	[tilespmem:v9+s16+$0x0] =	vst.idx.msk $0xffff, v11;
	v9 =	vor.u32 $0x1414, v0  }
0x1f2: {  	v11 =	vld [tilespmem:$0xFB0];
	[tilespmem:v10+s16+$0x0] =	vst.idx.msk $0xffff, v12;
	v10 =	vor.u32 $0x1415, v0  }
0x1f3: {  	v12 =	vld [tilespmem:$0x1430];
	[tilespmem:v6+s16+$0x0] =	vst.idx.msk $0xffff, v13;
	v6 =	vor.u32 $0x1416, v0  }
0x1f4: {  	v13 =	vld [tilespmem:$0x14B0];
	[tilespmem:v7+s16+$0x0] =	vst.idx.msk $0xffff, v14;
	v7 =	vor.u32 $0x1417, v0  }
0x1f5: {  	v14 =	vld [tilespmem:$0x1530];
	[tilespmem:v8+s16+$0x0] =	vst.idx.msk $0xffff, v20;
	v8 =	vor.u32 $0x1418, v0  }
0x1f6: {  	v20 =	vld [tilespmem:$0x15B0];
	[tilespmem:v9+s16+$0x0] =	vst.idx.msk $0xffff, v21;
	v9 =	vor.u32 $0x1419, v0  }
0x1f7: {  	v21 =	vld [tilespmem:$0x1630];
	[tilespmem:v10+s16+$0x0] =	vst.idx.msk $0xffff, v22;
	v10 =	vor.u32 $0x141A, v0  }
0x1f8: {  	v22 =	vld [tilespmem:$0x16B0];
	[tilespmem:v6+s16+$0x0] =	vst.idx.msk $0xffff, v23;
	v6 =	vor.u32 $0x141B, v0  }
0x1f9: {  	v23 =	vld [tilespmem:$0x1730];
	[tilespmem:v7+s16+$0x0] =	vst.idx.msk $0xffff, v24;
	v7 =	vor.u32 $0x141C, v0  }
0x1fa: {  	v24 =	vld [tilespmem:$0x17B0];
	[tilespmem:v8+s16+$0x0] =	vst.idx.msk $0xffff, v25;
	v8 =	vor.u32 $0x141D, v0  }
0x1fb: {  	v25 =	vld [tilespmem:$0x1C30];
	[tilespmem:v9+s16+$0x0] =	vst.idx.msk $0xffff, v26;
	v9 =	vor.u32 $0x141E, v0  }
0x1fc: {  	v26 =	vld [tilespmem:$0x1CB0];
	[tilespmem:v10+s16+$0x0] =	vst.idx.msk $0xffff, v27;
	v10 =	vor.u32 $0x141F, v0  }
0x1fd: {  	v27 =	vld [tilespmem:$0x1D30];
	[tilespmem:v6+s16+$0x0] =	vst.idx.msk $0xffff, v1;
	v6 =	vor.u32 $0x1600, v0  }
0x1fe: {  	v1 =	vld [tilespmem:$0x1DB0];
	[tilespmem:v7+s16+$0x0] =	vst.idx.msk $0xffff, v2;
	v7 =	vor.u32 $0x1601, v0  }
0x1ff: {  	v2 =	vld [tilespmem:$0x1E30];
	[tilespmem:v8+s16+$0x0] =	vst.idx.msk $0xffff, v3;
	v8 =	vor.u32 $0x1602, v0  }
0x200: {  	v3 =	vld [tilespmem:$0x1EB0];
	[tilespmem:v9+s16+$0x0] =	vst.idx.msk $0xffff, v4;
	v9 =	vor.u32 $0x1603, v0  }
0x201: {  	v4 =	vld [tilespmem:$0x1F30];
	[tilespmem:v10+s16+$0x0] =	vst.idx.msk $0xffff, v5;
	v10 =	vor.u32 $0x1604, v0  }
0x202: {  	v5 =	vld [tilespmem:$0x1FB0];
	[tilespmem:v6+s16+$0x0] =	vst.idx.msk $0xffff, v29;
	v6 =	vor.u32 $0x1605, v0  }
0x203: {  	v29 =	vld [tilespmem:$0x440];
	[tilespmem:v7+s16+$0x0] =	vst.idx.msk $0xffff, v31;
	v7 =	vor.u32 $0x1606, v0  }
0x204: {  	v31 =	vld [tilespmem:$0x4C0];
	[tilespmem:v8+s16+$0x0] =	vst.idx.msk $0xffff, v33;
	v8 =	vor.u32 $0x1607, v0  }
0x205: {  	v33 =	vld [tilespmem:$0x540];
	[tilespmem:v9+s16+$0x0] =	vst.idx.msk $0xffff, v35;
	v9 =	vor.u32 $0x1608, v0  }
0x206: {  	v35 =	vld [tilespmem:$0x5C0];
	[tilespmem:v10+s16+$0x0] =	vst.idx.msk $0xffff, v37;
	v10 =	vor.u32 $0x1609, v0  }
0x207: {  	v37 =	vld [tilespmem:$0x640];
	[tilespmem:v6+s16+$0x0] =	vst.idx.msk $0xffff, v28;
	v6 =	vor.u32 $0x160A, v0  }
0x208: {  	v28 =	vld [tilespmem:$0x6C0];
	[tilespmem:v7+s16+$0x0] =	vst.idx.msk $0xffff, v30;
	v7 =	vor.u32 $0x160B, v0  }
0x209: {  	v30 =	vld [tilespmem:$0x740];
	[tilespmem:v8+s16+$0x0] =	vst.idx.msk $0xffff, v32;
	v8 =	vor.u32 $0x160C, v0  }
0x20a: {  	v32 =	vld [tilespmem:$0x7C0];
	[tilespmem:v9+s16+$0x0] =	vst.idx.msk $0xffff, v34;
	v9 =	vor.u32 $0x160D, v0  }
0x20b: {  	v34 =	vld [tilespmem:$0xC40];
	[tilespmem:v10+s16+$0x0] =	vst.idx.msk $0xffff, v36;
	v10 =	vor.u32 $0x160E, v0  }
0x20c: {  	v36 =	vld [tilespmem:$0xCC0];
	[tilespmem:v6+s16+$0x0] =	vst.idx.msk $0xffff, v16;
	v6 =	vor.u32 $0x160F, v0  }
0x20d: {  	v16 =	vld [tilespmem:$0xD40];
	[tilespmem:v7+s16+$0x0] =	vst.idx.msk $0xffff, v17;
	v7 =	vor.u32 $0x1610, v0  }
0x20e: {  	v17 =	vld [tilespmem:$0xDC0];
	[tilespmem:v8+s16+$0x0] =	vst.idx.msk $0xffff, v18;
	v8 =	vor.u32 $0x1611, v0  }
0x20f: {  	v18 =	vld [tilespmem:$0xE40];
	[tilespmem:v9+s16+$0x0] =	vst.idx.msk $0xffff, v19;
	v9 =	vor.u32 $0x1612, v0  }
0x210: {  	v19 =	vld [tilespmem:$0xEC0];
	[tilespmem:v10+s16+$0x0] =	vst.idx.msk $0xffff, v15;
	v10 =	vor.u32 $0x1613, v0  }
0x211: {  	v15 =	vld [tilespmem:$0xF40];
	[tilespmem:v6+s16+$0x0] =	vst.idx.msk $0xffff, v11;
	v6 =	vor.u32 $0x1614, v0  }
0x212: {  	v11 =	vld [tilespmem:$0xFC0];
	[tilespmem:v7+s16+$0x0] =	vst.idx.msk $0xffff, v12;
	v7 =	vor.u32 $0x1615, v0  }
0x213: {  	v12 =	vld [tilespmem:$0x1440];
	[tilespmem:v8+s16+$0x0] =	vst.idx.msk $0xffff, v13;
	v8 =	vor.u32 $0x1616, v0  }
0x214: {  	v13 =	vld [tilespmem:$0x14C0];
	[tilespmem:v9+s16+$0x0] =	vst.idx.msk $0xffff, v14;
	v9 =	vor.u32 $0x1617, v0  }
0x215: {  	v14 =	vld [tilespmem:$0x1540];
	[tilespmem:v10+s16+$0x0] =	vst.idx.msk $0xffff, v20;
	v10 =	vor.u32 $0x1618, v0  }
0x216: {  	v20 =	vld [tilespmem:$0x15C0];
	[tilespmem:v6+s16+$0x0] =	vst.idx.msk $0xffff, v21;
	v6 =	vor.u32 $0x1619, v0  }
0x217: {  	v21 =	vld [tilespmem:$0x1640];
	[tilespmem:v7+s16+$0x0] =	vst.idx.msk $0xffff, v22;
	v7 =	vor.u32 $0x161A, v0  }
0x218: {  	v22 =	vld [tilespmem:$0x16C0];
	[tilespmem:v8+s16+$0x0] =	vst.idx.msk $0xffff, v23;
	v8 =	vor.u32 $0x161B, v0  }
0x219: {  	v23 =	vld [tilespmem:$0x1740];
	[tilespmem:v9+s16+$0x0] =	vst.idx.msk $0xffff, v24;
	v9 =	vor.u32 $0x161C, v0  }
0x21a: {  	v24 =	vld [tilespmem:$0x17C0];
	[tilespmem:v10+s16+$0x0] =	vst.idx.msk $0xffff, v25;
	v10 =	vor.u32 $0x161D, v0  }
0x21b: {  	v25 =	vld [tilespmem:$0x1C40];
	[tilespmem:v6+s16+$0x0] =	vst.idx.msk $0xffff, v26;
	v6 =	vor.u32 $0x161E, v0  }
0x21c: {  	v26 =	vld [tilespmem:$0x1CC0];
	[tilespmem:v7+s16+$0x0] =	vst.idx.msk $0xffff, v27;
	v7 =	vor.u32 $0x161F, v0  }
0x21d: {  	v27 =	vld [tilespmem:$0x1D40];
	[tilespmem:v8+s16+$0x0] =	vst.idx.msk $0xffff, v1;
	v8 =	vor.u32 $0x1800, v0  }
0x21e: {  	v1 =	vld [tilespmem:$0x1DC0];
	[tilespmem:v9+s16+$0x0] =	vst.idx.msk $0xffff, v2;
	v9 =	vor.u32 $0x1801, v0  }
0x21f: {  	v2 =	vld [tilespmem:$0x1E40];
	[tilespmem:v10+s16+$0x0] =	vst.idx.msk $0xffff, v3;
	v10 =	vor.u32 $0x1802, v0  }
0x220: {  	v3 =	vld [tilespmem:$0x1EC0];
	[tilespmem:v6+s16+$0x0] =	vst.idx.msk $0xffff, v4;
	v6 =	vor.u32 $0x1803, v0  }
0x221: {  	v4 =	vld [tilespmem:$0x1F40];
	[tilespmem:v7+s16+$0x0] =	vst.idx.msk $0xffff, v5;
	v7 =	vor.u32 $0x1804, v0  }
0x222: {  	v5 =	vld [tilespmem:$0x1FC0];
	[tilespmem:v8+s16+$0x0] =	vst.idx.msk $0xffff, v29;
	v8 =	vor.u32 $0x1805, v0  }
0x223: {  	v29 =	vld [tilespmem:$0x450];
	[tilespmem:v9+s16+$0x0] =	vst.idx.msk $0xffff, v31;
	v9 =	vor.u32 $0x1806, v0  }
0x224: {  	v31 =	vld [tilespmem:$0x4D0];
	[tilespmem:v10+s16+$0x0] =	vst.idx.msk $0xffff, v33;
	v10 =	vor.u32 $0x1807, v0  }
0x225: {  	v33 =	vld [tilespmem:$0x550];
	[tilespmem:v6+s16+$0x0] =	vst.idx.msk $0xffff, v35;
	v6 =	vor.u32 $0x1808, v0  }
0x226: {  	v35 =	vld [tilespmem:$0x5D0];
	[tilespmem:v7+s16+$0x0] =	vst.idx.msk $0xffff, v37;
	v7 =	vor.u32 $0x1809, v0  }
0x227: {  	v37 =	vld [tilespmem:$0x650];
	[tilespmem:v8+s16+$0x0] =	vst.idx.msk $0xffff, v28;
	v8 =	vor.u32 $0x180A, v0  }
0x228: {  	v28 =	vld [tilespmem:$0x6D0];
	[tilespmem:v9+s16+$0x0] =	vst.idx.msk $0xffff, v30;
	v9 =	vor.u32 $0x180B, v0  }
0x229: {  	v30 =	vld [tilespmem:$0x750];
	[tilespmem:v10+s16+$0x0] =	vst.idx.msk $0xffff, v32;
	v10 =	vor.u32 $0x180C, v0  }
0x22a: {  	v32 =	vld [tilespmem:$0x7D0];
	[tilespmem:v6+s16+$0x0] =	vst.idx.msk $0xffff, v34;
	v6 =	vor.u32 $0x180D, v0  }
0x22b: {  	v34 =	vld [tilespmem:$0xC50];
	[tilespmem:v7+s16+$0x0] =	vst.idx.msk $0xffff, v36;
	v7 =	vor.u32 $0x180E, v0  }
0x22c: {  	v36 =	vld [tilespmem:$0xCD0];
	[tilespmem:v8+s16+$0x0] =	vst.idx.msk $0xffff, v16;
	v8 =	vor.u32 $0x180F, v0  }
0x22d: {  	v16 =	vld [tilespmem:$0xD50];
	[tilespmem:v9+s16+$0x0] =	vst.idx.msk $0xffff, v17;
	v9 =	vor.u32 $0x1810, v0  }
0x22e: {  	v17 =	vld [tilespmem:$0xDD0];
	[tilespmem:v10+s16+$0x0] =	vst.idx.msk $0xffff, v18;
	v10 =	vor.u32 $0x1811, v0  }
0x22f: {  	v18 =	vld [tilespmem:$0xE50];
	[tilespmem:v6+s16+$0x0] =	vst.idx.msk $0xffff, v19;
	v6 =	vor.u32 $0x1812, v0  }
0x230: {  	v19 =	vld [tilespmem:$0xED0];
	[tilespmem:v7+s16+$0x0] =	vst.idx.msk $0xffff, v15;
	v7 =	vor.u32 $0x1813, v0  }
0x231: {  	v15 =	vld [tilespmem:$0xF50];
	[tilespmem:v8+s16+$0x0] =	vst.idx.msk $0xffff, v11;
	v8 =	vor.u32 $0x1814, v0  }
0x232: {  	v11 =	vld [tilespmem:$0xFD0];
	[tilespmem:v9+s16+$0x0] =	vst.idx.msk $0xffff, v12;
	v9 =	vor.u32 $0x1815, v0  }
0x233: {  	v12 =	vld [tilespmem:$0x1450];
	[tilespmem:v10+s16+$0x0] =	vst.idx.msk $0xffff, v13;
	v10 =	vor.u32 $0x1816, v0  }
0x234: {  	v13 =	vld [tilespmem:$0x14D0];
	[tilespmem:v6+s16+$0x0] =	vst.idx.msk $0xffff, v14;
	v6 =	vor.u32 $0x1817, v0  }
0x235: {  	v14 =	vld [tilespmem:$0x1550];
	[tilespmem:v7+s16+$0x0] =	vst.idx.msk $0xffff, v20;
	v7 =	vor.u32 $0x1818, v0  }
0x236: {  	v20 =	vld [tilespmem:$0x15D0];
	[tilespmem:v8+s16+$0x0] =	vst.idx.msk $0xffff, v21;
	v8 =	vor.u32 $0x1819, v0  }
0x237: {  	v21 =	vld [tilespmem:$0x1650];
	[tilespmem:v9+s16+$0x0] =	vst.idx.msk $0xffff, v22;
	v9 =	vor.u32 $0x181A, v0  }
0x238: {  	v22 =	vld [tilespmem:$0x16D0];
	[tilespmem:v10+s16+$0x0] =	vst.idx.msk $0xffff, v23;
	v10 =	vor.u32 $0x181B, v0  }
0x239: {  	v23 =	vld [tilespmem:$0x1750];
	[tilespmem:v6+s16+$0x0] =	vst.idx.msk $0xffff, v24;
	v6 =	vor.u32 $0x181C, v0  }
0x23a: {  	v24 =	vld [tilespmem:$0x17D0];
	[tilespmem:v7+s16+$0x0] =	vst.idx.msk $0xffff, v25;
	v7 =	vor.u32 $0x181D, v0  }
0x23b: {  	v25 =	vld [tilespmem:$0x1C50];
	[tilespmem:v8+s16+$0x0] =	vst.idx.msk $0xffff, v26;
	v8 =	vor.u32 $0x181E, v0  }
0x23c: {  	v26 =	vld [tilespmem:$0x1CD0];
	[tilespmem:v9+s16+$0x0] =	vst.idx.msk $0xffff, v27;
	v9 =	vor.u32 $0x181F, v0  }
0x23d: {  	v27 =	vld [tilespmem:$0x1D50];
	[tilespmem:v10+s16+$0x0] =	vst.idx.msk $0xffff, v1;
	v10 =	vor.u32 $0x1A00, v0  }
0x23e: {  	v1 =	vld [tilespmem:$0x1DD0];
	[tilespmem:v6+s16+$0x0] =	vst.idx.msk $0xffff, v2;
	v6 =	vor.u32 $0x1A01, v0  }
0x23f: {  	v2 =	vld [tilespmem:$0x1E50];
	[tilespmem:v7+s16+$0x0] =	vst.idx.msk $0xffff, v3;
	v7 =	vor.u32 $0x1A02, v0  }
0x240: {  	v3 =	vld [tilespmem:$0x1ED0];
	[tilespmem:v8+s16+$0x0] =	vst.idx.msk $0xffff, v4;
	v8 =	vor.u32 $0x1A03, v0  }
0x241: {  	v4 =	vld [tilespmem:$0x1F50];
	[tilespmem:v9+s16+$0x0] =	vst.idx.msk $0xffff, v5;
	v9 =	vor.u32 $0x1A04, v0  }
0x242: {  	v5 =	vld [tilespmem:$0x1FD0];
	[tilespmem:v10+s16+$0x0] =	vst.idx.msk $0xffff, v29;
	v10 =	vor.u32 $0x1A05, v0  }
0x243: {  	v29 =	vld [tilespmem:$0x460];
	[tilespmem:v6+s16+$0x0] =	vst.idx.msk $0xffff, v31;
	v6 =	vor.u32 $0x1A06, v0  }
0x244: {  	v31 =	vld [tilespmem:$0x4E0];
	[tilespmem:v7+s16+$0x0] =	vst.idx.msk $0xffff, v33;
	v7 =	vor.u32 $0x1A07, v0  }
0x245: {  	v33 =	vld [tilespmem:$0x560];
	[tilespmem:v8+s16+$0x0] =	vst.idx.msk $0xffff, v35;
	v8 =	vor.u32 $0x1A08, v0  }
0x246: {  	v35 =	vld [tilespmem:$0x5E0];
	[tilespmem:v9+s16+$0x0] =	vst.idx.msk $0xffff, v37;
	v9 =	vor.u32 $0x1A09, v0  }
0x247: {  	v37 =	vld [tilespmem:$0x660];
	[tilespmem:v10+s16+$0x0] =	vst.idx.msk $0xffff, v28;
	v10 =	vor.u32 $0x1A0A, v0  }
0x248: {  	v28 =	vld [tilespmem:$0x6E0];
	[tilespmem:v6+s16+$0x0] =	vst.idx.msk $0xffff, v30;
	v6 =	vor.u32 $0x1A0B, v0  }
0x249: {  	v30 =	vld [tilespmem:$0x760];
	[tilespmem:v7+s16+$0x0] =	vst.idx.msk $0xffff, v32;
	v7 =	vor.u32 $0x1A0C, v0  }
0x24a: {  	v32 =	vld [tilespmem:$0x7E0];
	[tilespmem:v8+s16+$0x0] =	vst.idx.msk $0xffff, v34;
	v8 =	vor.u32 $0x1A0D, v0  }
0x24b: {  	v34 =	vld [tilespmem:$0xC60];
	[tilespmem:v9+s16+$0x0] =	vst.idx.msk $0xffff, v36;
	v9 =	vor.u32 $0x1A0E, v0  }
0x24c: {  	v36 =	vld [tilespmem:$0xCE0];
	[tilespmem:v10+s16+$0x0] =	vst.idx.msk $0xffff, v16;
	v10 =	vor.u32 $0x1A0F, v0  }
0x24d: {  	v16 =	vld [tilespmem:$0xD60];
	[tilespmem:v6+s16+$0x0] =	vst.idx.msk $0xffff, v17;
	v6 =	vor.u32 $0x1A10, v0  }
0x24e: {  	v17 =	vld [tilespmem:$0xDE0];
	[tilespmem:v7+s16+$0x0] =	vst.idx.msk $0xffff, v18;
	v7 =	vor.u32 $0x1A11, v0  }
0x24f: {  	v18 =	vld [tilespmem:$0xE60];
	[tilespmem:v8+s16+$0x0] =	vst.idx.msk $0xffff, v19;
	v8 =	vor.u32 $0x1A12, v0  }
0x250: {  	v19 =	vld [tilespmem:$0xEE0];
	[tilespmem:v9+s16+$0x0] =	vst.idx.msk $0xffff, v15;
	v9 =	vor.u32 $0x1A13, v0  }
0x251: {  	v15 =	vld [tilespmem:$0xF60];
	[tilespmem:v10+s16+$0x0] =	vst.idx.msk $0xffff, v11;
	v10 =	vor.u32 $0x1A14, v0  }
0x252: {  	v11 =	vld [tilespmem:$0xFE0];
	[tilespmem:v6+s16+$0x0] =	vst.idx.msk $0xffff, v12;
	v6 =	vor.u32 $0x1A15, v0  }
0x253: {  	v12 =	vld [tilespmem:$0x1460];
	[tilespmem:v7+s16+$0x0] =	vst.idx.msk $0xffff, v13;
	v7 =	vor.u32 $0x1A16, v0  }
0x254: {  	v13 =	vld [tilespmem:$0x14E0];
	[tilespmem:v8+s16+$0x0] =	vst.idx.msk $0xffff, v14;
	v8 =	vor.u32 $0x1A17, v0  }
0x255: {  	v14 =	vld [tilespmem:$0x1560];
	[tilespmem:v9+s16+$0x0] =	vst.idx.msk $0xffff, v20;
	v9 =	vor.u32 $0x1A18, v0  }
0x256: {  	v20 =	vld [tilespmem:$0x15E0];
	[tilespmem:v10+s16+$0x0] =	vst.idx.msk $0xffff, v21;
	v10 =	vor.u32 $0x1A19, v0  }
0x257: {  	v21 =	vld [tilespmem:$0x1660];
	[tilespmem:v6+s16+$0x0] =	vst.idx.msk $0xffff, v22;
	v6 =	vor.u32 $0x1A1A, v0  }
0x258: {  	v22 =	vld [tilespmem:$0x16E0];
	[tilespmem:v7+s16+$0x0] =	vst.idx.msk $0xffff, v23;
	v7 =	vor.u32 $0x1A1B, v0  }
0x259: {  	v23 =	vld [tilespmem:$0x1760];
	[tilespmem:v8+s16+$0x0] =	vst.idx.msk $0xffff, v24;
	v8 =	vor.u32 $0x1A1C, v0  }
0x25a: {  	v24 =	vld [tilespmem:$0x17E0];
	[tilespmem:v9+s16+$0x0] =	vst.idx.msk $0xffff, v25;
	v9 =	vor.u32 $0x1A1D, v0  }
0x25b: {  	v25 =	vld [tilespmem:$0x1C60];
	[tilespmem:v10+s16+$0x0] =	vst.idx.msk $0xffff, v26;
	v10 =	vor.u32 $0x1A1E, v0  }
0x25c: {  	v26 =	vld [tilespmem:$0x1CE0];
	[tilespmem:v6+s16+$0x0] =	vst.idx.msk $0xffff, v27;
	v6 =	vor.u32 $0x1A1F, v0  }
0x25d: {  	v27 =	vld [tilespmem:$0x1D60];
	[tilespmem:v7+s16+$0x0] =	vst.idx.msk $0xffff, v1;
	v7 =	vor.u32 $0x1C00, v0  }
0x25e: {  	v1 =	vld [tilespmem:$0x1DE0];
	[tilespmem:v8+s16+$0x0] =	vst.idx.msk $0xffff, v2;
	v8 =	vor.u32 $0x1C01, v0  }
0x25f: {  	v2 =	vld [tilespmem:$0x1E60];
	[tilespmem:v9+s16+$0x0] =	vst.idx.msk $0xffff, v3;
	v9 =	vor.u32 $0x1C02, v0  }
0x260: {  	v3 =	vld [tilespmem:$0x1EE0];
	[tilespmem:v10+s16+$0x0] =	vst.idx.msk $0xffff, v4;
	v10 =	vor.u32 $0x1C03, v0  }
0x261: {  	v4 =	vld [tilespmem:$0x1F60];
	[tilespmem:v6+s16+$0x0] =	vst.idx.msk $0xffff, v5;
	v6 =	vor.u32 $0x1C04, v0  }
0x262: {  	v5 =	vld [tilespmem:$0x1FE0];
	[tilespmem:v7+s16+$0x0] =	vst.idx.msk $0xffff, v29;
	v7 =	vor.u32 $0x1C05, v0  }
0x263: {  	v29 =	vld [tilespmem:$0x470];
	[tilespmem:v8+s16+$0x0] =	vst.idx.msk $0xffff, v31;
	v8 =	vor.u32 $0x1C06, v0  }
0x264: {  	v31 =	vld [tilespmem:$0x4F0];
	[tilespmem:v9+s16+$0x0] =	vst.idx.msk $0xffff, v33;
	v9 =	vor.u32 $0x1C07, v0  }
0x265: {  	v33 =	vld [tilespmem:$0x570];
	[tilespmem:v10+s16+$0x0] =	vst.idx.msk $0xffff, v35;
	v10 =	vor.u32 $0x1C08, v0  }
0x266: {  	v35 =	vld [tilespmem:$0x5F0];
	[tilespmem:v6+s16+$0x0] =	vst.idx.msk $0xffff, v37;
	v6 =	vor.u32 $0x1C09, v0  }
0x267: {  	v37 =	vld [tilespmem:$0x670];
	[tilespmem:v7+s16+$0x0] =	vst.idx.msk $0xffff, v28;
	v7 =	vor.u32 $0x1C0A, v0  }
0x268: {  	v28 =	vld [tilespmem:$0x6F0];
	[tilespmem:v8+s16+$0x0] =	vst.idx.msk $0xffff, v30;
	v8 =	vor.u32 $0x1C0B, v0  }
0x269: {  	v30 =	vld [tilespmem:$0x770];
	[tilespmem:v9+s16+$0x0] =	vst.idx.msk $0xffff, v32;
	v9 =	vor.u32 $0x1C0C, v0  }
0x26a: {  	v32 =	vld [tilespmem:$0x7F0];
	[tilespmem:v10+s16+$0x0] =	vst.idx.msk $0xffff, v34;
	v10 =	vor.u32 $0x1C0D, v0  }
0x26b: {  	v34 =	vld [tilespmem:$0xC70];
	[tilespmem:v6+s16+$0x0] =	vst.idx.msk $0xffff, v36;
	v6 =	vor.u32 $0x1C0E, v0  }
0x26c: {  	v36 =	vld [tilespmem:$0xCF0];
	[tilespmem:v7+s16+$0x0] =	vst.idx.msk $0xffff, v16;
	v7 =	vor.u32 $0x1C0F, v0  }
0x26d: {  	v16 =	vld [tilespmem:$0xD70];
	[tilespmem:v8+s16+$0x0] =	vst.idx.msk $0xffff, v17;
	v8 =	vor.u32 $0x1C10, v0  }
0x26e: {  	v17 =	vld [tilespmem:$0xDF0];
	[tilespmem:v9+s16+$0x0] =	vst.idx.msk $0xffff, v18;
	v9 =	vor.u32 $0x1C11, v0  }
0x26f: {  	v18 =	vld [tilespmem:$0xE70];
	[tilespmem:v10+s16+$0x0] =	vst.idx.msk $0xffff, v19;
	v10 =	vor.u32 $0x1C12, v0  }
0x270: {  	v19 =	vld [tilespmem:$0xEF0];
	[tilespmem:v6+s16+$0x0] =	vst.idx.msk $0xffff, v15;
	v6 =	vor.u32 $0x1C13, v0  }
0x271: {  	v15 =	vld [tilespmem:$0xF70];
	[tilespmem:v7+s16+$0x0] =	vst.idx.msk $0xffff, v11;
	v7 =	vor.u32 $0x1C14, v0  }
0x272: {  	v11 =	vld [tilespmem:$0xFF0];
	[tilespmem:v8+s16+$0x0] =	vst.idx.msk $0xffff, v12;
	v8 =	vor.u32 $0x1C15, v0  }
0x273: {  	v12 =	vld [tilespmem:$0x1470];
	[tilespmem:v9+s16+$0x0] =	vst.idx.msk $0xffff, v13;
	v9 =	vor.u32 $0x1C16, v0  }
0x274: {  	v13 =	vld [tilespmem:$0x14F0];
	[tilespmem:v10+s16+$0x0] =	vst.idx.msk $0xffff, v14;
	v10 =	vor.u32 $0x1C17, v0  }
0x275: {  	v14 =	vld [tilespmem:$0x1570];
	[tilespmem:v6+s16+$0x0] =	vst.idx.msk $0xffff, v20;
	v6 =	vor.u32 $0x1C18, v0  }
0x276: {  	v20 =	vld [tilespmem:$0x15F0];
	[tilespmem:v7+s16+$0x0] =	vst.idx.msk $0xffff, v21;
	v7 =	vor.u32 $0x1C19, v0  }
0x277: {  	v21 =	vld [tilespmem:$0x1670];
	[tilespmem:v8+s16+$0x0] =	vst.idx.msk $0xffff, v22;
	v8 =	vor.u32 $0x1C1A, v0  }
0x278: {  	v22 =	vld [tilespmem:$0x16F0];
	[tilespmem:v9+s16+$0x0] =	vst.idx.msk $0xffff, v23;
	v9 =	vor.u32 $0x1C1B, v0  }
0x279: {  	v23 =	vld [tilespmem:$0x1770];
	[tilespmem:v10+s16+$0x0] =	vst.idx.msk $0xffff, v24;
	v10 =	vor.u32 $0x1C1C, v0  }
0x27a: {  	v24 =	vld [tilespmem:$0x17F0];
	[tilespmem:v6+s16+$0x0] =	vst.idx.msk $0xffff, v25;
	v6 =	vor.u32 $0x1C1D, v0  }
0x27b: {  	v25 =	vld [tilespmem:$0x1C70];
	[tilespmem:v7+s16+$0x0] =	vst.idx.msk $0xffff, v26;
	v7 =	vor.u32 $0x1C1E, v0  }
0x27c: {  	v26 =	vld [tilespmem:$0x1CF0];
	[tilespmem:v8+s16+$0x0] =	vst.idx.msk $0xffff, v27;
	v8 =	vor.u32 $0x1C1F, v0  }
0x27d: {  	v27 =	vld [tilespmem:$0x1D70];
	[tilespmem:v9+s16+$0x0] =	vst.idx.msk $0xffff, v1;
	v9 =	vor.u32 $0x1E00, v0  }
0x27e: {  	v1 =	vld [tilespmem:$0x1DF0];
	[tilespmem:v10+s16+$0x0] =	vst.idx.msk $0xffff, v2;
	v10 =	vor.u32 $0x1E01, v0  }
0x27f: {  	v2 =	vld [tilespmem:$0x1E70];
	[tilespmem:v6+s16+$0x0] =	vst.idx.msk $0xffff, v3;
	v6 =	vor.u32 $0x1E02, v0  }
0x280: {  	v3 =	vld [tilespmem:$0x1EF0];
	[tilespmem:v7+s16+$0x0] =	vst.idx.msk $0xffff, v4;
	v7 =	vor.u32 $0x1E03, v0  }
0x281: {  	v4 =	vld [tilespmem:$0x1F70];
	[tilespmem:v8+s16+$0x0] =	vst.idx.msk $0xffff, v5;
	v8 =	vor.u32 $0x1E04, v0  }
0x282: {  	v5 =	vld [tilespmem:$0x1FF0];
	[tilespmem:v9+s16+$0x0] =	vst.idx.msk $0xffff, v29;
	v29 =	vor.u32 $0x1E05, v0  }
0x283: {  	[tilespmem:v10+s16+$0x0] =	vst.idx.msk $0xffff, v31;
	v31 =	vor.u32 $0x1E06, v0  }
0x284: {  	[tilespmem:v6+s16+$0x0] =	vst.idx.msk $0xffff, v33;
	v33 =	vor.u32 $0x1E07, v0  }
0x285: {  	[tilespmem:v7+s16+$0x0] =	vst.idx.msk $0xffff, v35;
	v35 =	vor.u32 $0x1E08, v0  }
0x286: {  	[tilespmem:v8+s16+$0x0] =	vst.idx.msk $0xffff, v37;
	v37 =	vor.u32 $0x1E09, v0  }
0x287: {  	[tilespmem:v29+s16+$0x0] =	vst.idx.msk $0xffff, v28;
	v29 =	vor.u32 $0x1E0A, v0  }
0x288: {  	[tilespmem:v31+s16+$0x0] =	vst.idx.msk $0xffff, v30;
	v31 =	vor.u32 $0x1E0B, v0  }
0x289: {  	[tilespmem:v33+s16+$0x0] =	vst.idx.msk $0xffff, v32;
	v32 =	vor.u32 $0x1E0C, v0  }
0x28a: {  	v33 =	vor.u32 $0x1E0D, v0;
	[tilespmem:v35+s16+$0x0] =	vst.idx.msk $0xffff, v34  }
0x28b: {  	v34 =	vor.u32 $0x1E0E, v0;
	[tilespmem:v37+s16+$0x0] =	vst.idx.msk $0xffff, v36  }
0x28c: {  	v35 =	vor.u32 $0x1E0F, v0;
	[tilespmem:v29+s16+$0x0] =	vst.idx.msk $0xffff, v16  }
0x28d: {  	v36 =	vor.u32 $0x1E10, v0;
	[tilespmem:v31+s16+$0x0] =	vst.idx.msk $0xffff, v17  }
0x28e: {  	v37 =	vor.u32 $0x1E11, v0;
	[tilespmem:v32+s16+$0x0] =	vst.idx.msk $0xffff, v18  }
0x28f: {  	v16 =	vor.u32 $0x1E12, v0;
	[tilespmem:v33+s16+$0x0] =	vst.idx.msk $0xffff, v19  }
0x290: {  	v17 =	vor.u32 $0x1E13, v0;
	[tilespmem:v34+s16+$0x0] =	vst.idx.msk $0xffff, v15  }
0x291: {  	v18 =	vor.u32 $0x1E14, v0;
	[tilespmem:v35+s16+$0x0] =	vst.idx.msk $0xffff, v11  }
0x292: {  	v19 =	vor.u32 $0x1E15, v0;
	[tilespmem:v36+s16+$0x0] =	vst.idx.msk $0xffff, v12  }
0x293: {  	v28 =	vor.u32 $0x1E16, v0;
	[tilespmem:v37+s16+$0x0] =	vst.idx.msk $0xffff, v13  }
0x294: {  	v29 =	vor.u32 $0x1E17, v0;
	[tilespmem:v16+s16+$0x0] =	vst.idx.msk $0xffff, v14  }
0x295: {  	v30 =	vor.u32 $0x1E18, v0;
	[tilespmem:v17+s16+$0x0] =	vst.idx.msk $0xffff, v20  }
0x296: {  	v31 =	vor.u32 $0x1E19, v0;
	[tilespmem:v18+s16+$0x0] =	vst.idx.msk $0xffff, v21  }
0x297: {  	v32 =	vor.u32 $0x1E1A, v0;
	[tilespmem:v19+s16+$0x0] =	vst.idx.msk $0xffff, v22  }
0x298: {  	v33 =	vor.u32 $0x1E1B, v0;
	[tilespmem:v28+s16+$0x0] =	vst.idx.msk $0xffff, v23  }
0x299: {  	v34 =	vor.u32 $0x1E1C, v0;
	[tilespmem:v29+s16+$0x0] =	vst.idx.msk $0xffff, v24  }
0x29a: {  	v35 =	vor.u32 $0x1E1D, v0;
	[tilespmem:v30+s16+$0x0] =	vst.idx.msk $0xffff, v25  }
0x29b: {  	v36 =	vor.u32 $0x1E1E, v0;
	[tilespmem:v31+s16+$0x0] =	vst.idx.msk $0xffff, v26  }
0x29c: {  	v37 =	vor.u32 $0x1E1F, v0;
	[tilespmem:v32+s16+$0x0] =	vst.idx.msk $0xffff, v27  }
0x29d: {  	[tilespmem:v33+s16+$0x0] =	vst.idx.msk $0xffff, v1  }
0x29e: {  	[tilespmem:v34+s16+$0x0] =	vst.idx.msk $0xffff, v2  }
0x29f: {  	[tilespmem:v35+s16+$0x0] =	vst.idx.msk $0xffff, v3  }
0x2a0: {  	p2 =	sgt.u32 s22, $0xF01;
	[tilespmem:v36+s16+$0x0] =	vst.idx.msk $0xffff, v4  }
0x2a1: {  	s26 =	simm.s32 @!p2 $0x800;
	s25 =	sadd.s32 @!p2 s24, s10;
	[tilespmem:v37+s16+$0x0] =	vst.idx.msk $0xffff, v5  }
0x2a2: {  	[hbm4b:s23+s3] =	stream.linear.scatter [tilespmem:s16], [sflag:$0x3], $0x2000, $0x38;
	[tilespmem:$0x8000] =	vst v63  }
0x2a3: {  	s28 =	simm.s32 @!p2 $0x7A1400;
	s29 =	simm.s32 @!p2 $0x0;
	s25 =	sadd.s32 @!p2 $0x4000, s25  }
0x2a4: {  	[tilespmem:s29], [sflag:$0x1] =	stream.strided.gather @!p2 [hbm4b:s25+s26], $0x2000, s28, s26, $0x38;
	[tilespmem:$0x8000] =	vst v63  }
.LBB2_4:
0x2a5: {  	s25 =	sadd.s32 $0x20, s22  }
0x2a6: {  	p2 =	sgt.u32 s25, $0xF41  }
.Ltmp5:
0x2a7: {  	_ = 	snop;
	(pc) =	sbr.rel @p2 .LBB2_6-.Ltmp5, $1  }
0x2a8: {  	_ =	sdelay $0x3  }
0x2a9: {  	_ =	swait.ge [sflag:s17], $0x2000  }
0x2aa: {  	[sflag:s17] =	ssyncset.done $0x0  }
0x2ab: {  	s25 =	simm.s32 @!p1 $0x4;
	[sflag:s17] =	ssyncadd.s32 $0xFFFFE000  }
0x2ac: {  	_ =	swait.ge @!p1 [sflag:s25], $0x2000  }
0x2ad: {  	[sflag:s25] =	ssyncset.done @!p1 $0x0;
	v33 =	vld [tilespmem:$0x1FDB0]  }
0x2ae: {  	v36 =	vld [tilespmem:$0x1FDC0];
	[sflag:s25] =	ssyncadd.s32 @!p1 $0xFFFFE000  }
0x2af: {  	v1 =	vld [tilespmem:$0x2000]  }
0x2b0: {  	v2 =	vld [tilespmem:$0x2080]  }
0x2b1: {  	v3 =	vld [tilespmem:$0x2100]  }
0x2b2: {  	v4 =	vld [tilespmem:$0x2180]  }
0x2b3: {  	v5 =	vld [tilespmem:$0x2200]  }
0x2b4: {  	v6 =	vld [tilespmem:$0x2280]  }
0x2b5: {  	v7 =	vld [tilespmem:$0x2300]  }
0x2b6: {  	v8 =	vld [tilespmem:$0x2380]  }
0x2b7: {  	v9 =	vld [tilespmem:$0x2800]  }
0x2b8: {  	v10 =	vld [tilespmem:$0x2880]  }
0x2b9: {  	v11 =	vld [tilespmem:$0x2900]  }
0x2ba: {  	v12 =	vld [tilespmem:$0x2980]  }
0x2bb: {  	v13 =	vld [tilespmem:$0x2A00]  }
0x2bc: {  	v14 =	vld [tilespmem:$0x2A80]  }
0x2bd: {  	v15 =	vld [tilespmem:$0x2B00]  }
0x2be: {  	v16 =	vld [tilespmem:$0x2B80]  }
0x2bf: {  	v17 =	vld [tilespmem:$0x3000]  }
0x2c0: {  	v18 =	vld [tilespmem:$0x3080]  }
0x2c1: {  	v19 =	vld [tilespmem:$0x3100]  }
0x2c2: {  	v20 =	vld [tilespmem:$0x3180]  }
0x2c3: {  	v21 =	vld [tilespmem:$0x3200]  }
0x2c4: {  	v22 =	vld [tilespmem:$0x3280]  }
0x2c5: {  	v23 =	vld [tilespmem:$0x3300]  }
0x2c6: {  	v24 =	vld [tilespmem:$0x3380]  }
0x2c7: {  	v25 =	vld [tilespmem:$0x3800]  }
0x2c8: {  	v26 =	vld [tilespmem:$0x3880]  }
0x2c9: {  	v27 =	vld [tilespmem:$0x3900]  }
0x2ca: {  	v28 =	vld [tilespmem:$0x3980]  }
0x2cb: {  	v29 =	vld [tilespmem:$0x3A00]  }
0x2cc: {  	v30 =	vld [tilespmem:$0x3A80]  }
0x2cd: {  	v31 =	vld [tilespmem:$0x3B00]  }
0x2ce: {  	v32 =	vld [tilespmem:$0x3B80];
	[tilespmem:v0+s18+$0x0] =	vst.idx.msk $0xffff, v1  }
0x2cf: {  	v37 =	vld [tilespmem:$0x1FDD0];
	[tilespmem:v33+s18+$0x0] =	vst.idx.msk $0xffff, v2  }
0x2d0: {  	[tilespmem:v36+s18+$0x0] =	vst.idx.msk $0xffff, v3;
	v36 =	vld [tilespmem:$0x1FDE0];
	_ =	sdelay $0x6  }
0x2d1: {  	[tilespmem:v37+s18+$0x0] =	vst.idx.msk $0xffff, v4;
	v37 =	vld [tilespmem:$0x1FDF0]  }
0x2d2: {  	[tilespmem:v36+s18+$0x0] =	vst.idx.msk $0xffff, v5;
	v36 =	vld [tilespmem:$0x1FE00];
	_ =	sdelay $0x6  }
0x2d3: {  	[tilespmem:v37+s18+$0x0] =	vst.idx.msk $0xffff, v6;
	v37 =	vld [tilespmem:$0x1FE10]  }
0x2d4: {  	[tilespmem:v36+s18+$0x0] =	vst.idx.msk $0xffff, v7;
	v36 =	vld [tilespmem:$0x1FE20];
	_ =	sdelay $0x4  }
0x2d5: {  	v1 =	vld [tilespmem:$0x2010]  }
0x2d6: {  	v2 =	vld [tilespmem:$0x2090]  }
0x2d7: {  	[tilespmem:v37+s18+$0x0] =	vst.idx.msk $0xffff, v8;
	v37 =	vld [tilespmem:$0x1FE30]  }
0x2d8: {  	[tilespmem:v36+s18+$0x0] =	vst.idx.msk $0xffff, v9;
	v36 =	vld [tilespmem:$0x1FE40]  }
0x2d9: {  	v3 =	vld [tilespmem:$0x2110]  }
0x2da: {  	v4 =	vld [tilespmem:$0x2190]  }
0x2db: {  	v5 =	vld [tilespmem:$0x2210]  }
0x2dc: {  	v6 =	vld [tilespmem:$0x2290]  }
0x2dd: {  	v7 =	vld [tilespmem:$0x2310]  }
0x2de: {  	v8 =	vld [tilespmem:$0x2390]  }
0x2df: {  	v9 =	vld [tilespmem:$0x2810];
	[tilespmem:v37+s18+$0x0] =	vst.idx.msk $0xffff, v10  }
0x2e0: {  	v10 =	vld [tilespmem:$0x2890];
	[tilespmem:v36+s18+$0x0] =	vst.idx.msk $0xffff, v11  }
0x2e1: {  	v11 =	vld [tilespmem:$0x2910]  }
0x2e2: {  	v37 =	vld [tilespmem:$0x1FE50];
	_ =	sdelay $0x6  }
0x2e3: {  	v36 =	vld [tilespmem:$0x1FE60]  }
0x2e4: {  	[tilespmem:v37+s18+$0x0] =	vst.idx.msk $0xffff, v12;
	v37 =	vld [tilespmem:$0x1FE70];
	_ =	sdelay $0x6  }
0x2e5: {  	[tilespmem:v36+s18+$0x0] =	vst.idx.msk $0xffff, v13;
	v36 =	vld [tilespmem:$0x1FE80]  }
0x2e6: {  	[tilespmem:v37+s18+$0x0] =	vst.idx.msk $0xffff, v14;
	v37 =	vld [tilespmem:$0x1FE90];
	_ =	sdelay $0x6  }
0x2e7: {  	[tilespmem:v36+s18+$0x0] =	vst.idx.msk $0xffff, v15;
	v36 =	vld [tilespmem:$0x1FEA0]  }
0x2e8: {  	[tilespmem:v37+s18+$0x0] =	vst.idx.msk $0xffff, v16;
	v37 =	vld [tilespmem:$0x1FEB0];
	_ =	sdelay $0x6  }
0x2e9: {  	[tilespmem:v36+s18+$0x0] =	vst.idx.msk $0xffff, v17;
	v36 =	vld [tilespmem:$0x1FEC0]  }
0x2ea: {  	[tilespmem:v37+s18+$0x0] =	vst.idx.msk $0xffff, v18;
	v37 =	vld [tilespmem:$0x1FED0];
	_ =	sdelay $0x6  }
0x2eb: {  	[tilespmem:v36+s18+$0x0] =	vst.idx.msk $0xffff, v19;
	v36 =	vld [tilespmem:$0x1FEE0]  }
0x2ec: {  	[tilespmem:v37+s18+$0x0] =	vst.idx.msk $0xffff, v20;
	v37 =	vld [tilespmem:$0x1FEF0];
	_ =	sdelay $0x6  }
0x2ed: {  	[tilespmem:v36+s18+$0x0] =	vst.idx.msk $0xffff, v21;
	v36 =	vld [tilespmem:$0x1FF00]  }
0x2ee: {  	[tilespmem:v37+s18+$0x0] =	vst.idx.msk $0xffff, v22;
	v37 =	vld [tilespmem:$0x1FF10];
	_ =	sdelay $0x6  }
0x2ef: {  	[tilespmem:v36+s18+$0x0] =	vst.idx.msk $0xffff, v23;
	v36 =	vld [tilespmem:$0x1FF20]  }
0x2f0: {  	[tilespmem:v37+s18+$0x0] =	vst.idx.msk $0xffff, v24;
	v37 =	vld [tilespmem:$0x1FF30];
	_ =	sdelay $0x6  }
0x2f1: {  	[tilespmem:v36+s18+$0x0] =	vst.idx.msk $0xffff, v25;
	v36 =	vld [tilespmem:$0x1FF40]  }
0x2f2: {  	[tilespmem:v37+s18+$0x0] =	vst.idx.msk $0xffff, v26;
	v37 =	vld [tilespmem:$0x1FF50];
	_ =	sdelay $0x3  }
0x2f3: {  	v12 =	vld [tilespmem:$0x2990]  }
0x2f4: {  	v13 =	vld [tilespmem:$0x2A10]  }
0x2f5: {  	v14 =	vld [tilespmem:$0x2A90]  }
0x2f6: {  	[tilespmem:v36+s18+$0x0] =	vst.idx.msk $0xffff, v27;
	v36 =	vld [tilespmem:$0x1FF60]  }
0x2f7: {  	[tilespmem:v37+s18+$0x0] =	vst.idx.msk $0xffff, v28;
	v37 =	vld [tilespmem:$0x1FF70]  }
0x2f8: {  	v15 =	vld [tilespmem:$0x2B10]  }
0x2f9: {  	v16 =	vld [tilespmem:$0x2B90]  }
0x2fa: {  	v17 =	vld [tilespmem:$0x3010]  }
0x2fb: {  	v18 =	vld [tilespmem:$0x3090]  }
0x2fc: {  	v19 =	vld [tilespmem:$0x3110]  }
0x2fd: {  	v20 =	vld [tilespmem:$0x3190]  }
0x2fe: {  	[tilespmem:v36+s18+$0x0] =	vst.idx.msk $0xffff, v29;
	v36 =	vld [tilespmem:$0x1FF80]  }
0x2ff: {  	[tilespmem:v37+s18+$0x0] =	vst.idx.msk $0xffff, v30;
	v37 =	vld [tilespmem:$0x1FF90]  }
0x300: {  	v21 =	vld [tilespmem:$0x3210]  }
0x301: {  	v22 =	vld [tilespmem:$0x3290]  }
0x302: {  	v23 =	vld [tilespmem:$0x3310]  }
0x303: {  	v24 =	vld [tilespmem:$0x3390]  }
0x304: {  	v25 =	vld [tilespmem:$0x3810]  }
0x305: {  	v26 =	vld [tilespmem:$0x3890]  }
0x306: {  	[tilespmem:v36+s18+$0x0] =	vst.idx.msk $0xffff, v31;
	v36 =	vld [tilespmem:$0x1FFA0]  }
0x307: {  	[tilespmem:v37+s18+$0x0] =	vst.idx.msk $0xffff, v32;
	v37 =	vld [tilespmem:$0x1FFB0]  }
0x308: {  	v27 =	vld [tilespmem:$0x3910]  }
0x309: {  	v28 =	vld [tilespmem:$0x3990]  }
0x30a: {  	v29 =	vld [tilespmem:$0x3A10]  }
0x30b: {  	v30 =	vld [tilespmem:$0x3A90]  }
0x30c: {  	v31 =	vld [tilespmem:$0x3B10]  }
0x30d: {  	v32 =	vld [tilespmem:$0x3B90]  }
0x30e: {  	[tilespmem:v36+s18+$0x0] =	vst.idx.msk $0xffff, v1;
	v36 =	vld [tilespmem:$0x1FFC0]  }
0x30f: {  	[tilespmem:v37+s18+$0x0] =	vst.idx.msk $0xffff, v2;
	v37 =	vld [tilespmem:$0x1FFD0];
	_ =	sdelay $0x6  }
0x310: {  	[tilespmem:v36+s18+$0x0] =	vst.idx.msk $0xffff, v3;
	v36 =	vld [tilespmem:$0x1FFE0]  }
0x311: {  	[tilespmem:v37+s18+$0x0] =	vst.idx.msk $0xffff, v4;
	v37 =	vld [tilespmem:$0x1FFF0];
	_ =	sdelay $0x3  }
0x312: {  	v1 =	vld [tilespmem:$0x2020]  }
0x313: {  	v2 =	vld [tilespmem:$0x20A0]  }
0x314: {  	v3 =	vld [tilespmem:$0x2120]  }
0x315: {  	v4 =	vld [tilespmem:$0x21A0];
	[tilespmem:v36+s18+$0x0] =	vst.idx.msk $0xffff, v5  }
0x316: {  	v5 =	vld [tilespmem:$0x2220];
	[tilespmem:v37+s18+$0x0] =	vst.idx.msk $0xffff, v6  }
0x317: {  	v6 =	vld [tilespmem:$0x22A0];
	[tilespmem:v38+s18+$0x0] =	vst.idx.msk $0xffff, v7  }
0x318: {  	v7 =	vld [tilespmem:$0x2320];
	[tilespmem:v39+s18+$0x0] =	vst.idx.msk $0xffff, v8  }
0x319: {  	v8 =	vld [tilespmem:$0x23A0];
	[tilespmem:v40+s18+$0x0] =	vst.idx.msk $0xffff, v9  }
0x31a: {  	v9 =	vld [tilespmem:$0x2820];
	[tilespmem:v41+s18+$0x0] =	vst.idx.msk $0xffff, v10  }
0x31b: {  	v10 =	vld [tilespmem:$0x28A0];
	[tilespmem:v42+s18+$0x0] =	vst.idx.msk $0xffff, v11  }
0x31c: {  	v11 =	vld [tilespmem:$0x2920];
	[tilespmem:v43+s18+$0x0] =	vst.idx.msk $0xffff, v12  }
0x31d: {  	v12 =	vld [tilespmem:$0x29A0];
	[tilespmem:v44+s18+$0x0] =	vst.idx.msk $0xffff, v13  }
0x31e: {  	v13 =	vld [tilespmem:$0x2A20];
	[tilespmem:v45+s18+$0x0] =	vst.idx.msk $0xffff, v14  }
0x31f: {  	v14 =	vld [tilespmem:$0x2AA0];
	[tilespmem:v46+s18+$0x0] =	vst.idx.msk $0xffff, v15  }
0x320: {  	v15 =	vld [tilespmem:$0x2B20];
	[tilespmem:v47+s18+$0x0] =	vst.idx.msk $0xffff, v16  }
0x321: {  	v16 =	vld [tilespmem:$0x2BA0];
	[tilespmem:v48+s18+$0x0] =	vst.idx.msk $0xffff, v17  }
0x322: {  	v17 =	vld [tilespmem:$0x3020];
	[tilespmem:v49+s18+$0x0] =	vst.idx.msk $0xffff, v18  }
0x323: {  	v18 =	vld [tilespmem:$0x30A0];
	[tilespmem:v50+s18+$0x0] =	vst.idx.msk $0xffff, v19  }
0x324: {  	v19 =	vld [tilespmem:$0x3120];
	[tilespmem:v51+s18+$0x0] =	vst.idx.msk $0xffff, v20  }
0x325: {  	v20 =	vld [tilespmem:$0x31A0];
	[tilespmem:v52+s18+$0x0] =	vst.idx.msk $0xffff, v21  }
0x326: {  	v21 =	vld [tilespmem:$0x3220];
	[tilespmem:v53+s18+$0x0] =	vst.idx.msk $0xffff, v22  }
0x327: {  	v22 =	vld [tilespmem:$0x32A0];
	[tilespmem:v54+s18+$0x0] =	vst.idx.msk $0xffff, v23  }
0x328: {  	v23 =	vld [tilespmem:$0x3320];
	[tilespmem:v55+s18+$0x0] =	vst.idx.msk $0xffff, v24  }
0x329: {  	v24 =	vld [tilespmem:$0x33A0];
	[tilespmem:v56+s18+$0x0] =	vst.idx.msk $0xffff, v25  }
0x32a: {  	v25 =	vld [tilespmem:$0x3820];
	[tilespmem:v57+s18+$0x0] =	vst.idx.msk $0xffff, v26  }
0x32b: {  	v26 =	vld [tilespmem:$0x38A0];
	[tilespmem:v58+s18+$0x0] =	vst.idx.msk $0xffff, v27  }
0x32c: {  	v33 =	vor.u32 $0x400, v0;
	v27 =	vld [tilespmem:$0x3920];
	[tilespmem:v59+s18+$0x0] =	vst.idx.msk $0xffff, v28  }
0x32d: {  	v34 =	vor.u32 $0x401, v0;
	v28 =	vld [tilespmem:$0x39A0];
	[tilespmem:v60+s18+$0x0] =	vst.idx.msk $0xffff, v29  }
0x32e: {  	v35 =	vor.u32 $0x402, v0;
	v29 =	vld [tilespmem:$0x3A20];
	[tilespmem:v61+s18+$0x0] =	vst.idx.msk $0xffff, v30  }
0x32f: {  	v36 =	vor.u32 $0x403, v0;
	v30 =	vld [tilespmem:$0x3AA0];
	[tilespmem:v62+s18+$0x0] =	vst.idx.msk $0xffff, v31  }
0x330: {  	v37 =	vor.u32 $0x404, v0;
	v31 =	vld [tilespmem:$0x3B20];
	[tilespmem:v63+s18+$0x0] =	vst.idx.msk $0xffff, v32  }
0x331: {  	v32 =	vld [tilespmem:$0x3BA0];
	[tilespmem:v33+s18+$0x0] =	vst.idx.msk $0xffff, v1;
	v1 =	vor.u32 $0x405, v0  }
0x332: {  	v33 =	vld [tilespmem:$0x2030];
	[tilespmem:v34+s18+$0x0] =	vst.idx.msk $0xffff, v2;
	v2 =	vor.u32 $0x406, v0  }
0x333: {  	v34 =	vld [tilespmem:$0x20B0];
	[tilespmem:v35+s18+$0x0] =	vst.idx.msk $0xffff, v3;
	v3 =	vor.u32 $0x407, v0  }
0x334: {  	v35 =	vld [tilespmem:$0x2130];
	[tilespmem:v36+s18+$0x0] =	vst.idx.msk $0xffff, v4;
	v4 =	vor.u32 $0x408, v0  }
0x335: {  	v36 =	vld [tilespmem:$0x21B0];
	[tilespmem:v37+s18+$0x0] =	vst.idx.msk $0xffff, v5;
	v5 =	vor.u32 $0x409, v0  }
0x336: {  	v37 =	vld [tilespmem:$0x2230];
	[tilespmem:v1+s18+$0x0] =	vst.idx.msk $0xffff, v6;
	v1 =	vor.u32 $0x40A, v0  }
0x337: {  	v6 =	vld [tilespmem:$0x22B0];
	[tilespmem:v2+s18+$0x0] =	vst.idx.msk $0xffff, v7;
	v2 =	vor.u32 $0x40B, v0  }
0x338: {  	v7 =	vld [tilespmem:$0x2330];
	[tilespmem:v3+s18+$0x0] =	vst.idx.msk $0xffff, v8;
	v3 =	vor.u32 $0x40C, v0  }
0x339: {  	v8 =	vld [tilespmem:$0x23B0];
	[tilespmem:v4+s18+$0x0] =	vst.idx.msk $0xffff, v9;
	v4 =	vor.u32 $0x40D, v0  }
0x33a: {  	v9 =	vld [tilespmem:$0x2830];
	[tilespmem:v5+s18+$0x0] =	vst.idx.msk $0xffff, v10;
	v5 =	vor.u32 $0x40E, v0  }
0x33b: {  	v10 =	vld [tilespmem:$0x28B0];
	[tilespmem:v1+s18+$0x0] =	vst.idx.msk $0xffff, v11;
	v1 =	vor.u32 $0x40F, v0  }
0x33c: {  	v11 =	vld [tilespmem:$0x2930];
	[tilespmem:v2+s18+$0x0] =	vst.idx.msk $0xffff, v12;
	v2 =	vor.u32 $0x410, v0  }
0x33d: {  	v12 =	vld [tilespmem:$0x29B0];
	[tilespmem:v3+s18+$0x0] =	vst.idx.msk $0xffff, v13;
	v3 =	vor.u32 $0x411, v0  }
0x33e: {  	v13 =	vld [tilespmem:$0x2A30];
	[tilespmem:v4+s18+$0x0] =	vst.idx.msk $0xffff, v14;
	v4 =	vor.u32 $0x412, v0  }
0x33f: {  	v14 =	vld [tilespmem:$0x2AB0];
	[tilespmem:v5+s18+$0x0] =	vst.idx.msk $0xffff, v15;
	v5 =	vor.u32 $0x413, v0  }
0x340: {  	v15 =	vld [tilespmem:$0x2B30];
	[tilespmem:v1+s18+$0x0] =	vst.idx.msk $0xffff, v16;
	v1 =	vor.u32 $0x414, v0  }
0x341: {  	v16 =	vld [tilespmem:$0x2BB0];
	[tilespmem:v2+s18+$0x0] =	vst.idx.msk $0xffff, v17;
	v2 =	vor.u32 $0x415, v0  }
0x342: {  	v17 =	vld [tilespmem:$0x3030];
	[tilespmem:v3+s18+$0x0] =	vst.idx.msk $0xffff, v18;
	v3 =	vor.u32 $0x416, v0  }
0x343: {  	v18 =	vld [tilespmem:$0x30B0];
	[tilespmem:v4+s18+$0x0] =	vst.idx.msk $0xffff, v19;
	v4 =	vor.u32 $0x417, v0  }
0x344: {  	v19 =	vld [tilespmem:$0x3130];
	[tilespmem:v5+s18+$0x0] =	vst.idx.msk $0xffff, v20;
	v5 =	vor.u32 $0x418, v0  }
0x345: {  	v20 =	vld [tilespmem:$0x31B0];
	[tilespmem:v1+s18+$0x0] =	vst.idx.msk $0xffff, v21;
	v1 =	vor.u32 $0x419, v0  }
0x346: {  	v21 =	vld [tilespmem:$0x3230];
	[tilespmem:v2+s18+$0x0] =	vst.idx.msk $0xffff, v22;
	v2 =	vor.u32 $0x41A, v0  }
0x347: {  	v22 =	vld [tilespmem:$0x32B0];
	[tilespmem:v3+s18+$0x0] =	vst.idx.msk $0xffff, v23;
	v3 =	vor.u32 $0x41B, v0  }
0x348: {  	v23 =	vld [tilespmem:$0x3330];
	[tilespmem:v4+s18+$0x0] =	vst.idx.msk $0xffff, v24;
	v4 =	vor.u32 $0x41C, v0  }
0x349: {  	v24 =	vld [tilespmem:$0x33B0];
	[tilespmem:v5+s18+$0x0] =	vst.idx.msk $0xffff, v25;
	v5 =	vor.u32 $0x41D, v0  }
0x34a: {  	v25 =	vld [tilespmem:$0x3830];
	[tilespmem:v1+s18+$0x0] =	vst.idx.msk $0xffff, v26;
	v1 =	vor.u32 $0x41E, v0  }
0x34b: {  	v26 =	vld [tilespmem:$0x38B0];
	[tilespmem:v2+s18+$0x0] =	vst.idx.msk $0xffff, v27;
	v2 =	vor.u32 $0x41F, v0  }
0x34c: {  	v27 =	vld [tilespmem:$0x3930];
	[tilespmem:v3+s18+$0x0] =	vst.idx.msk $0xffff, v28;
	v28 =	vor.u32 $0x600, v0  }
0x34d: {  	v3 =	vld [tilespmem:$0x39B0];
	[tilespmem:v4+s18+$0x0] =	vst.idx.msk $0xffff, v29;
	v29 =	vor.u32 $0x601, v0  }
0x34e: {  	v4 =	vld [tilespmem:$0x3A30];
	[tilespmem:v5+s18+$0x0] =	vst.idx.msk $0xffff, v30;
	v30 =	vor.u32 $0x602, v0  }
0x34f: {  	v5 =	vld [tilespmem:$0x3AB0];
	[tilespmem:v1+s18+$0x0] =	vst.idx.msk $0xffff, v31;
	v31 =	vor.u32 $0x603, v0  }
0x350: {  	v1 =	vld [tilespmem:$0x3B30];
	[tilespmem:v2+s18+$0x0] =	vst.idx.msk $0xffff, v32;
	v32 =	vor.u32 $0x604, v0  }
0x351: {  	v2 =	vld [tilespmem:$0x3BB0];
	[tilespmem:v28+s18+$0x0] =	vst.idx.msk $0xffff, v33;
	v28 =	vor.u32 $0x605, v0  }
0x352: {  	v33 =	vld [tilespmem:$0x2040];
	[tilespmem:v29+s18+$0x0] =	vst.idx.msk $0xffff, v34;
	v29 =	vor.u32 $0x606, v0  }
0x353: {  	v34 =	vld [tilespmem:$0x20C0];
	[tilespmem:v30+s18+$0x0] =	vst.idx.msk $0xffff, v35;
	v30 =	vor.u32 $0x607, v0  }
0x354: {  	v35 =	vld [tilespmem:$0x2140];
	[tilespmem:v31+s18+$0x0] =	vst.idx.msk $0xffff, v36;
	v31 =	vor.u32 $0x608, v0  }
0x355: {  	v36 =	vld [tilespmem:$0x21C0];
	[tilespmem:v32+s18+$0x0] =	vst.idx.msk $0xffff, v37;
	v32 =	vor.u32 $0x609, v0  }
0x356: {  	v37 =	vld [tilespmem:$0x2240];
	[tilespmem:v28+s18+$0x0] =	vst.idx.msk $0xffff, v6;
	v6 =	vor.u32 $0x60A, v0  }
0x357: {  	v28 =	vld [tilespmem:$0x22C0];
	[tilespmem:v29+s18+$0x0] =	vst.idx.msk $0xffff, v7;
	v7 =	vor.u32 $0x60B, v0  }
0x358: {  	v29 =	vld [tilespmem:$0x2340];
	[tilespmem:v30+s18+$0x0] =	vst.idx.msk $0xffff, v8;
	v8 =	vor.u32 $0x60C, v0  }
0x359: {  	v30 =	vld [tilespmem:$0x23C0];
	[tilespmem:v31+s18+$0x0] =	vst.idx.msk $0xffff, v9;
	v9 =	vor.u32 $0x60D, v0  }
0x35a: {  	v31 =	vld [tilespmem:$0x2840];
	[tilespmem:v32+s18+$0x0] =	vst.idx.msk $0xffff, v10;
	v10 =	vor.u32 $0x60E, v0  }
0x35b: {  	v32 =	vld [tilespmem:$0x28C0];
	[tilespmem:v6+s18+$0x0] =	vst.idx.msk $0xffff, v11;
	v6 =	vor.u32 $0x60F, v0  }
0x35c: {  	v11 =	vld [tilespmem:$0x2940];
	[tilespmem:v7+s18+$0x0] =	vst.idx.msk $0xffff, v12;
	v7 =	vor.u32 $0x610, v0  }
0x35d: {  	v12 =	vld [tilespmem:$0x29C0];
	[tilespmem:v8+s18+$0x0] =	vst.idx.msk $0xffff, v13;
	v8 =	vor.u32 $0x611, v0  }
0x35e: {  	v13 =	vld [tilespmem:$0x2A40];
	[tilespmem:v9+s18+$0x0] =	vst.idx.msk $0xffff, v14;
	v9 =	vor.u32 $0x612, v0  }
0x35f: {  	v14 =	vld [tilespmem:$0x2AC0];
	[tilespmem:v10+s18+$0x0] =	vst.idx.msk $0xffff, v15;
	v10 =	vor.u32 $0x613, v0  }
0x360: {  	v15 =	vld [tilespmem:$0x2B40];
	[tilespmem:v6+s18+$0x0] =	vst.idx.msk $0xffff, v16;
	v6 =	vor.u32 $0x614, v0  }
0x361: {  	v16 =	vld [tilespmem:$0x2BC0];
	[tilespmem:v7+s18+$0x0] =	vst.idx.msk $0xffff, v17;
	v7 =	vor.u32 $0x615, v0  }
0x362: {  	v17 =	vld [tilespmem:$0x3040];
	[tilespmem:v8+s18+$0x0] =	vst.idx.msk $0xffff, v18;
	v8 =	vor.u32 $0x616, v0  }
0x363: {  	v18 =	vld [tilespmem:$0x30C0];
	[tilespmem:v9+s18+$0x0] =	vst.idx.msk $0xffff, v19;
	v9 =	vor.u32 $0x617, v0  }
0x364: {  	v19 =	vld [tilespmem:$0x3140];
	[tilespmem:v10+s18+$0x0] =	vst.idx.msk $0xffff, v20;
	v10 =	vor.u32 $0x618, v0  }
0x365: {  	v20 =	vld [tilespmem:$0x31C0];
	[tilespmem:v6+s18+$0x0] =	vst.idx.msk $0xffff, v21;
	v6 =	vor.u32 $0x619, v0  }
0x366: {  	v21 =	vld [tilespmem:$0x3240];
	[tilespmem:v7+s18+$0x0] =	vst.idx.msk $0xffff, v22;
	v7 =	vor.u32 $0x61A, v0  }
0x367: {  	v22 =	vld [tilespmem:$0x32C0];
	[tilespmem:v8+s18+$0x0] =	vst.idx.msk $0xffff, v23;
	v8 =	vor.u32 $0x61B, v0  }
0x368: {  	v23 =	vld [tilespmem:$0x3340];
	[tilespmem:v9+s18+$0x0] =	vst.idx.msk $0xffff, v24;
	v9 =	vor.u32 $0x61C, v0  }
0x369: {  	v24 =	vld [tilespmem:$0x33C0];
	[tilespmem:v10+s18+$0x0] =	vst.idx.msk $0xffff, v25;
	v10 =	vor.u32 $0x61D, v0  }
0x36a: {  	v25 =	vld [tilespmem:$0x3840];
	[tilespmem:v6+s18+$0x0] =	vst.idx.msk $0xffff, v26;
	v6 =	vor.u32 $0x61E, v0  }
0x36b: {  	v26 =	vld [tilespmem:$0x38C0];
	[tilespmem:v7+s18+$0x0] =	vst.idx.msk $0xffff, v27;
	v7 =	vor.u32 $0x61F, v0  }
0x36c: {  	v27 =	vld [tilespmem:$0x3940];
	[tilespmem:v8+s18+$0x0] =	vst.idx.msk $0xffff, v3;
	v8 =	vor.u32 $0x800, v0  }
0x36d: {  	v3 =	vld [tilespmem:$0x39C0];
	[tilespmem:v9+s18+$0x0] =	vst.idx.msk $0xffff, v4;
	v9 =	vor.u32 $0x801, v0  }
0x36e: {  	v4 =	vld [tilespmem:$0x3A40];
	[tilespmem:v10+s18+$0x0] =	vst.idx.msk $0xffff, v5;
	v10 =	vor.u32 $0x802, v0  }
0x36f: {  	v5 =	vld [tilespmem:$0x3AC0];
	[tilespmem:v6+s18+$0x0] =	vst.idx.msk $0xffff, v1;
	v6 =	vor.u32 $0x803, v0  }
0x370: {  	v1 =	vld [tilespmem:$0x3B40];
	[tilespmem:v7+s18+$0x0] =	vst.idx.msk $0xffff, v2;
	v7 =	vor.u32 $0x804, v0  }
0x371: {  	v2 =	vld [tilespmem:$0x3BC0];
	[tilespmem:v8+s18+$0x0] =	vst.idx.msk $0xffff, v33;
	v8 =	vor.u32 $0x805, v0  }
0x372: {  	v33 =	vld [tilespmem:$0x2050];
	[tilespmem:v9+s18+$0x0] =	vst.idx.msk $0xffff, v34;
	v9 =	vor.u32 $0x806, v0  }
0x373: {  	v34 =	vld [tilespmem:$0x20D0];
	[tilespmem:v10+s18+$0x0] =	vst.idx.msk $0xffff, v35;
	v10 =	vor.u32 $0x807, v0  }
0x374: {  	v35 =	vld [tilespmem:$0x2150];
	[tilespmem:v6+s18+$0x0] =	vst.idx.msk $0xffff, v36;
	v6 =	vor.u32 $0x808, v0  }
0x375: {  	v36 =	vld [tilespmem:$0x21D0];
	[tilespmem:v7+s18+$0x0] =	vst.idx.msk $0xffff, v37;
	v7 =	vor.u32 $0x809, v0  }
0x376: {  	v37 =	vld [tilespmem:$0x2250];
	[tilespmem:v8+s18+$0x0] =	vst.idx.msk $0xffff, v28;
	v8 =	vor.u32 $0x80A, v0  }
0x377: {  	v28 =	vld [tilespmem:$0x22D0];
	[tilespmem:v9+s18+$0x0] =	vst.idx.msk $0xffff, v29;
	v9 =	vor.u32 $0x80B, v0  }
0x378: {  	v29 =	vld [tilespmem:$0x2350];
	[tilespmem:v10+s18+$0x0] =	vst.idx.msk $0xffff, v30;
	v10 =	vor.u32 $0x80C, v0  }
0x379: {  	v30 =	vld [tilespmem:$0x23D0];
	[tilespmem:v6+s18+$0x0] =	vst.idx.msk $0xffff, v31;
	v6 =	vor.u32 $0x80D, v0  }
0x37a: {  	v31 =	vld [tilespmem:$0x2850];
	[tilespmem:v7+s18+$0x0] =	vst.idx.msk $0xffff, v32;
	v7 =	vor.u32 $0x80E, v0  }
0x37b: {  	v32 =	vld [tilespmem:$0x28D0];
	[tilespmem:v8+s18+$0x0] =	vst.idx.msk $0xffff, v11;
	v8 =	vor.u32 $0x80F, v0  }
0x37c: {  	v11 =	vld [tilespmem:$0x2950];
	[tilespmem:v9+s18+$0x0] =	vst.idx.msk $0xffff, v12;
	v9 =	vor.u32 $0x810, v0  }
0x37d: {  	v12 =	vld [tilespmem:$0x29D0];
	[tilespmem:v10+s18+$0x0] =	vst.idx.msk $0xffff, v13;
	v10 =	vor.u32 $0x811, v0  }
0x37e: {  	v13 =	vld [tilespmem:$0x2A50];
	[tilespmem:v6+s18+$0x0] =	vst.idx.msk $0xffff, v14;
	v6 =	vor.u32 $0x812, v0  }
0x37f: {  	v14 =	vld [tilespmem:$0x2AD0];
	[tilespmem:v7+s18+$0x0] =	vst.idx.msk $0xffff, v15;
	v7 =	vor.u32 $0x813, v0  }
0x380: {  	v15 =	vld [tilespmem:$0x2B50];
	[tilespmem:v8+s18+$0x0] =	vst.idx.msk $0xffff, v16;
	v8 =	vor.u32 $0x814, v0  }
0x381: {  	v16 =	vld [tilespmem:$0x2BD0];
	[tilespmem:v9+s18+$0x0] =	vst.idx.msk $0xffff, v17;
	v9 =	vor.u32 $0x815, v0  }
0x382: {  	v17 =	vld [tilespmem:$0x3050];
	[tilespmem:v10+s18+$0x0] =	vst.idx.msk $0xffff, v18;
	v10 =	vor.u32 $0x816, v0  }
0x383: {  	v18 =	vld [tilespmem:$0x30D0];
	[tilespmem:v6+s18+$0x0] =	vst.idx.msk $0xffff, v19;
	v6 =	vor.u32 $0x817, v0  }
0x384: {  	v19 =	vld [tilespmem:$0x3150];
	[tilespmem:v7+s18+$0x0] =	vst.idx.msk $0xffff, v20;
	v7 =	vor.u32 $0x818, v0  }
0x385: {  	v20 =	vld [tilespmem:$0x31D0];
	[tilespmem:v8+s18+$0x0] =	vst.idx.msk $0xffff, v21;
	v8 =	vor.u32 $0x819, v0  }
0x386: {  	v21 =	vld [tilespmem:$0x3250];
	[tilespmem:v9+s18+$0x0] =	vst.idx.msk $0xffff, v22;
	v9 =	vor.u32 $0x81A, v0  }
0x387: {  	v22 =	vld [tilespmem:$0x32D0];
	[tilespmem:v10+s18+$0x0] =	vst.idx.msk $0xffff, v23;
	v10 =	vor.u32 $0x81B, v0  }
0x388: {  	v23 =	vld [tilespmem:$0x3350];
	[tilespmem:v6+s18+$0x0] =	vst.idx.msk $0xffff, v24;
	v6 =	vor.u32 $0x81C, v0  }
0x389: {  	v24 =	vld [tilespmem:$0x33D0];
	[tilespmem:v7+s18+$0x0] =	vst.idx.msk $0xffff, v25;
	v7 =	vor.u32 $0x81D, v0  }
0x38a: {  	v25 =	vld [tilespmem:$0x3850];
	[tilespmem:v8+s18+$0x0] =	vst.idx.msk $0xffff, v26;
	v8 =	vor.u32 $0x81E, v0  }
0x38b: {  	v26 =	vld [tilespmem:$0x38D0];
	[tilespmem:v9+s18+$0x0] =	vst.idx.msk $0xffff, v27;
	v9 =	vor.u32 $0x81F, v0  }
0x38c: {  	v27 =	vld [tilespmem:$0x3950];
	[tilespmem:v10+s18+$0x0] =	vst.idx.msk $0xffff, v3;
	v10 =	vor.u32 $0xA00, v0  }
0x38d: {  	v3 =	vld [tilespmem:$0x39D0];
	[tilespmem:v6+s18+$0x0] =	vst.idx.msk $0xffff, v4;
	v6 =	vor.u32 $0xA01, v0  }
0x38e: {  	v4 =	vld [tilespmem:$0x3A50];
	[tilespmem:v7+s18+$0x0] =	vst.idx.msk $0xffff, v5;
	v7 =	vor.u32 $0xA02, v0  }
0x38f: {  	v5 =	vld [tilespmem:$0x3AD0];
	[tilespmem:v8+s18+$0x0] =	vst.idx.msk $0xffff, v1;
	v8 =	vor.u32 $0xA03, v0  }
0x390: {  	v1 =	vld [tilespmem:$0x3B50];
	[tilespmem:v9+s18+$0x0] =	vst.idx.msk $0xffff, v2;
	v9 =	vor.u32 $0xA04, v0  }
0x391: {  	v2 =	vld [tilespmem:$0x3BD0];
	[tilespmem:v10+s18+$0x0] =	vst.idx.msk $0xffff, v33;
	v10 =	vor.u32 $0xA05, v0  }
0x392: {  	v33 =	vld [tilespmem:$0x2060];
	[tilespmem:v6+s18+$0x0] =	vst.idx.msk $0xffff, v34;
	v6 =	vor.u32 $0xA06, v0  }
0x393: {  	v34 =	vld [tilespmem:$0x20E0];
	[tilespmem:v7+s18+$0x0] =	vst.idx.msk $0xffff, v35;
	v7 =	vor.u32 $0xA07, v0  }
0x394: {  	v35 =	vld [tilespmem:$0x2160];
	[tilespmem:v8+s18+$0x0] =	vst.idx.msk $0xffff, v36;
	v8 =	vor.u32 $0xA08, v0  }
0x395: {  	v36 =	vld [tilespmem:$0x21E0];
	[tilespmem:v9+s18+$0x0] =	vst.idx.msk $0xffff, v37;
	v9 =	vor.u32 $0xA09, v0  }
0x396: {  	v37 =	vld [tilespmem:$0x2260];
	[tilespmem:v10+s18+$0x0] =	vst.idx.msk $0xffff, v28;
	v10 =	vor.u32 $0xA0A, v0  }
0x397: {  	v28 =	vld [tilespmem:$0x22E0];
	[tilespmem:v6+s18+$0x0] =	vst.idx.msk $0xffff, v29;
	v6 =	vor.u32 $0xA0B, v0  }
0x398: {  	v29 =	vld [tilespmem:$0x2360];
	[tilespmem:v7+s18+$0x0] =	vst.idx.msk $0xffff, v30;
	v7 =	vor.u32 $0xA0C, v0  }
0x399: {  	v30 =	vld [tilespmem:$0x23E0];
	[tilespmem:v8+s18+$0x0] =	vst.idx.msk $0xffff, v31;
	v8 =	vor.u32 $0xA0D, v0  }
0x39a: {  	v31 =	vld [tilespmem:$0x2860];
	[tilespmem:v9+s18+$0x0] =	vst.idx.msk $0xffff, v32;
	v9 =	vor.u32 $0xA0E, v0  }
0x39b: {  	v32 =	vld [tilespmem:$0x28E0];
	[tilespmem:v10+s18+$0x0] =	vst.idx.msk $0xffff, v11;
	v10 =	vor.u32 $0xA0F, v0  }
0x39c: {  	v11 =	vld [tilespmem:$0x2960];
	[tilespmem:v6+s18+$0x0] =	vst.idx.msk $0xffff, v12;
	v6 =	vor.u32 $0xA10, v0  }
0x39d: {  	v12 =	vld [tilespmem:$0x29E0];
	[tilespmem:v7+s18+$0x0] =	vst.idx.msk $0xffff, v13;
	v7 =	vor.u32 $0xA11, v0  }
0x39e: {  	v13 =	vld [tilespmem:$0x2A60];
	[tilespmem:v8+s18+$0x0] =	vst.idx.msk $0xffff, v14;
	v8 =	vor.u32 $0xA12, v0  }
0x39f: {  	v14 =	vld [tilespmem:$0x2AE0];
	[tilespmem:v9+s18+$0x0] =	vst.idx.msk $0xffff, v15;
	v9 =	vor.u32 $0xA13, v0  }
0x3a0: {  	v15 =	vld [tilespmem:$0x2B60];
	[tilespmem:v10+s18+$0x0] =	vst.idx.msk $0xffff, v16;
	v10 =	vor.u32 $0xA14, v0  }
0x3a1: {  	v16 =	vld [tilespmem:$0x2BE0];
	[tilespmem:v6+s18+$0x0] =	vst.idx.msk $0xffff, v17;
	v6 =	vor.u32 $0xA15, v0  }
0x3a2: {  	v17 =	vld [tilespmem:$0x3060];
	[tilespmem:v7+s18+$0x0] =	vst.idx.msk $0xffff, v18;
	v7 =	vor.u32 $0xA16, v0  }
0x3a3: {  	v18 =	vld [tilespmem:$0x30E0];
	[tilespmem:v8+s18+$0x0] =	vst.idx.msk $0xffff, v19;
	v8 =	vor.u32 $0xA17, v0  }
0x3a4: {  	v19 =	vld [tilespmem:$0x3160];
	[tilespmem:v9+s18+$0x0] =	vst.idx.msk $0xffff, v20;
	v9 =	vor.u32 $0xA18, v0  }
0x3a5: {  	v20 =	vld [tilespmem:$0x31E0];
	[tilespmem:v10+s18+$0x0] =	vst.idx.msk $0xffff, v21;
	v10 =	vor.u32 $0xA19, v0  }
0x3a6: {  	v21 =	vld [tilespmem:$0x3260];
	[tilespmem:v6+s18+$0x0] =	vst.idx.msk $0xffff, v22;
	v6 =	vor.u32 $0xA1A, v0  }
0x3a7: {  	v22 =	vld [tilespmem:$0x32E0];
	[tilespmem:v7+s18+$0x0] =	vst.idx.msk $0xffff, v23;
	v7 =	vor.u32 $0xA1B, v0  }
0x3a8: {  	v23 =	vld [tilespmem:$0x3360];
	[tilespmem:v8+s18+$0x0] =	vst.idx.msk $0xffff, v24;
	v8 =	vor.u32 $0xA1C, v0  }
0x3a9: {  	v24 =	vld [tilespmem:$0x33E0];
	[tilespmem:v9+s18+$0x0] =	vst.idx.msk $0xffff, v25;
	v9 =	vor.u32 $0xA1D, v0  }
0x3aa: {  	v25 =	vld [tilespmem:$0x3860];
	[tilespmem:v10+s18+$0x0] =	vst.idx.msk $0xffff, v26;
	v10 =	vor.u32 $0xA1E, v0  }
0x3ab: {  	v26 =	vld [tilespmem:$0x38E0];
	[tilespmem:v6+s18+$0x0] =	vst.idx.msk $0xffff, v27;
	v6 =	vor.u32 $0xA1F, v0  }
0x3ac: {  	v27 =	vld [tilespmem:$0x3960];
	[tilespmem:v7+s18+$0x0] =	vst.idx.msk $0xffff, v3;
	v7 =	vor.u32 $0xC00, v0  }
0x3ad: {  	v3 =	vld [tilespmem:$0x39E0];
	[tilespmem:v8+s18+$0x0] =	vst.idx.msk $0xffff, v4;
	v8 =	vor.u32 $0xC01, v0  }
0x3ae: {  	v4 =	vld [tilespmem:$0x3A60];
	[tilespmem:v9+s18+$0x0] =	vst.idx.msk $0xffff, v5;
	v9 =	vor.u32 $0xC02, v0  }
0x3af: {  	v5 =	vld [tilespmem:$0x3AE0];
	[tilespmem:v10+s18+$0x0] =	vst.idx.msk $0xffff, v1;
	v10 =	vor.u32 $0xC03, v0  }
0x3b0: {  	v1 =	vld [tilespmem:$0x3B60];
	[tilespmem:v6+s18+$0x0] =	vst.idx.msk $0xffff, v2;
	v6 =	vor.u32 $0xC04, v0  }
0x3b1: {  	v2 =	vld [tilespmem:$0x3BE0];
	[tilespmem:v7+s18+$0x0] =	vst.idx.msk $0xffff, v33;
	v7 =	vor.u32 $0xC05, v0  }
0x3b2: {  	v33 =	vld [tilespmem:$0x2070];
	[tilespmem:v8+s18+$0x0] =	vst.idx.msk $0xffff, v34;
	v8 =	vor.u32 $0xC06, v0  }
0x3b3: {  	v34 =	vld [tilespmem:$0x20F0];
	[tilespmem:v9+s18+$0x0] =	vst.idx.msk $0xffff, v35;
	v9 =	vor.u32 $0xC07, v0  }
0x3b4: {  	v35 =	vld [tilespmem:$0x2170];
	[tilespmem:v10+s18+$0x0] =	vst.idx.msk $0xffff, v36;
	v10 =	vor.u32 $0xC08, v0  }
0x3b5: {  	v36 =	vld [tilespmem:$0x21F0];
	[tilespmem:v6+s18+$0x0] =	vst.idx.msk $0xffff, v37;
	v6 =	vor.u32 $0xC09, v0  }
0x3b6: {  	v37 =	vld [tilespmem:$0x2270];
	[tilespmem:v7+s18+$0x0] =	vst.idx.msk $0xffff, v28;
	v7 =	vor.u32 $0xC0A, v0  }
0x3b7: {  	v28 =	vld [tilespmem:$0x22F0];
	[tilespmem:v8+s18+$0x0] =	vst.idx.msk $0xffff, v29;
	v8 =	vor.u32 $0xC0B, v0  }
0x3b8: {  	v29 =	vld [tilespmem:$0x2370];
	[tilespmem:v9+s18+$0x0] =	vst.idx.msk $0xffff, v30;
	v9 =	vor.u32 $0xC0C, v0  }
0x3b9: {  	v30 =	vld [tilespmem:$0x23F0];
	[tilespmem:v10+s18+$0x0] =	vst.idx.msk $0xffff, v31;
	v10 =	vor.u32 $0xC0D, v0  }
0x3ba: {  	v31 =	vld [tilespmem:$0x2870];
	[tilespmem:v6+s18+$0x0] =	vst.idx.msk $0xffff, v32;
	v6 =	vor.u32 $0xC0E, v0  }
0x3bb: {  	v32 =	vld [tilespmem:$0x28F0];
	[tilespmem:v7+s18+$0x0] =	vst.idx.msk $0xffff, v11;
	v7 =	vor.u32 $0xC0F, v0  }
0x3bc: {  	v11 =	vld [tilespmem:$0x2970];
	[tilespmem:v8+s18+$0x0] =	vst.idx.msk $0xffff, v12;
	v8 =	vor.u32 $0xC10, v0  }
0x3bd: {  	v12 =	vld [tilespmem:$0x29F0];
	[tilespmem:v9+s18+$0x0] =	vst.idx.msk $0xffff, v13;
	v9 =	vor.u32 $0xC11, v0  }
0x3be: {  	v13 =	vld [tilespmem:$0x2A70];
	[tilespmem:v10+s18+$0x0] =	vst.idx.msk $0xffff, v14;
	v10 =	vor.u32 $0xC12, v0  }
0x3bf: {  	v14 =	vld [tilespmem:$0x2AF0];
	[tilespmem:v6+s18+$0x0] =	vst.idx.msk $0xffff, v15;
	v6 =	vor.u32 $0xC13, v0  }
0x3c0: {  	v15 =	vld [tilespmem:$0x2B70];
	[tilespmem:v7+s18+$0x0] =	vst.idx.msk $0xffff, v16;
	v7 =	vor.u32 $0xC14, v0  }
0x3c1: {  	v16 =	vld [tilespmem:$0x2BF0];
	[tilespmem:v8+s18+$0x0] =	vst.idx.msk $0xffff, v17;
	v8 =	vor.u32 $0xC15, v0  }
0x3c2: {  	v17 =	vld [tilespmem:$0x3070];
	[tilespmem:v9+s18+$0x0] =	vst.idx.msk $0xffff, v18;
	v9 =	vor.u32 $0xC16, v0  }
0x3c3: {  	v18 =	vld [tilespmem:$0x30F0];
	[tilespmem:v10+s18+$0x0] =	vst.idx.msk $0xffff, v19;
	v10 =	vor.u32 $0xC17, v0  }
0x3c4: {  	v19 =	vld [tilespmem:$0x3170];
	[tilespmem:v6+s18+$0x0] =	vst.idx.msk $0xffff, v20;
	v6 =	vor.u32 $0xC18, v0  }
0x3c5: {  	v20 =	vld [tilespmem:$0x31F0];
	[tilespmem:v7+s18+$0x0] =	vst.idx.msk $0xffff, v21;
	v7 =	vor.u32 $0xC19, v0  }
0x3c6: {  	v21 =	vld [tilespmem:$0x3270];
	[tilespmem:v8+s18+$0x0] =	vst.idx.msk $0xffff, v22;
	v8 =	vor.u32 $0xC1A, v0  }
0x3c7: {  	v22 =	vld [tilespmem:$0x32F0];
	[tilespmem:v9+s18+$0x0] =	vst.idx.msk $0xffff, v23;
	v9 =	vor.u32 $0xC1B, v0  }
0x3c8: {  	v23 =	vld [tilespmem:$0x3370];
	[tilespmem:v10+s18+$0x0] =	vst.idx.msk $0xffff, v24;
	v10 =	vor.u32 $0xC1C, v0  }
0x3c9: {  	v24 =	vld [tilespmem:$0x33F0];
	[tilespmem:v6+s18+$0x0] =	vst.idx.msk $0xffff, v25;
	v6 =	vor.u32 $0xC1D, v0  }
0x3ca: {  	v25 =	vld [tilespmem:$0x3870];
	[tilespmem:v7+s18+$0x0] =	vst.idx.msk $0xffff, v26;
	v7 =	vor.u32 $0xC1E, v0  }
0x3cb: {  	v26 =	vld [tilespmem:$0x38F0];
	[tilespmem:v8+s18+$0x0] =	vst.idx.msk $0xffff, v27;
	v8 =	vor.u32 $0xC1F, v0  }
0x3cc: {  	v27 =	vld [tilespmem:$0x3970];
	[tilespmem:v9+s18+$0x0] =	vst.idx.msk $0xffff, v3;
	v9 =	vor.u32 $0xE00, v0  }
0x3cd: {  	v3 =	vld [tilespmem:$0x39F0];
	[tilespmem:v10+s18+$0x0] =	vst.idx.msk $0xffff, v4;
	v10 =	vor.u32 $0xE01, v0  }
0x3ce: {  	v4 =	vld [tilespmem:$0x3A70];
	[tilespmem:v6+s18+$0x0] =	vst.idx.msk $0xffff, v5;
	v6 =	vor.u32 $0xE02, v0  }
0x3cf: {  	v5 =	vld [tilespmem:$0x3AF0];
	[tilespmem:v7+s18+$0x0] =	vst.idx.msk $0xffff, v1;
	v7 =	vor.u32 $0xE03, v0  }
0x3d0: {  	v1 =	vld [tilespmem:$0x3B70];
	[tilespmem:v8+s18+$0x0] =	vst.idx.msk $0xffff, v2;
	v8 =	vor.u32 $0xE04, v0  }
0x3d1: {  	v2 =	vld [tilespmem:$0x3BF0];
	[tilespmem:v9+s18+$0x0] =	vst.idx.msk $0xffff, v33;
	v33 =	vor.u32 $0xE05, v0  }
0x3d2: {  	[tilespmem:v10+s18+$0x0] =	vst.idx.msk $0xffff, v34;
	v34 =	vor.u32 $0xE06, v0  }
0x3d3: {  	[tilespmem:v6+s18+$0x0] =	vst.idx.msk $0xffff, v35;
	v35 =	vor.u32 $0xE07, v0  }
0x3d4: {  	[tilespmem:v7+s18+$0x0] =	vst.idx.msk $0xffff, v36;
	v36 =	vor.u32 $0xE08, v0  }
0x3d5: {  	[tilespmem:v8+s18+$0x0] =	vst.idx.msk $0xffff, v37;
	v37 =	vor.u32 $0xE09, v0  }
0x3d6: {  	[tilespmem:v33+s18+$0x0] =	vst.idx.msk $0xffff, v28;
	v28 =	vor.u32 $0xE0A, v0  }
0x3d7: {  	v33 =	vor.u32 $0xE0B, v0;
	[tilespmem:v34+s18+$0x0] =	vst.idx.msk $0xffff, v29  }
0x3d8: {  	v34 =	vor.u32 $0xE0C, v0;
	[tilespmem:v35+s18+$0x0] =	vst.idx.msk $0xffff, v30  }
0x3d9: {  	v35 =	vor.u32 $0xE0D, v0;
	[tilespmem:v36+s18+$0x0] =	vst.idx.msk $0xffff, v31  }
0x3da: {  	v36 =	vor.u32 $0xE0E, v0;
	[tilespmem:v37+s18+$0x0] =	vst.idx.msk $0xffff, v32  }
0x3db: {  	v37 =	vor.u32 $0xE0F, v0;
	[tilespmem:v28+s18+$0x0] =	vst.idx.msk $0xffff, v11  }
0x3dc: {  	[tilespmem:v33+s18+$0x0] =	vst.idx.msk $0xffff, v12;
	v12 =	vor.u32 $0xE10, v0  }
0x3dd: {  	[tilespmem:v34+s18+$0x0] =	vst.idx.msk $0xffff, v13;
	v13 =	vor.u32 $0xE11, v0  }
0x3de: {  	[tilespmem:v35+s18+$0x0] =	vst.idx.msk $0xffff, v14;
	v14 =	vor.u32 $0xE12, v0  }
0x3df: {  	[tilespmem:v36+s18+$0x0] =	vst.idx.msk $0xffff, v15;
	v15 =	vor.u32 $0xE13, v0  }
0x3e0: {  	[tilespmem:v37+s18+$0x0] =	vst.idx.msk $0xffff, v16;
	v16 =	vor.u32 $0xE14, v0  }
0x3e1: {  	[tilespmem:v12+s18+$0x0] =	vst.idx.msk $0xffff, v17;
	v17 =	vor.u32 $0xE15, v0  }
0x3e2: {  	[tilespmem:v13+s18+$0x0] =	vst.idx.msk $0xffff, v18;
	v18 =	vor.u32 $0xE16, v0  }
0x3e3: {  	v11 =	vld [tilespmem:$0x2400];
	[tilespmem:v14+s18+$0x0] =	vst.idx.msk $0xffff, v19;
	v19 =	vor.u32 $0xE17, v0  }
0x3e4: {  	v12 =	vld [tilespmem:$0x2480];
	[tilespmem:v15+s18+$0x0] =	vst.idx.msk $0xffff, v20;
	v20 =	vor.u32 $0xE18, v0  }
0x3e5: {  	v13 =	vld [tilespmem:$0x2500];
	[tilespmem:v16+s18+$0x0] =	vst.idx.msk $0xffff, v21;
	v21 =	vor.u32 $0xE19, v0  }
0x3e6: {  	v14 =	vld [tilespmem:$0x2580];
	[tilespmem:v17+s18+$0x0] =	vst.idx.msk $0xffff, v22;
	v22 =	vor.u32 $0xE1A, v0  }
0x3e7: {  	v15 =	vld [tilespmem:$0x2600];
	[tilespmem:v18+s18+$0x0] =	vst.idx.msk $0xffff, v23;
	v23 =	vor.u32 $0xE1B, v0  }
0x3e8: {  	v16 =	vld [tilespmem:$0x2680];
	[tilespmem:v19+s18+$0x0] =	vst.idx.msk $0xffff, v24;
	v24 =	vor.u32 $0xE1C, v0  }
0x3e9: {  	v17 =	vld [tilespmem:$0x2700];
	[tilespmem:v20+s18+$0x0] =	vst.idx.msk $0xffff, v25;
	v25 =	vor.u32 $0xE1D, v0  }
0x3ea: {  	v18 =	vld [tilespmem:$0x2780];
	[tilespmem:v21+s18+$0x0] =	vst.idx.msk $0xffff, v26;
	v26 =	vor.u32 $0xE1E, v0  }
0x3eb: {  	v28 =	vor.u32 $0xE1F, v0;
	v19 =	vld [tilespmem:$0x2C00];
	[tilespmem:v22+s18+$0x0] =	vst.idx.msk $0xffff, v27  }
0x3ec: {  	[tilespmem:v23+s18+$0x0] =	vst.idx.msk $0xffff, v3;
	v3 =	vld [tilespmem:$0x2C80]  }
0x3ed: {  	[tilespmem:v24+s18+$0x0] =	vst.idx.msk $0xffff, v4;
	v4 =	vld [tilespmem:$0x2D00]  }
0x3ee: {  	[tilespmem:v25+s18+$0x0] =	vst.idx.msk $0xffff, v5;
	v5 =	vld [tilespmem:$0x2D80]  }
0x3ef: {  	[tilespmem:v26+s18+$0x0] =	vst.idx.msk $0xffff, v1;
	v1 =	vld [tilespmem:$0x2E00]  }
0x3f0: {  	[tilespmem:v28+s18+$0x0] =	vst.idx.msk $0xffff, v2;
	v2 =	vld [tilespmem:$0x2E80]  }
0x3f1: {  	v6 =	vld [tilespmem:$0x2F00]  }
0x3f2: {  	v7 =	vld [tilespmem:$0x2F80]  }
0x3f3: {  	v8 =	vld [tilespmem:$0x3400]  }
0x3f4: {  	v9 =	vld [tilespmem:$0x3480]  }
0x3f5: {  	v10 =	vld [tilespmem:$0x3500]  }
0x3f6: {  	v20 =	vld [tilespmem:$0x3580]  }
0x3f7: {  	v21 =	vld [tilespmem:$0x3600]  }
0x3f8: {  	v22 =	vld [tilespmem:$0x3680]  }
0x3f9: {  	v23 =	vld [tilespmem:$0x3700]  }
0x3fa: {  	v24 =	vld [tilespmem:$0x3780]  }
0x3fb: {  	v25 =	vld [tilespmem:$0x3C00]  }
0x3fc: {  	v26 =	vld [tilespmem:$0x3C80]  }
0x3fd: {  	v29 =	vor.u32 $0x1000, v0;
	v27 =	vld [tilespmem:$0x3D00]  }
0x3fe: {  	v31 =	vor.u32 $0x1001, v0;
	v28 =	vld [tilespmem:$0x3D80]  }
0x3ff: {  	v33 =	vor.u32 $0x1002, v0;
	v30 =	vld [tilespmem:$0x3E00]  }
0x400: {  	v35 =	vor.u32 $0x1003, v0;
	v32 =	vld [tilespmem:$0x3E80]  }
0x401: {  	v37 =	vor.u32 $0x1004, v0;
	v34 =	vld [tilespmem:$0x3F00]  }
0x402: {  	v36 =	vld [tilespmem:$0x3F80];
	[tilespmem:v29+s18+$0x0] =	vst.idx.msk $0xffff, v11;
	v11 =	vor.u32 $0x1005, v0  }
0x403: {  	v29 =	vld [tilespmem:$0x2410];
	[tilespmem:v31+s18+$0x0] =	vst.idx.msk $0xffff, v12;
	v12 =	vor.u32 $0x1006, v0  }
0x404: {  	v31 =	vld [tilespmem:$0x2490];
	[tilespmem:v33+s18+$0x0] =	vst.idx.msk $0xffff, v13;
	v13 =	vor.u32 $0x1007, v0  }
0x405: {  	v33 =	vld [tilespmem:$0x2510];
	[tilespmem:v35+s18+$0x0] =	vst.idx.msk $0xffff, v14;
	v14 =	vor.u32 $0x1008, v0  }
0x406: {  	v35 =	vld [tilespmem:$0x2590];
	[tilespmem:v37+s18+$0x0] =	vst.idx.msk $0xffff, v15;
	v15 =	vor.u32 $0x1009, v0  }
0x407: {  	v37 =	vld [tilespmem:$0x2610];
	[tilespmem:v11+s18+$0x0] =	vst.idx.msk $0xffff, v16;
	v11 =	vor.u32 $0x100A, v0  }
0x408: {  	v16 =	vld [tilespmem:$0x2690];
	[tilespmem:v12+s18+$0x0] =	vst.idx.msk $0xffff, v17;
	v12 =	vor.u32 $0x100B, v0  }
0x409: {  	v17 =	vld [tilespmem:$0x2710];
	[tilespmem:v13+s18+$0x0] =	vst.idx.msk $0xffff, v18;
	v13 =	vor.u32 $0x100C, v0  }
0x40a: {  	v18 =	vld [tilespmem:$0x2790];
	[tilespmem:v14+s18+$0x0] =	vst.idx.msk $0xffff, v19;
	v14 =	vor.u32 $0x100D, v0  }
0x40b: {  	v19 =	vld [tilespmem:$0x2C10];
	[tilespmem:v15+s18+$0x0] =	vst.idx.msk $0xffff, v3;
	v3 =	vor.u32 $0x100E, v0  }
0x40c: {  	v15 =	vld [tilespmem:$0x2C90];
	[tilespmem:v11+s18+$0x0] =	vst.idx.msk $0xffff, v4;
	v4 =	vor.u32 $0x100F, v0  }
0x40d: {  	v11 =	vld [tilespmem:$0x2D10];
	[tilespmem:v12+s18+$0x0] =	vst.idx.msk $0xffff, v5;
	v5 =	vor.u32 $0x1010, v0  }
0x40e: {  	v12 =	vld [tilespmem:$0x2D90];
	[tilespmem:v13+s18+$0x0] =	vst.idx.msk $0xffff, v1;
	v1 =	vor.u32 $0x1011, v0  }
0x40f: {  	v13 =	vld [tilespmem:$0x2E10];
	[tilespmem:v14+s18+$0x0] =	vst.idx.msk $0xffff, v2;
	v2 =	vor.u32 $0x1012, v0  }
0x410: {  	v14 =	vld [tilespmem:$0x2E90];
	[tilespmem:v3+s18+$0x0] =	vst.idx.msk $0xffff, v6;
	v3 =	vor.u32 $0x1013, v0  }
0x411: {  	v6 =	vld [tilespmem:$0x2F10];
	[tilespmem:v4+s18+$0x0] =	vst.idx.msk $0xffff, v7;
	v4 =	vor.u32 $0x1014, v0  }
0x412: {  	v7 =	vld [tilespmem:$0x2F90];
	[tilespmem:v5+s18+$0x0] =	vst.idx.msk $0xffff, v8;
	v5 =	vor.u32 $0x1015, v0  }
0x413: {  	v8 =	vld [tilespmem:$0x3410];
	[tilespmem:v1+s18+$0x0] =	vst.idx.msk $0xffff, v9;
	v1 =	vor.u32 $0x1016, v0  }
0x414: {  	v9 =	vld [tilespmem:$0x3490];
	[tilespmem:v2+s18+$0x0] =	vst.idx.msk $0xffff, v10;
	v2 =	vor.u32 $0x1017, v0  }
0x415: {  	v10 =	vld [tilespmem:$0x3510];
	[tilespmem:v3+s18+$0x0] =	vst.idx.msk $0xffff, v20;
	v3 =	vor.u32 $0x1018, v0  }
0x416: {  	v20 =	vld [tilespmem:$0x3590];
	[tilespmem:v4+s18+$0x0] =	vst.idx.msk $0xffff, v21;
	v4 =	vor.u32 $0x1019, v0  }
0x417: {  	v21 =	vld [tilespmem:$0x3610];
	[tilespmem:v5+s18+$0x0] =	vst.idx.msk $0xffff, v22;
	v5 =	vor.u32 $0x101A, v0  }
0x418: {  	v22 =	vld [tilespmem:$0x3690];
	[tilespmem:v1+s18+$0x0] =	vst.idx.msk $0xffff, v23;
	v1 =	vor.u32 $0x101B, v0  }
0x419: {  	v23 =	vld [tilespmem:$0x3710];
	[tilespmem:v2+s18+$0x0] =	vst.idx.msk $0xffff, v24;
	v2 =	vor.u32 $0x101C, v0  }
0x41a: {  	v24 =	vld [tilespmem:$0x3790];
	[tilespmem:v3+s18+$0x0] =	vst.idx.msk $0xffff, v25;
	v3 =	vor.u32 $0x101D, v0  }
0x41b: {  	v25 =	vld [tilespmem:$0x3C10];
	[tilespmem:v4+s18+$0x0] =	vst.idx.msk $0xffff, v26;
	v4 =	vor.u32 $0x101E, v0  }
0x41c: {  	v26 =	vld [tilespmem:$0x3C90];
	[tilespmem:v5+s18+$0x0] =	vst.idx.msk $0xffff, v27;
	v5 =	vor.u32 $0x101F, v0  }
0x41d: {  	v27 =	vld [tilespmem:$0x3D10];
	[tilespmem:v1+s18+$0x0] =	vst.idx.msk $0xffff, v28;
	v28 =	vor.u32 $0x1200, v0  }
0x41e: {  	v1 =	vld [tilespmem:$0x3D90];
	[tilespmem:v2+s18+$0x0] =	vst.idx.msk $0xffff, v30;
	v30 =	vor.u32 $0x1201, v0  }
0x41f: {  	v2 =	vld [tilespmem:$0x3E10];
	[tilespmem:v3+s18+$0x0] =	vst.idx.msk $0xffff, v32;
	v32 =	vor.u32 $0x1202, v0  }
0x420: {  	v3 =	vld [tilespmem:$0x3E90];
	[tilespmem:v4+s18+$0x0] =	vst.idx.msk $0xffff, v34;
	v34 =	vor.u32 $0x1203, v0  }
0x421: {  	v4 =	vld [tilespmem:$0x3F10];
	[tilespmem:v5+s18+$0x0] =	vst.idx.msk $0xffff, v36;
	v36 =	vor.u32 $0x1204, v0  }
0x422: {  	v5 =	vld [tilespmem:$0x3F90];
	[tilespmem:v28+s18+$0x0] =	vst.idx.msk $0xffff, v29;
	v28 =	vor.u32 $0x1205, v0  }
0x423: {  	v29 =	vld [tilespmem:$0x2420];
	[tilespmem:v30+s18+$0x0] =	vst.idx.msk $0xffff, v31;
	v30 =	vor.u32 $0x1206, v0  }
0x424: {  	v31 =	vld [tilespmem:$0x24A0];
	[tilespmem:v32+s18+$0x0] =	vst.idx.msk $0xffff, v33;
	v32 =	vor.u32 $0x1207, v0  }
0x425: {  	v33 =	vld [tilespmem:$0x2520];
	[tilespmem:v34+s18+$0x0] =	vst.idx.msk $0xffff, v35;
	v34 =	vor.u32 $0x1208, v0  }
0x426: {  	v35 =	vld [tilespmem:$0x25A0];
	[tilespmem:v36+s18+$0x0] =	vst.idx.msk $0xffff, v37;
	v36 =	vor.u32 $0x1209, v0  }
0x427: {  	v37 =	vld [tilespmem:$0x2620];
	[tilespmem:v28+s18+$0x0] =	vst.idx.msk $0xffff, v16;
	v16 =	vor.u32 $0x120A, v0  }
0x428: {  	v28 =	vld [tilespmem:$0x26A0];
	[tilespmem:v30+s18+$0x0] =	vst.idx.msk $0xffff, v17;
	v17 =	vor.u32 $0x120B, v0  }
0x429: {  	v30 =	vld [tilespmem:$0x2720];
	[tilespmem:v32+s18+$0x0] =	vst.idx.msk $0xffff, v18;
	v18 =	vor.u32 $0x120C, v0  }
0x42a: {  	v32 =	vld [tilespmem:$0x27A0];
	[tilespmem:v34+s18+$0x0] =	vst.idx.msk $0xffff, v19;
	v19 =	vor.u32 $0x120D, v0  }
0x42b: {  	v34 =	vld [tilespmem:$0x2C20];
	[tilespmem:v36+s18+$0x0] =	vst.idx.msk $0xffff, v15;
	v15 =	vor.u32 $0x120E, v0  }
0x42c: {  	v36 =	vld [tilespmem:$0x2CA0];
	[tilespmem:v16+s18+$0x0] =	vst.idx.msk $0xffff, v11;
	v11 =	vor.u32 $0x120F, v0  }
0x42d: {  	v16 =	vld [tilespmem:$0x2D20];
	[tilespmem:v17+s18+$0x0] =	vst.idx.msk $0xffff, v12;
	v12 =	vor.u32 $0x1210, v0  }
0x42e: {  	v17 =	vld [tilespmem:$0x2DA0];
	[tilespmem:v18+s18+$0x0] =	vst.idx.msk $0xffff, v13;
	v13 =	vor.u32 $0x1211, v0  }
0x42f: {  	v18 =	vld [tilespmem:$0x2E20];
	[tilespmem:v19+s18+$0x0] =	vst.idx.msk $0xffff, v14;
	v14 =	vor.u32 $0x1212, v0  }
0x430: {  	v19 =	vld [tilespmem:$0x2EA0];
	[tilespmem:v15+s18+$0x0] =	vst.idx.msk $0xffff, v6;
	v6 =	vor.u32 $0x1213, v0  }
0x431: {  	v15 =	vld [tilespmem:$0x2F20];
	[tilespmem:v11+s18+$0x0] =	vst.idx.msk $0xffff, v7;
	v7 =	vor.u32 $0x1214, v0  }
0x432: {  	v11 =	vld [tilespmem:$0x2FA0];
	[tilespmem:v12+s18+$0x0] =	vst.idx.msk $0xffff, v8;
	v8 =	vor.u32 $0x1215, v0  }
0x433: {  	v12 =	vld [tilespmem:$0x3420];
	[tilespmem:v13+s18+$0x0] =	vst.idx.msk $0xffff, v9;
	v9 =	vor.u32 $0x1216, v0  }
0x434: {  	v13 =	vld [tilespmem:$0x34A0];
	[tilespmem:v14+s18+$0x0] =	vst.idx.msk $0xffff, v10;
	v10 =	vor.u32 $0x1217, v0  }
0x435: {  	v14 =	vld [tilespmem:$0x3520];
	[tilespmem:v6+s18+$0x0] =	vst.idx.msk $0xffff, v20;
	v6 =	vor.u32 $0x1218, v0  }
0x436: {  	v20 =	vld [tilespmem:$0x35A0];
	[tilespmem:v7+s18+$0x0] =	vst.idx.msk $0xffff, v21;
	v7 =	vor.u32 $0x1219, v0  }
0x437: {  	v21 =	vld [tilespmem:$0x3620];
	[tilespmem:v8+s18+$0x0] =	vst.idx.msk $0xffff, v22;
	v8 =	vor.u32 $0x121A, v0  }
0x438: {  	v22 =	vld [tilespmem:$0x36A0];
	[tilespmem:v9+s18+$0x0] =	vst.idx.msk $0xffff, v23;
	v9 =	vor.u32 $0x121B, v0  }
0x439: {  	v23 =	vld [tilespmem:$0x3720];
	[tilespmem:v10+s18+$0x0] =	vst.idx.msk $0xffff, v24;
	v10 =	vor.u32 $0x121C, v0  }
0x43a: {  	v24 =	vld [tilespmem:$0x37A0];
	[tilespmem:v6+s18+$0x0] =	vst.idx.msk $0xffff, v25;
	v6 =	vor.u32 $0x121D, v0  }
0x43b: {  	v25 =	vld [tilespmem:$0x3C20];
	[tilespmem:v7+s18+$0x0] =	vst.idx.msk $0xffff, v26;
	v7 =	vor.u32 $0x121E, v0  }
0x43c: {  	v26 =	vld [tilespmem:$0x3CA0];
	[tilespmem:v8+s18+$0x0] =	vst.idx.msk $0xffff, v27;
	v8 =	vor.u32 $0x121F, v0  }
0x43d: {  	v27 =	vld [tilespmem:$0x3D20];
	[tilespmem:v9+s18+$0x0] =	vst.idx.msk $0xffff, v1;
	v9 =	vor.u32 $0x1400, v0  }
0x43e: {  	v1 =	vld [tilespmem:$0x3DA0];
	[tilespmem:v10+s18+$0x0] =	vst.idx.msk $0xffff, v2;
	v10 =	vor.u32 $0x1401, v0  }
0x43f: {  	v2 =	vld [tilespmem:$0x3E20];
	[tilespmem:v6+s18+$0x0] =	vst.idx.msk $0xffff, v3;
	v6 =	vor.u32 $0x1402, v0  }
0x440: {  	v3 =	vld [tilespmem:$0x3EA0];
	[tilespmem:v7+s18+$0x0] =	vst.idx.msk $0xffff, v4;
	v7 =	vor.u32 $0x1403, v0  }
0x441: {  	v4 =	vld [tilespmem:$0x3F20];
	[tilespmem:v8+s18+$0x0] =	vst.idx.msk $0xffff, v5;
	v8 =	vor.u32 $0x1404, v0  }
0x442: {  	v5 =	vld [tilespmem:$0x3FA0];
	[tilespmem:v9+s18+$0x0] =	vst.idx.msk $0xffff, v29;
	v9 =	vor.u32 $0x1405, v0  }
0x443: {  	v29 =	vld [tilespmem:$0x2430];
	[tilespmem:v10+s18+$0x0] =	vst.idx.msk $0xffff, v31;
	v10 =	vor.u32 $0x1406, v0  }
0x444: {  	v31 =	vld [tilespmem:$0x24B0];
	[tilespmem:v6+s18+$0x0] =	vst.idx.msk $0xffff, v33;
	v6 =	vor.u32 $0x1407, v0  }
0x445: {  	v33 =	vld [tilespmem:$0x2530];
	[tilespmem:v7+s18+$0x0] =	vst.idx.msk $0xffff, v35;
	v7 =	vor.u32 $0x1408, v0  }
0x446: {  	v35 =	vld [tilespmem:$0x25B0];
	[tilespmem:v8+s18+$0x0] =	vst.idx.msk $0xffff, v37;
	v8 =	vor.u32 $0x1409, v0  }
0x447: {  	v37 =	vld [tilespmem:$0x2630];
	[tilespmem:v9+s18+$0x0] =	vst.idx.msk $0xffff, v28;
	v9 =	vor.u32 $0x140A, v0  }
0x448: {  	v28 =	vld [tilespmem:$0x26B0];
	[tilespmem:v10+s18+$0x0] =	vst.idx.msk $0xffff, v30;
	v10 =	vor.u32 $0x140B, v0  }
0x449: {  	v30 =	vld [tilespmem:$0x2730];
	[tilespmem:v6+s18+$0x0] =	vst.idx.msk $0xffff, v32;
	v6 =	vor.u32 $0x140C, v0  }
0x44a: {  	v32 =	vld [tilespmem:$0x27B0];
	[tilespmem:v7+s18+$0x0] =	vst.idx.msk $0xffff, v34;
	v7 =	vor.u32 $0x140D, v0  }
0x44b: {  	v34 =	vld [tilespmem:$0x2C30];
	[tilespmem:v8+s18+$0x0] =	vst.idx.msk $0xffff, v36;
	v8 =	vor.u32 $0x140E, v0  }
0x44c: {  	v36 =	vld [tilespmem:$0x2CB0];
	[tilespmem:v9+s18+$0x0] =	vst.idx.msk $0xffff, v16;
	v9 =	vor.u32 $0x140F, v0  }
0x44d: {  	v16 =	vld [tilespmem:$0x2D30];
	[tilespmem:v10+s18+$0x0] =	vst.idx.msk $0xffff, v17;
	v10 =	vor.u32 $0x1410, v0  }
0x44e: {  	v17 =	vld [tilespmem:$0x2DB0];
	[tilespmem:v6+s18+$0x0] =	vst.idx.msk $0xffff, v18;
	v6 =	vor.u32 $0x1411, v0  }
0x44f: {  	v18 =	vld [tilespmem:$0x2E30];
	[tilespmem:v7+s18+$0x0] =	vst.idx.msk $0xffff, v19;
	v7 =	vor.u32 $0x1412, v0  }
0x450: {  	v19 =	vld [tilespmem:$0x2EB0];
	[tilespmem:v8+s18+$0x0] =	vst.idx.msk $0xffff, v15;
	v8 =	vor.u32 $0x1413, v0  }
0x451: {  	v15 =	vld [tilespmem:$0x2F30];
	[tilespmem:v9+s18+$0x0] =	vst.idx.msk $0xffff, v11;
	v9 =	vor.u32 $0x1414, v0  }
0x452: {  	v11 =	vld [tilespmem:$0x2FB0];
	[tilespmem:v10+s18+$0x0] =	vst.idx.msk $0xffff, v12;
	v10 =	vor.u32 $0x1415, v0  }
0x453: {  	v12 =	vld [tilespmem:$0x3430];
	[tilespmem:v6+s18+$0x0] =	vst.idx.msk $0xffff, v13;
	v6 =	vor.u32 $0x1416, v0  }
0x454: {  	v13 =	vld [tilespmem:$0x34B0];
	[tilespmem:v7+s18+$0x0] =	vst.idx.msk $0xffff, v14;
	v7 =	vor.u32 $0x1417, v0  }
0x455: {  	v14 =	vld [tilespmem:$0x3530];
	[tilespmem:v8+s18+$0x0] =	vst.idx.msk $0xffff, v20;
	v8 =	vor.u32 $0x1418, v0  }
0x456: {  	v20 =	vld [tilespmem:$0x35B0];
	[tilespmem:v9+s18+$0x0] =	vst.idx.msk $0xffff, v21;
	v9 =	vor.u32 $0x1419, v0  }
0x457: {  	v21 =	vld [tilespmem:$0x3630];
	[tilespmem:v10+s18+$0x0] =	vst.idx.msk $0xffff, v22;
	v10 =	vor.u32 $0x141A, v0  }
0x458: {  	v22 =	vld [tilespmem:$0x36B0];
	[tilespmem:v6+s18+$0x0] =	vst.idx.msk $0xffff, v23;
	v6 =	vor.u32 $0x141B, v0  }
0x459: {  	v23 =	vld [tilespmem:$0x3730];
	[tilespmem:v7+s18+$0x0] =	vst.idx.msk $0xffff, v24;
	v7 =	vor.u32 $0x141C, v0  }
0x45a: {  	v24 =	vld [tilespmem:$0x37B0];
	[tilespmem:v8+s18+$0x0] =	vst.idx.msk $0xffff, v25;
	v8 =	vor.u32 $0x141D, v0  }
0x45b: {  	v25 =	vld [tilespmem:$0x3C30];
	[tilespmem:v9+s18+$0x0] =	vst.idx.msk $0xffff, v26;
	v9 =	vor.u32 $0x141E, v0  }
0x45c: {  	v26 =	vld [tilespmem:$0x3CB0];
	[tilespmem:v10+s18+$0x0] =	vst.idx.msk $0xffff, v27;
	v10 =	vor.u32 $0x141F, v0  }
0x45d: {  	v27 =	vld [tilespmem:$0x3D30];
	[tilespmem:v6+s18+$0x0] =	vst.idx.msk $0xffff, v1;
	v6 =	vor.u32 $0x1600, v0  }
0x45e: {  	v1 =	vld [tilespmem:$0x3DB0];
	[tilespmem:v7+s18+$0x0] =	vst.idx.msk $0xffff, v2;
	v7 =	vor.u32 $0x1601, v0  }
0x45f: {  	v2 =	vld [tilespmem:$0x3E30];
	[tilespmem:v8+s18+$0x0] =	vst.idx.msk $0xffff, v3;
	v8 =	vor.u32 $0x1602, v0  }
0x460: {  	v3 =	vld [tilespmem:$0x3EB0];
	[tilespmem:v9+s18+$0x0] =	vst.idx.msk $0xffff, v4;
	v9 =	vor.u32 $0x1603, v0  }
0x461: {  	v4 =	vld [tilespmem:$0x3F30];
	[tilespmem:v10+s18+$0x0] =	vst.idx.msk $0xffff, v5;
	v10 =	vor.u32 $0x1604, v0  }
0x462: {  	v5 =	vld [tilespmem:$0x3FB0];
	[tilespmem:v6+s18+$0x0] =	vst.idx.msk $0xffff, v29;
	v6 =	vor.u32 $0x1605, v0  }
0x463: {  	v29 =	vld [tilespmem:$0x2440];
	[tilespmem:v7+s18+$0x0] =	vst.idx.msk $0xffff, v31;
	v7 =	vor.u32 $0x1606, v0  }
0x464: {  	v31 =	vld [tilespmem:$0x24C0];
	[tilespmem:v8+s18+$0x0] =	vst.idx.msk $0xffff, v33;
	v8 =	vor.u32 $0x1607, v0  }
0x465: {  	v33 =	vld [tilespmem:$0x2540];
	[tilespmem:v9+s18+$0x0] =	vst.idx.msk $0xffff, v35;
	v9 =	vor.u32 $0x1608, v0  }
0x466: {  	v35 =	vld [tilespmem:$0x25C0];
	[tilespmem:v10+s18+$0x0] =	vst.idx.msk $0xffff, v37;
	v10 =	vor.u32 $0x1609, v0  }
0x467: {  	v37 =	vld [tilespmem:$0x2640];
	[tilespmem:v6+s18+$0x0] =	vst.idx.msk $0xffff, v28;
	v6 =	vor.u32 $0x160A, v0  }
0x468: {  	v28 =	vld [tilespmem:$0x26C0];
	[tilespmem:v7+s18+$0x0] =	vst.idx.msk $0xffff, v30;
	v7 =	vor.u32 $0x160B, v0  }
0x469: {  	v30 =	vld [tilespmem:$0x2740];
	[tilespmem:v8+s18+$0x0] =	vst.idx.msk $0xffff, v32;
	v8 =	vor.u32 $0x160C, v0  }
0x46a: {  	v32 =	vld [tilespmem:$0x27C0];
	[tilespmem:v9+s18+$0x0] =	vst.idx.msk $0xffff, v34;
	v9 =	vor.u32 $0x160D, v0  }
0x46b: {  	v34 =	vld [tilespmem:$0x2C40];
	[tilespmem:v10+s18+$0x0] =	vst.idx.msk $0xffff, v36;
	v10 =	vor.u32 $0x160E, v0  }
0x46c: {  	v36 =	vld [tilespmem:$0x2CC0];
	[tilespmem:v6+s18+$0x0] =	vst.idx.msk $0xffff, v16;
	v6 =	vor.u32 $0x160F, v0  }
0x46d: {  	v16 =	vld [tilespmem:$0x2D40];
	[tilespmem:v7+s18+$0x0] =	vst.idx.msk $0xffff, v17;
	v7 =	vor.u32 $0x1610, v0  }
0x46e: {  	v17 =	vld [tilespmem:$0x2DC0];
	[tilespmem:v8+s18+$0x0] =	vst.idx.msk $0xffff, v18;
	v8 =	vor.u32 $0x1611, v0  }
0x46f: {  	v18 =	vld [tilespmem:$0x2E40];
	[tilespmem:v9+s18+$0x0] =	vst.idx.msk $0xffff, v19;
	v9 =	vor.u32 $0x1612, v0  }
0x470: {  	v19 =	vld [tilespmem:$0x2EC0];
	[tilespmem:v10+s18+$0x0] =	vst.idx.msk $0xffff, v15;
	v10 =	vor.u32 $0x1613, v0  }
0x471: {  	v15 =	vld [tilespmem:$0x2F40];
	[tilespmem:v6+s18+$0x0] =	vst.idx.msk $0xffff, v11;
	v6 =	vor.u32 $0x1614, v0  }
0x472: {  	v11 =	vld [tilespmem:$0x2FC0];
	[tilespmem:v7+s18+$0x0] =	vst.idx.msk $0xffff, v12;
	v7 =	vor.u32 $0x1615, v0  }
0x473: {  	v12 =	vld [tilespmem:$0x3440];
	[tilespmem:v8+s18+$0x0] =	vst.idx.msk $0xffff, v13;
	v8 =	vor.u32 $0x1616, v0  }
0x474: {  	v13 =	vld [tilespmem:$0x34C0];
	[tilespmem:v9+s18+$0x0] =	vst.idx.msk $0xffff, v14;
	v9 =	vor.u32 $0x1617, v0  }
0x475: {  	v14 =	vld [tilespmem:$0x3540];
	[tilespmem:v10+s18+$0x0] =	vst.idx.msk $0xffff, v20;
	v10 =	vor.u32 $0x1618, v0  }
0x476: {  	v20 =	vld [tilespmem:$0x35C0];
	[tilespmem:v6+s18+$0x0] =	vst.idx.msk $0xffff, v21;
	v6 =	vor.u32 $0x1619, v0  }
0x477: {  	v21 =	vld [tilespmem:$0x3640];
	[tilespmem:v7+s18+$0x0] =	vst.idx.msk $0xffff, v22;
	v7 =	vor.u32 $0x161A, v0  }
0x478: {  	v22 =	vld [tilespmem:$0x36C0];
	[tilespmem:v8+s18+$0x0] =	vst.idx.msk $0xffff, v23;
	v8 =	vor.u32 $0x161B, v0  }
0x479: {  	v23 =	vld [tilespmem:$0x3740];
	[tilespmem:v9+s18+$0x0] =	vst.idx.msk $0xffff, v24;
	v9 =	vor.u32 $0x161C, v0  }
0x47a: {  	v24 =	vld [tilespmem:$0x37C0];
	[tilespmem:v10+s18+$0x0] =	vst.idx.msk $0xffff, v25;
	v10 =	vor.u32 $0x161D, v0  }
0x47b: {  	v25 =	vld [tilespmem:$0x3C40];
	[tilespmem:v6+s18+$0x0] =	vst.idx.msk $0xffff, v26;
	v6 =	vor.u32 $0x161E, v0  }
0x47c: {  	v26 =	vld [tilespmem:$0x3CC0];
	[tilespmem:v7+s18+$0x0] =	vst.idx.msk $0xffff, v27;
	v7 =	vor.u32 $0x161F, v0  }
0x47d: {  	v27 =	vld [tilespmem:$0x3D40];
	[tilespmem:v8+s18+$0x0] =	vst.idx.msk $0xffff, v1;
	v8 =	vor.u32 $0x1800, v0  }
0x47e: {  	v1 =	vld [tilespmem:$0x3DC0];
	[tilespmem:v9+s18+$0x0] =	vst.idx.msk $0xffff, v2;
	v9 =	vor.u32 $0x1801, v0  }
0x47f: {  	v2 =	vld [tilespmem:$0x3E40];
	[tilespmem:v10+s18+$0x0] =	vst.idx.msk $0xffff, v3;
	v10 =	vor.u32 $0x1802, v0  }
0x480: {  	v3 =	vld [tilespmem:$0x3EC0];
	[tilespmem:v6+s18+$0x0] =	vst.idx.msk $0xffff, v4;
	v6 =	vor.u32 $0x1803, v0  }
0x481: {  	v4 =	vld [tilespmem:$0x3F40];
	[tilespmem:v7+s18+$0x0] =	vst.idx.msk $0xffff, v5;
	v7 =	vor.u32 $0x1804, v0  }
0x482: {  	v5 =	vld [tilespmem:$0x3FC0];
	[tilespmem:v8+s18+$0x0] =	vst.idx.msk $0xffff, v29;
	v8 =	vor.u32 $0x1805, v0  }
0x483: {  	v29 =	vld [tilespmem:$0x2450];
	[tilespmem:v9+s18+$0x0] =	vst.idx.msk $0xffff, v31;
	v9 =	vor.u32 $0x1806, v0  }
0x484: {  	v31 =	vld [tilespmem:$0x24D0];
	[tilespmem:v10+s18+$0x0] =	vst.idx.msk $0xffff, v33;
	v10 =	vor.u32 $0x1807, v0  }
0x485: {  	v33 =	vld [tilespmem:$0x2550];
	[tilespmem:v6+s18+$0x0] =	vst.idx.msk $0xffff, v35;
	v6 =	vor.u32 $0x1808, v0  }
0x486: {  	v35 =	vld [tilespmem:$0x25D0];
	[tilespmem:v7+s18+$0x0] =	vst.idx.msk $0xffff, v37;
	v7 =	vor.u32 $0x1809, v0  }
0x487: {  	v37 =	vld [tilespmem:$0x2650];
	[tilespmem:v8+s18+$0x0] =	vst.idx.msk $0xffff, v28;
	v8 =	vor.u32 $0x180A, v0  }
0x488: {  	v28 =	vld [tilespmem:$0x26D0];
	[tilespmem:v9+s18+$0x0] =	vst.idx.msk $0xffff, v30;
	v9 =	vor.u32 $0x180B, v0  }
0x489: {  	v30 =	vld [tilespmem:$0x2750];
	[tilespmem:v10+s18+$0x0] =	vst.idx.msk $0xffff, v32;
	v10 =	vor.u32 $0x180C, v0  }
0x48a: {  	v32 =	vld [tilespmem:$0x27D0];
	[tilespmem:v6+s18+$0x0] =	vst.idx.msk $0xffff, v34;
	v6 =	vor.u32 $0x180D, v0  }
0x48b: {  	v34 =	vld [tilespmem:$0x2C50];
	[tilespmem:v7+s18+$0x0] =	vst.idx.msk $0xffff, v36;
	v7 =	vor.u32 $0x180E, v0  }
0x48c: {  	v36 =	vld [tilespmem:$0x2CD0];
	[tilespmem:v8+s18+$0x0] =	vst.idx.msk $0xffff, v16;
	v8 =	vor.u32 $0x180F, v0  }
0x48d: {  	v16 =	vld [tilespmem:$0x2D50];
	[tilespmem:v9+s18+$0x0] =	vst.idx.msk $0xffff, v17;
	v9 =	vor.u32 $0x1810, v0  }
0x48e: {  	v17 =	vld [tilespmem:$0x2DD0];
	[tilespmem:v10+s18+$0x0] =	vst.idx.msk $0xffff, v18;
	v10 =	vor.u32 $0x1811, v0  }
0x48f: {  	v18 =	vld [tilespmem:$0x2E50];
	[tilespmem:v6+s18+$0x0] =	vst.idx.msk $0xffff, v19;
	v6 =	vor.u32 $0x1812, v0  }
0x490: {  	v19 =	vld [tilespmem:$0x2ED0];
	[tilespmem:v7+s18+$0x0] =	vst.idx.msk $0xffff, v15;
	v7 =	vor.u32 $0x1813, v0  }
0x491: {  	v15 =	vld [tilespmem:$0x2F50];
	[tilespmem:v8+s18+$0x0] =	vst.idx.msk $0xffff, v11;
	v8 =	vor.u32 $0x1814, v0  }
0x492: {  	v11 =	vld [tilespmem:$0x2FD0];
	[tilespmem:v9+s18+$0x0] =	vst.idx.msk $0xffff, v12;
	v9 =	vor.u32 $0x1815, v0  }
0x493: {  	v12 =	vld [tilespmem:$0x3450];
	[tilespmem:v10+s18+$0x0] =	vst.idx.msk $0xffff, v13;
	v10 =	vor.u32 $0x1816, v0  }
0x494: {  	v13 =	vld [tilespmem:$0x34D0];
	[tilespmem:v6+s18+$0x0] =	vst.idx.msk $0xffff, v14;
	v6 =	vor.u32 $0x1817, v0  }
0x495: {  	v14 =	vld [tilespmem:$0x3550];
	[tilespmem:v7+s18+$0x0] =	vst.idx.msk $0xffff, v20;
	v7 =	vor.u32 $0x1818, v0  }
0x496: {  	v20 =	vld [tilespmem:$0x35D0];
	[tilespmem:v8+s18+$0x0] =	vst.idx.msk $0xffff, v21;
	v8 =	vor.u32 $0x1819, v0  }
0x497: {  	v21 =	vld [tilespmem:$0x3650];
	[tilespmem:v9+s18+$0x0] =	vst.idx.msk $0xffff, v22;
	v9 =	vor.u32 $0x181A, v0  }
0x498: {  	v22 =	vld [tilespmem:$0x36D0];
	[tilespmem:v10+s18+$0x0] =	vst.idx.msk $0xffff, v23;
	v10 =	vor.u32 $0x181B, v0  }
0x499: {  	v23 =	vld [tilespmem:$0x3750];
	[tilespmem:v6+s18+$0x0] =	vst.idx.msk $0xffff, v24;
	v6 =	vor.u32 $0x181C, v0  }
0x49a: {  	v24 =	vld [tilespmem:$0x37D0];
	[tilespmem:v7+s18+$0x0] =	vst.idx.msk $0xffff, v25;
	v7 =	vor.u32 $0x181D, v0  }
0x49b: {  	v25 =	vld [tilespmem:$0x3C50];
	[tilespmem:v8+s18+$0x0] =	vst.idx.msk $0xffff, v26;
	v8 =	vor.u32 $0x181E, v0  }
0x49c: {  	v26 =	vld [tilespmem:$0x3CD0];
	[tilespmem:v9+s18+$0x0] =	vst.idx.msk $0xffff, v27;
	v9 =	vor.u32 $0x181F, v0  }
0x49d: {  	v27 =	vld [tilespmem:$0x3D50];
	[tilespmem:v10+s18+$0x0] =	vst.idx.msk $0xffff, v1;
	v10 =	vor.u32 $0x1A00, v0  }
0x49e: {  	v1 =	vld [tilespmem:$0x3DD0];
	[tilespmem:v6+s18+$0x0] =	vst.idx.msk $0xffff, v2;
	v6 =	vor.u32 $0x1A01, v0  }
0x49f: {  	v2 =	vld [tilespmem:$0x3E50];
	[tilespmem:v7+s18+$0x0] =	vst.idx.msk $0xffff, v3;
	v7 =	vor.u32 $0x1A02, v0  }
0x4a0: {  	v3 =	vld [tilespmem:$0x3ED0];
	[tilespmem:v8+s18+$0x0] =	vst.idx.msk $0xffff, v4;
	v8 =	vor.u32 $0x1A03, v0  }
0x4a1: {  	v4 =	vld [tilespmem:$0x3F50];
	[tilespmem:v9+s18+$0x0] =	vst.idx.msk $0xffff, v5;
	v9 =	vor.u32 $0x1A04, v0  }
0x4a2: {  	v5 =	vld [tilespmem:$0x3FD0];
	[tilespmem:v10+s18+$0x0] =	vst.idx.msk $0xffff, v29;
	v10 =	vor.u32 $0x1A05, v0  }
0x4a3: {  	v29 =	vld [tilespmem:$0x2460];
	[tilespmem:v6+s18+$0x0] =	vst.idx.msk $0xffff, v31;
	v6 =	vor.u32 $0x1A06, v0  }
0x4a4: {  	v31 =	vld [tilespmem:$0x24E0];
	[tilespmem:v7+s18+$0x0] =	vst.idx.msk $0xffff, v33;
	v7 =	vor.u32 $0x1A07, v0  }
0x4a5: {  	v33 =	vld [tilespmem:$0x2560];
	[tilespmem:v8+s18+$0x0] =	vst.idx.msk $0xffff, v35;
	v8 =	vor.u32 $0x1A08, v0  }
0x4a6: {  	v35 =	vld [tilespmem:$0x25E0];
	[tilespmem:v9+s18+$0x0] =	vst.idx.msk $0xffff, v37;
	v9 =	vor.u32 $0x1A09, v0  }
0x4a7: {  	v37 =	vld [tilespmem:$0x2660];
	[tilespmem:v10+s18+$0x0] =	vst.idx.msk $0xffff, v28;
	v10 =	vor.u32 $0x1A0A, v0  }
0x4a8: {  	v28 =	vld [tilespmem:$0x26E0];
	[tilespmem:v6+s18+$0x0] =	vst.idx.msk $0xffff, v30;
	v6 =	vor.u32 $0x1A0B, v0  }
0x4a9: {  	v30 =	vld [tilespmem:$0x2760];
	[tilespmem:v7+s18+$0x0] =	vst.idx.msk $0xffff, v32;
	v7 =	vor.u32 $0x1A0C, v0  }
0x4aa: {  	v32 =	vld [tilespmem:$0x27E0];
	[tilespmem:v8+s18+$0x0] =	vst.idx.msk $0xffff, v34;
	v8 =	vor.u32 $0x1A0D, v0  }
0x4ab: {  	v34 =	vld [tilespmem:$0x2C60];
	[tilespmem:v9+s18+$0x0] =	vst.idx.msk $0xffff, v36;
	v9 =	vor.u32 $0x1A0E, v0  }
0x4ac: {  	v36 =	vld [tilespmem:$0x2CE0];
	[tilespmem:v10+s18+$0x0] =	vst.idx.msk $0xffff, v16;
	v10 =	vor.u32 $0x1A0F, v0  }
0x4ad: {  	v16 =	vld [tilespmem:$0x2D60];
	[tilespmem:v6+s18+$0x0] =	vst.idx.msk $0xffff, v17;
	v6 =	vor.u32 $0x1A10, v0  }
0x4ae: {  	v17 =	vld [tilespmem:$0x2DE0];
	[tilespmem:v7+s18+$0x0] =	vst.idx.msk $0xffff, v18;
	v7 =	vor.u32 $0x1A11, v0  }
0x4af: {  	v18 =	vld [tilespmem:$0x2E60];
	[tilespmem:v8+s18+$0x0] =	vst.idx.msk $0xffff, v19;
	v8 =	vor.u32 $0x1A12, v0  }
0x4b0: {  	v19 =	vld [tilespmem:$0x2EE0];
	[tilespmem:v9+s18+$0x0] =	vst.idx.msk $0xffff, v15;
	v9 =	vor.u32 $0x1A13, v0  }
0x4b1: {  	v15 =	vld [tilespmem:$0x2F60];
	[tilespmem:v10+s18+$0x0] =	vst.idx.msk $0xffff, v11;
	v10 =	vor.u32 $0x1A14, v0  }
0x4b2: {  	v11 =	vld [tilespmem:$0x2FE0];
	[tilespmem:v6+s18+$0x0] =	vst.idx.msk $0xffff, v12;
	v6 =	vor.u32 $0x1A15, v0  }
0x4b3: {  	v12 =	vld [tilespmem:$0x3460];
	[tilespmem:v7+s18+$0x0] =	vst.idx.msk $0xffff, v13;
	v7 =	vor.u32 $0x1A16, v0  }
0x4b4: {  	v13 =	vld [tilespmem:$0x34E0];
	[tilespmem:v8+s18+$0x0] =	vst.idx.msk $0xffff, v14;
	v8 =	vor.u32 $0x1A17, v0  }
0x4b5: {  	v14 =	vld [tilespmem:$0x3560];
	[tilespmem:v9+s18+$0x0] =	vst.idx.msk $0xffff, v20;
	v9 =	vor.u32 $0x1A18, v0  }
0x4b6: {  	v20 =	vld [tilespmem:$0x35E0];
	[tilespmem:v10+s18+$0x0] =	vst.idx.msk $0xffff, v21;
	v10 =	vor.u32 $0x1A19, v0  }
0x4b7: {  	v21 =	vld [tilespmem:$0x3660];
	[tilespmem:v6+s18+$0x0] =	vst.idx.msk $0xffff, v22;
	v6 =	vor.u32 $0x1A1A, v0  }
0x4b8: {  	v22 =	vld [tilespmem:$0x36E0];
	[tilespmem:v7+s18+$0x0] =	vst.idx.msk $0xffff, v23;
	v7 =	vor.u32 $0x1A1B, v0  }
0x4b9: {  	v23 =	vld [tilespmem:$0x3760];
	[tilespmem:v8+s18+$0x0] =	vst.idx.msk $0xffff, v24;
	v8 =	vor.u32 $0x1A1C, v0  }
0x4ba: {  	v24 =	vld [tilespmem:$0x37E0];
	[tilespmem:v9+s18+$0x0] =	vst.idx.msk $0xffff, v25;
	v9 =	vor.u32 $0x1A1D, v0  }
0x4bb: {  	v25 =	vld [tilespmem:$0x3C60];
	[tilespmem:v10+s18+$0x0] =	vst.idx.msk $0xffff, v26;
	v10 =	vor.u32 $0x1A1E, v0  }
0x4bc: {  	v26 =	vld [tilespmem:$0x3CE0];
	[tilespmem:v6+s18+$0x0] =	vst.idx.msk $0xffff, v27;
	v6 =	vor.u32 $0x1A1F, v0  }
0x4bd: {  	v27 =	vld [tilespmem:$0x3D60];
	[tilespmem:v7+s18+$0x0] =	vst.idx.msk $0xffff, v1;
	v7 =	vor.u32 $0x1C00, v0  }
0x4be: {  	v1 =	vld [tilespmem:$0x3DE0];
	[tilespmem:v8+s18+$0x0] =	vst.idx.msk $0xffff, v2;
	v8 =	vor.u32 $0x1C01, v0  }
0x4bf: {  	v2 =	vld [tilespmem:$0x3E60];
	[tilespmem:v9+s18+$0x0] =	vst.idx.msk $0xffff, v3;
	v9 =	vor.u32 $0x1C02, v0  }
0x4c0: {  	v3 =	vld [tilespmem:$0x3EE0];
	[tilespmem:v10+s18+$0x0] =	vst.idx.msk $0xffff, v4;
	v10 =	vor.u32 $0x1C03, v0  }
0x4c1: {  	v4 =	vld [tilespmem:$0x3F60];
	[tilespmem:v6+s18+$0x0] =	vst.idx.msk $0xffff, v5;
	v6 =	vor.u32 $0x1C04, v0  }
0x4c2: {  	v5 =	vld [tilespmem:$0x3FE0];
	[tilespmem:v7+s18+$0x0] =	vst.idx.msk $0xffff, v29;
	v7 =	vor.u32 $0x1C05, v0  }
0x4c3: {  	v29 =	vld [tilespmem:$0x2470];
	[tilespmem:v8+s18+$0x0] =	vst.idx.msk $0xffff, v31;
	v8 =	vor.u32 $0x1C06, v0  }
0x4c4: {  	v31 =	vld [tilespmem:$0x24F0];
	[tilespmem:v9+s18+$0x0] =	vst.idx.msk $0xffff, v33;
	v9 =	vor.u32 $0x1C07, v0  }
0x4c5: {  	v33 =	vld [tilespmem:$0x2570];
	[tilespmem:v10+s18+$0x0] =	vst.idx.msk $0xffff, v35;
	v10 =	vor.u32 $0x1C08, v0  }
0x4c6: {  	v35 =	vld [tilespmem:$0x25F0];
	[tilespmem:v6+s18+$0x0] =	vst.idx.msk $0xffff, v37;
	v6 =	vor.u32 $0x1C09, v0  }
0x4c7: {  	v37 =	vld [tilespmem:$0x2670];
	[tilespmem:v7+s18+$0x0] =	vst.idx.msk $0xffff, v28;
	v7 =	vor.u32 $0x1C0A, v0  }
0x4c8: {  	v28 =	vld [tilespmem:$0x26F0];
	[tilespmem:v8+s18+$0x0] =	vst.idx.msk $0xffff, v30;
	v8 =	vor.u32 $0x1C0B, v0  }
0x4c9: {  	v30 =	vld [tilespmem:$0x2770];
	[tilespmem:v9+s18+$0x0] =	vst.idx.msk $0xffff, v32;
	v9 =	vor.u32 $0x1C0C, v0  }
0x4ca: {  	v32 =	vld [tilespmem:$0x27F0];
	[tilespmem:v10+s18+$0x0] =	vst.idx.msk $0xffff, v34;
	v10 =	vor.u32 $0x1C0D, v0  }
0x4cb: {  	v34 =	vld [tilespmem:$0x2C70];
	[tilespmem:v6+s18+$0x0] =	vst.idx.msk $0xffff, v36;
	v6 =	vor.u32 $0x1C0E, v0  }
0x4cc: {  	v36 =	vld [tilespmem:$0x2CF0];
	[tilespmem:v7+s18+$0x0] =	vst.idx.msk $0xffff, v16;
	v7 =	vor.u32 $0x1C0F, v0  }
0x4cd: {  	v16 =	vld [tilespmem:$0x2D70];
	[tilespmem:v8+s18+$0x0] =	vst.idx.msk $0xffff, v17;
	v8 =	vor.u32 $0x1C10, v0  }
0x4ce: {  	v17 =	vld [tilespmem:$0x2DF0];
	[tilespmem:v9+s18+$0x0] =	vst.idx.msk $0xffff, v18;
	v9 =	vor.u32 $0x1C11, v0  }
0x4cf: {  	v18 =	vld [tilespmem:$0x2E70];
	[tilespmem:v10+s18+$0x0] =	vst.idx.msk $0xffff, v19;
	v10 =	vor.u32 $0x1C12, v0  }
0x4d0: {  	v19 =	vld [tilespmem:$0x2EF0];
	[tilespmem:v6+s18+$0x0] =	vst.idx.msk $0xffff, v15;
	v6 =	vor.u32 $0x1C13, v0  }
0x4d1: {  	v15 =	vld [tilespmem:$0x2F70];
	[tilespmem:v7+s18+$0x0] =	vst.idx.msk $0xffff, v11;
	v7 =	vor.u32 $0x1C14, v0  }
0x4d2: {  	v11 =	vld [tilespmem:$0x2FF0];
	[tilespmem:v8+s18+$0x0] =	vst.idx.msk $0xffff, v12;
	v8 =	vor.u32 $0x1C15, v0  }
0x4d3: {  	v12 =	vld [tilespmem:$0x3470];
	[tilespmem:v9+s18+$0x0] =	vst.idx.msk $0xffff, v13;
	v9 =	vor.u32 $0x1C16, v0  }
0x4d4: {  	v13 =	vld [tilespmem:$0x34F0];
	[tilespmem:v10+s18+$0x0] =	vst.idx.msk $0xffff, v14;
	v10 =	vor.u32 $0x1C17, v0  }
0x4d5: {  	v14 =	vld [tilespmem:$0x3570];
	[tilespmem:v6+s18+$0x0] =	vst.idx.msk $0xffff, v20;
	v6 =	vor.u32 $0x1C18, v0  }
0x4d6: {  	v20 =	vld [tilespmem:$0x35F0];
	[tilespmem:v7+s18+$0x0] =	vst.idx.msk $0xffff, v21;
	v7 =	vor.u32 $0x1C19, v0  }
0x4d7: {  	v21 =	vld [tilespmem:$0x3670];
	[tilespmem:v8+s18+$0x0] =	vst.idx.msk $0xffff, v22;
	v8 =	vor.u32 $0x1C1A, v0  }
0x4d8: {  	v22 =	vld [tilespmem:$0x36F0];
	[tilespmem:v9+s18+$0x0] =	vst.idx.msk $0xffff, v23;
	v9 =	vor.u32 $0x1C1B, v0  }
0x4d9: {  	v23 =	vld [tilespmem:$0x3770];
	[tilespmem:v10+s18+$0x0] =	vst.idx.msk $0xffff, v24;
	v10 =	vor.u32 $0x1C1C, v0  }
0x4da: {  	v24 =	vld [tilespmem:$0x37F0];
	[tilespmem:v6+s18+$0x0] =	vst.idx.msk $0xffff, v25;
	v6 =	vor.u32 $0x1C1D, v0  }
0x4db: {  	v25 =	vld [tilespmem:$0x3C70];
	[tilespmem:v7+s18+$0x0] =	vst.idx.msk $0xffff, v26;
	v7 =	vor.u32 $0x1C1E, v0  }
0x4dc: {  	v26 =	vld [tilespmem:$0x3CF0];
	[tilespmem:v8+s18+$0x0] =	vst.idx.msk $0xffff, v27;
	v8 =	vor.u32 $0x1C1F, v0  }
0x4dd: {  	v27 =	vld [tilespmem:$0x3D70];
	[tilespmem:v9+s18+$0x0] =	vst.idx.msk $0xffff, v1;
	v9 =	vor.u32 $0x1E00, v0  }
0x4de: {  	v1 =	vld [tilespmem:$0x3DF0];
	[tilespmem:v10+s18+$0x0] =	vst.idx.msk $0xffff, v2;
	v10 =	vor.u32 $0x1E01, v0  }
0x4df: {  	v2 =	vld [tilespmem:$0x3E70];
	[tilespmem:v6+s18+$0x0] =	vst.idx.msk $0xffff, v3;
	v6 =	vor.u32 $0x1E02, v0  }
0x4e0: {  	v3 =	vld [tilespmem:$0x3EF0];
	[tilespmem:v7+s18+$0x0] =	vst.idx.msk $0xffff, v4;
	v7 =	vor.u32 $0x1E03, v0  }
0x4e1: {  	v4 =	vld [tilespmem:$0x3F70];
	[tilespmem:v8+s18+$0x0] =	vst.idx.msk $0xffff, v5;
	v8 =	vor.u32 $0x1E04, v0  }
0x4e2: {  	v5 =	vld [tilespmem:$0x3FF0];
	[tilespmem:v9+s18+$0x0] =	vst.idx.msk $0xffff, v29;
	v29 =	vor.u32 $0x1E05, v0  }
0x4e3: {  	[tilespmem:v10+s18+$0x0] =	vst.idx.msk $0xffff, v31;
	v31 =	vor.u32 $0x1E06, v0  }
0x4e4: {  	[tilespmem:v6+s18+$0x0] =	vst.idx.msk $0xffff, v33;
	v33 =	vor.u32 $0x1E07, v0  }
0x4e5: {  	[tilespmem:v7+s18+$0x0] =	vst.idx.msk $0xffff, v35;
	v35 =	vor.u32 $0x1E08, v0  }
0x4e6: {  	[tilespmem:v8+s18+$0x0] =	vst.idx.msk $0xffff, v37;
	v37 =	vor.u32 $0x1E09, v0  }
0x4e7: {  	[tilespmem:v29+s18+$0x0] =	vst.idx.msk $0xffff, v28;
	v29 =	vor.u32 $0x1E0A, v0  }
0x4e8: {  	[tilespmem:v31+s18+$0x0] =	vst.idx.msk $0xffff, v30;
	v31 =	vor.u32 $0x1E0B, v0  }
0x4e9: {  	[tilespmem:v33+s18+$0x0] =	vst.idx.msk $0xffff, v32;
	v32 =	vor.u32 $0x1E0C, v0  }
0x4ea: {  	v33 =	vor.u32 $0x1E0D, v0;
	[tilespmem:v35+s18+$0x0] =	vst.idx.msk $0xffff, v34  }
0x4eb: {  	v34 =	vor.u32 $0x1E0E, v0;
	[tilespmem:v37+s18+$0x0] =	vst.idx.msk $0xffff, v36  }
0x4ec: {  	v35 =	vor.u32 $0x1E0F, v0;
	[tilespmem:v29+s18+$0x0] =	vst.idx.msk $0xffff, v16  }
0x4ed: {  	v36 =	vor.u32 $0x1E10, v0;
	[tilespmem:v31+s18+$0x0] =	vst.idx.msk $0xffff, v17  }
0x4ee: {  	v37 =	vor.u32 $0x1E11, v0;
	[tilespmem:v32+s18+$0x0] =	vst.idx.msk $0xffff, v18  }
0x4ef: {  	v16 =	vor.u32 $0x1E12, v0;
	[tilespmem:v33+s18+$0x0] =	vst.idx.msk $0xffff, v19  }
0x4f0: {  	v17 =	vor.u32 $0x1E13, v0;
	[tilespmem:v34+s18+$0x0] =	vst.idx.msk $0xffff, v15  }
0x4f1: {  	v18 =	vor.u32 $0x1E14, v0;
	[tilespmem:v35+s18+$0x0] =	vst.idx.msk $0xffff, v11  }
0x4f2: {  	v19 =	vor.u32 $0x1E15, v0;
	[tilespmem:v36+s18+$0x0] =	vst.idx.msk $0xffff, v12  }
0x4f3: {  	v28 =	vor.u32 $0x1E16, v0;
	[tilespmem:v37+s18+$0x0] =	vst.idx.msk $0xffff, v13  }
0x4f4: {  	v29 =	vor.u32 $0x1E17, v0;
	[tilespmem:v16+s18+$0x0] =	vst.idx.msk $0xffff, v14  }
0x4f5: {  	v30 =	vor.u32 $0x1E18, v0;
	[tilespmem:v17+s18+$0x0] =	vst.idx.msk $0xffff, v20  }
0x4f6: {  	v31 =	vor.u32 $0x1E19, v0;
	[tilespmem:v18+s18+$0x0] =	vst.idx.msk $0xffff, v21  }
0x4f7: {  	v32 =	vor.u32 $0x1E1A, v0;
	[tilespmem:v19+s18+$0x0] =	vst.idx.msk $0xffff, v22  }
0x4f8: {  	v33 =	vor.u32 $0x1E1B, v0;
	[tilespmem:v28+s18+$0x0] =	vst.idx.msk $0xffff, v23  }
0x4f9: {  	v34 =	vor.u32 $0x1E1C, v0;
	[tilespmem:v29+s18+$0x0] =	vst.idx.msk $0xffff, v24  }
0x4fa: {  	v35 =	vor.u32 $0x1E1D, v0;
	[tilespmem:v30+s18+$0x0] =	vst.idx.msk $0xffff, v25  }
0x4fb: {  	v36 =	vor.u32 $0x1E1E, v0;
	[tilespmem:v31+s18+$0x0] =	vst.idx.msk $0xffff, v26  }
0x4fc: {  	v37 =	vor.u32 $0x1E1F, v0;
	[tilespmem:v32+s18+$0x0] =	vst.idx.msk $0xffff, v27  }
0x4fd: {  	[tilespmem:v33+s18+$0x0] =	vst.idx.msk $0xffff, v1  }
0x4fe: {  	[tilespmem:v34+s18+$0x0] =	vst.idx.msk $0xffff, v2  }
0x4ff: {  	[tilespmem:v35+s18+$0x0] =	vst.idx.msk $0xffff, v3  }
.Ltmp6:
0x500: {  	p1 =	sgt.u32 s22, $0xEE1;
	[tilespmem:v36+s18+$0x0] =	vst.idx.msk $0xffff, v4;
	(pc) =	sbr.rel .LBB2_6-.Ltmp6, $4  }
0x501: {  	s31 =	sadd.s32 $0x8000, s23;
	s25 =	sadd.s32 @!p1 s24, s10;
	s26 =	simm.s32 @!p1 $0x800;
	[tilespmem:v37+s18+$0x0] =	vst.idx.msk $0xffff, v5  }
0x502: {  	[hbm4b:s31+s3] =	stream.linear.scatter [tilespmem:s18], [sflag:$0x4], $0x2000, $0x38;
	[tilespmem:$0x8000] =	vst v63  }
0x503: {  	s28 =	simm.s32 @!p1 $0x7A1400;
	s29 =	simm.s32 @!p1 $0x2000;
	s25 =	sadd.s32 @!p1 $0x6000, s25  }
0x504: {  	[tilespmem:s29], [sflag:$0x2] =	stream.strided.gather @!p1 [hbm4b:s25+s26], $0x2000, s28, s26, $0x38;
	[tilespmem:$0x8000] =	vst v63  }
.LBB2_8:
0x505: {  	_ =	sfence.sel $0x180000  }
0x506: {  	[bflag:$0x0] =	sbarrier.arrive $0xFFFF  }
0x507: {  	p0 =	sne.s32 s1, $0x0;
	_ =	strace $0x90000047  }
0x508: {  	s0 =	sadd.s32 @!p0 $0x100000, s2;
	[bflag:$0x2] =	sbarrier.arrive $0xFFFF  }
0x509: {  	[sflag:s0] =	ssyncadd.tile.s32 @!p0 $0x1;
	_ =	shalt  }
.Lfunc_end2:
_tile_overlayer_lowered:
.L_overlay_start_2:
0x50a: {  	(tag) =	ssettag $0x2  }
0x50b: {  	s0 =	rddreg [dreg:$0x0];
	s2 =	stileid.u32  }
0x50c: {  	s1 =	rddreg [dreg:$0x1];
	p0 =	sne.s32 s2, $0x0  }
0x50d: {  	s3 =	rddreg [dreg:$0x2];
	[bflag:$0x3] =	sbarrier.arrive $0xFFFF;
	s2 =	simm.s32 @!p0 $0x1C05  }
0x50e: {  	[timem:s3], [sflag:s2] =	dma.local @!p0 [hbm:s0], s1  }
0x50f: {  	s0 =	simm.s32 @!p0 $0x5  }
0x510: {  	_ =	swait.ge @!p0 [sflag:s0], s1  }
0x511: {  	s1 =	ssub.s32 @!p0 $0x0, s1;
	[sflag:s0] =	ssyncset.done @!p0 $0x0  }
0x512: {  	[sflag:s0] =	ssyncadd.s32 @!p0 s1  }
0x513: {  	[bflag:$0x3] =	sbarrier.arrive $0xFFFF  }
0x514: {  	_ =	shalt  }

</sc_bundles>
